<compile_context>
chip_gen: v7x
topology: tpu7x:2x2x1
jax: 0.10.2.dev20260603
libtpu: 0.0.44.dev20260713+nightly
codegen_flags: <defaults>
</compile_context>

<pallas_src>
import functools

import jax
import jax.numpy as jnp
from jax import lax
from jax.experimental import pallas as pl
from jax.experimental.pallas import tpu as pltpu
from jax.experimental.pallas import tpu_sc as plsc

VOCAB = 30522
HIDDEN = 768
HALF = HIDDEN // 2
SEQ = 128
BATCH = 1024
OUT = 256

NW = 32
CHUNK = 128

G = 4
SEQ_G = SEQ // G
ROWS_G = SEQ_G * BATCH
BPW_G = ROWS_G // NW
NCH_G = BPW_G // CHUNK


def _gather_body(tok_hbm, table_hbm, out_hbm, idx_v, rows_a, rows_b,
                 sem_ga, sem_gb, sem_sa, sem_sb):
    wid = lax.axis_index("s") * 2 + lax.axis_index("c")
    base = wid * BPW_G
    pltpu.sync_copy(tok_hbm.at[wid], idx_v)

    def g(j, buf, sem):
        return pltpu.make_async_copy(table_hbm.at[idx_v.at[j]], buf, sem)

    def sc(j, buf, sem):
        return pltpu.make_async_copy(
            buf, out_hbm.at[pl.ds(base + j * CHUNK, CHUNK)], sem)

    g(0, rows_a, sem_ga).start()

    def pair(m, _):
        j = 2 * m
        g(j, rows_a, sem_ga).wait()
        sc(j, rows_a, sem_sa).start()

        @pl.when(m > 0)
        def _():
            sc(j - 1, rows_b, sem_sb).wait()
        g(j + 1, rows_b, sem_gb).start()

        g(j + 1, rows_b, sem_gb).wait()
        sc(j + 1, rows_b, sem_sb).start()
        sc(j, rows_a, sem_sa).wait()

        @pl.when(m + 1 < NCH_G // 2)
        def _():
            g(j + 2, rows_a, sem_ga).start()
        return 0

    lax.fori_loop(0, NCH_G // 2, pair, 0, unroll=False)
    sc(NCH_G - 1, rows_b, sem_sb).wait()


@functools.lru_cache(maxsize=None)
def _make_gather():
    return pl.kernel(
        _gather_body,
        out_type=jax.ShapeDtypeStruct((ROWS_G, HALF), jnp.int32),
        mesh=plsc.VectorSubcoreMesh(core_axis_name="c", subcore_axis_name="s"),
        scratch_types=[
            pltpu.VMEM((NCH_G, CHUNK), jnp.int32),
            pltpu.VMEM((CHUNK, HALF), jnp.int32),
            pltpu.VMEM((CHUNK, HALF), jnp.int32),
            pltpu.SemaphoreType.DMA,
            pltpu.SemaphoreType.DMA,
            pltpu.SemaphoreType.DMA,
            pltpu.SemaphoreType.DMA,
        ],
    )


def _mm_body(a_ref, w_ref, prev_ref, o_ref):
    s = pl.program_id(0)

    @pl.when(s == 0)
    def _():
        o_ref[...] = prev_ref[...]

    a32 = a_ref[...]
    lo = lax.bitcast_convert_type(a32 << 16, jnp.float32)
    hi = lax.bitcast_convert_type(a32 & jnp.int32(-65536),
                                  jnp.float32)
    o_ref[...] += jnp.dot(lo, w_ref[:HALF],
                          preferred_element_type=jnp.float32)
    o_ref[...] += jnp.dot(hi, w_ref[HALF:],
                          preferred_element_type=jnp.float32)


def _matmul_group(g, a, w, prev):
    return pl.pallas_call(
        _mm_body,
        grid=(SEQ_G,),
        in_specs=[
            pl.BlockSpec((BATCH, HALF), lambda s: (s, 0)),
            pl.BlockSpec((HIDDEN, OUT), lambda s, g=g: (g * SEQ_G + s, 0)),
            pl.BlockSpec((BATCH, OUT), lambda s: (0, 0)),
        ],
        out_specs=pl.BlockSpec((BATCH, OUT), lambda s: (0, 0)),
        out_shape=jax.ShapeDtypeStruct((BATCH, OUT), jnp.float32),
    )(a, w, prev)


def _pack_table(table):
    pair = jnp.stack([table[:, :HALF], table[:, HALF:]], axis=-1)
    return lax.bitcast_convert_type(pair.astype(jnp.bfloat16), jnp.int32)


def kernel(tokens, table, W, b):
    tok_t = tokens.T.astype(jnp.int32)
    table_pk = _pack_table(table)
    gather = _make_gather()
    acc = jnp.broadcast_to(b[None, :], (BATCH, OUT))
    for g in range(G):
        tok_g = tok_t[g * SEQ_G:(g + 1) * SEQ_G].reshape(NW, NCH_G, CHUNK)
        emb_g = gather(tok_g, table_pk)
        acc = _matmul_group(g, emb_g, W, acc)
    return acc

# --- scband reference (transcript-rebuilt; emitter-appended) ---
"""Pipeline reference for scband-bert-embeddings-74277164417568 (READ-ONLY COPY).

The authoritative reference and input builder live on the scoring server;
editing this copy changes nothing except your own understanding.
"""

import jax, jax.numpy as jnp
import numpy as np

VOCAB = 30522
HIDDEN = 768
SEQ_DIM = 128
OUT_DIM = 256
BATCH = 1024

def setup_inputs(seed: int = 0) -> dict:
    key = jax.random.key(seed)
    k1, k2, k3, k4 = jax.random.split(key, 4)
    tokens = jax.random.randint(k1, (BATCH, SEQ_DIM), 0, VOCAB, dtype=jnp.int64) if jax.config.jax_enable_x64 else jax.random.randint(k1, (BATCH, SEQ_DIM), 0, VOCAB, dtype=jnp.int32)
    table = jax.random.normal(k2, (VOCAB, HIDDEN), dtype=jnp.float32) * 0.02
    W = jax.random.normal(k3, (SEQ_DIM * HIDDEN, OUT_DIM), dtype=jnp.float32) * (1.0 / np.sqrt(SEQ_DIM * HIDDEN))
    b = jax.random.normal(k4, (OUT_DIM,), dtype=jnp.float32) * 0.01
    return {"tokens": tokens, "table": table, "W": W, "b": b}

def reference(tokens, table, W, b):
    # embedding lookup (bert.get_input_embeddings()(tokens))
    emb = jnp.take(table, tokens, axis=0)            # [B, S, H]
    # Flatten(start_dim=1)
    flat = emb.reshape(emb.shape[0], -1)             # [B, S*H]
    # Linear(S*H -> out_dim)
    out = flat @ W + b                               # [B, out_dim]
    return out

if __name__ == "__main__":
    import jax
    _d = setup_inputs()
    print(jax.jit(kernel)(*tuple(_d.values())))

</pallas_src>

<mosaic_0001>
#map = affine_map<(d0, d1) -> (0, 0, 0)>
#map1 = affine_map<(d0, d1) -> (0, 0)>
module attributes {stable_mosaic.version = 14 : i64} {
  func.func @_gather_body(%arg0: i32, %arg1: i32, %arg2: memref<32x8x128xi32, #tpu.memory_space<hbm>>, %arg3: memref<30522x384xi32, #tpu.memory_space<hbm>>, %arg4: memref<32768x384xi32, #tpu.memory_space<hbm>>, %arg5: memref<8x128xi32, #tpu.memory_space<vmem>>, %arg6: memref<128x384xi32, #tpu.memory_space<vmem>>, %arg7: memref<128x384xi32, #tpu.memory_space<vmem>>, %arg8: memref<!tpu.dma_semaphore, #tpu.memory_space<semaphore_mem>>, %arg9: memref<!tpu.dma_semaphore, #tpu.memory_space<semaphore_mem>>, %arg10: memref<!tpu.dma_semaphore, #tpu.memory_space<semaphore_mem>>, %arg11: memref<!tpu.dma_semaphore, #tpu.memory_space<semaphore_mem>>) attributes {dimension_semantics = [#tpu.dimension_semantics<core_parallel>, #tpu.dimension_semantics<subcore_parallel>], iteration_bounds = array<i64: 2, 16>, scalar_prefetch = 0 : i64, scratch_operands = 7 : i64, tpu.core_type = #tpu.core_type<sc_vector_subcore>, window_params = [{transform_indices = #map}, {transform_indices = #map1}, {transform_indices = #map1}]} {
    %mul3A = arith.constant 2 : i32
    %mul3A_0 = arith.muli %arg1, %mul3A : i32
    %add3A = arith.addi %mul3A_0, %arg0 : i32
    %mul3A_1 = arith.constant 1024 : i32
    %mul3A_2 = arith.muli %add3A, %mul3A_1 : i32
    "tpu.region"() ({
      %run_scoped3A = tpu.sem_alloc : memref<!tpu.dma_semaphore, #tpu.memory_space<semaphore_mem>>
      %dma_start3A_20 = arith.constant 0 : i32
      %dma_start3A_21 = arith.constant 0 : i32
      %dma_start3A_22 = tpu.memref_slice %arg2[%add3A, %dma_start3A_20, %dma_start3A_21] : memref<32x8x128xi32, #tpu.memory_space<hbm>> -> memref<1x8x128xi32, #tpu.memory_space<hbm>>
      %dma_start3A_23 = tpu.memref_squeeze %dma_start3A_22 : memref<1x8x128xi32, #tpu.memory_space<hbm>> -> memref<8x128xi32, #tpu.memory_space<hbm>>
      %dma_start3A_24 = arith.constant 0 : i32
      %dma_start3A_25 = arith.constant 0 : i32
      %dma_start3A_26 = tpu.memref_slice %arg2[%add3A, %dma_start3A_24, %dma_start3A_25] : memref<32x8x128xi32, #tpu.memory_space<hbm>> -> memref<1x8x128xi32, #tpu.memory_space<hbm>>
      %dma_start3A_27 = tpu.memref_squeeze %dma_start3A_26 : memref<1x8x128xi32, #tpu.memory_space<hbm>> -> memref<8x128xi32, #tpu.memory_space<hbm>>
      tpu.enqueue_dma source(%dma_start3A_27 : memref<8x128xi32, #tpu.memory_space<hbm>>) target(%arg5 : memref<8x128xi32, #tpu.memory_space<vmem>>) target_semaphore(%run_scoped3A : memref<!tpu.dma_semaphore, #tpu.memory_space<semaphore_mem>>)
      %dma_wait3A_28 = arith.constant 0 : i32
      %dma_wait3A_29 = arith.constant 0 : i32
      %dma_wait3A_30 = tpu.memref_slice %arg2[%add3A, %dma_wait3A_28, %dma_wait3A_29] : memref<32x8x128xi32, #tpu.memory_space<hbm>> -> memref<1x8x128xi32, #tpu.memory_space<hbm>>
      %dma_wait3A_31 = tpu.memref_squeeze %dma_wait3A_30 : memref<1x8x128xi32, #tpu.memory_space<hbm>> -> memref<8x128xi32, #tpu.memory_space<hbm>>
      %dma_wait3A_32 = arith.constant 0 : i32
      %dma_wait3A_33 = arith.constant 0 : i32
      %dma_wait3A_34 = tpu.memref_slice %arg2[%add3A, %dma_wait3A_32, %dma_wait3A_33] : memref<32x8x128xi32, #tpu.memory_space<hbm>> -> memref<1x8x128xi32, #tpu.memory_space<hbm>>
      %dma_wait3A_35 = tpu.memref_squeeze %dma_wait3A_34 : memref<1x8x128xi32, #tpu.memory_space<hbm>> -> memref<8x128xi32, #tpu.memory_space<hbm>>
      tpu.wait_dma2 semaphore(%run_scoped3A : memref<!tpu.dma_semaphore, #tpu.memory_space<semaphore_mem>>) src(%dma_wait3A_35 : memref<8x128xi32, #tpu.memory_space<hbm>>) dst(%arg5 : memref<8x128xi32, #tpu.memory_space<vmem>>)
      tpu.yield
    }) : () -> ()
    %dma_start3A = arith.constant 0 : i32
    %dma_start3A_3 = arith.constant 0 : i32
    %dma_start3A_4 = tpu.memref_slice %arg5[%dma_start3A, %dma_start3A_3] : memref<8x128xi32, #tpu.memory_space<vmem>> -> memref<1x128xi32, #tpu.memory_space<vmem>>
    %dma_start3A_5 = tpu.memref_squeeze %dma_start3A_4 : memref<1x128xi32, #tpu.memory_space<vmem>> -> memref<128xi32, #tpu.memory_space<vmem>>
    %dma_start3A_6 = arith.constant 0 : i32
    %dma_start3A_7 = arith.constant 0 : i32
    %dma_start3A_8 = tpu.memref_slice %arg3[%dma_start3A_6, %dma_start3A_7] : memref<30522x384xi32, #tpu.memory_space<hbm>> -> memref<30522x384xi32, #tpu.memory_space<hbm>>
    tpu.enqueue_indirect_dma source(%dma_start3A_8 : memref<30522x384xi32, #tpu.memory_space<hbm>>) target(%arg6 : memref<128x384xi32, #tpu.memory_space<vmem>>) offsets(%dma_start3A_5 : memref<128xi32, #tpu.memory_space<vmem>>) semaphore(%arg8 : memref<!tpu.dma_semaphore, #tpu.memory_space<semaphore_mem>>)
    %scan3A = arith.constant 0 : i32
    %scan3A_9 = arith.constant 0 : i32
    %scan3A_10 = arith.constant 4 : i32
    %scan3A_11 = arith.addi %scan3A_9, %scan3A_10 : i32
    %scan3A_12 = arith.constant 1 : i32
    %scan3A_13 = scf.for %scan3A_20 = %scan3A_9 to %scan3A_11 step %scan3A_12 iter_args(%scan3A_21 = %scan3A) -> (i32)  : i32 {
      %mul3A_22 = arith.constant 2 : i32
      %mul3A_23 = arith.muli %mul3A_22, %scan3A_20 : i32
      %dma_wait3A_24 = arith.constant 0 : i32
      %dma_wait3A_25 = tpu.memref_slice %arg5[%mul3A_23, %dma_wait3A_24] : memref<8x128xi32, #tpu.memory_space<vmem>> -> memref<1x128xi32, #tpu.memory_space<vmem>>
      %dma_wait3A_26 = tpu.memref_squeeze %dma_wait3A_25 : memref<1x128xi32, #tpu.memory_space<vmem>> -> memref<128xi32, #tpu.memory_space<vmem>>
      %dma_wait3A_27 = arith.constant 0 : i32
      %dma_wait3A_28 = arith.constant 0 : i32
      %dma_wait3A_29 = tpu.memref_slice %arg3[%dma_wait3A_27, %dma_wait3A_28] : memref<30522x384xi32, #tpu.memory_space<hbm>> -> memref<30522x384xi32, #tpu.memory_space<hbm>>
      tpu.wait_indirect_dma semaphore(%arg8 : memref<!tpu.dma_semaphore, #tpu.memory_space<semaphore_mem>>) src(%dma_wait3A_29 : memref<30522x384xi32, #tpu.memory_space<hbm>>) dst(%arg6 : memref<128x384xi32, #tpu.memory_space<vmem>>)
      %mul3A_30 = arith.constant 128 : i32
      %mul3A_31 = arith.muli %mul3A_23, %mul3A_30 : i32
      %add3A_32 = arith.addi %mul3A_2, %mul3A_31 : i32
      %dma_start3A_33 = arith.constant 0 : i32
      %dma_start3A_34 = tpu.memref_slice %arg4[%add3A_32, %dma_start3A_33] : memref<32768x384xi32, #tpu.memory_space<hbm>> -> memref<128x384xi32, #tpu.memory_space<hbm>>
      %dma_start3A_35 = arith.constant 0 : i32
      %dma_start3A_36 = tpu.memref_slice %arg4[%add3A_32, %dma_start3A_35] : memref<32768x384xi32, #tpu.memory_space<hbm>> -> memref<128x384xi32, #tpu.memory_space<hbm>>
      tpu.enqueue_dma source(%arg6 : memref<128x384xi32, #tpu.memory_space<vmem>>) target(%dma_start3A_36 : memref<128x384xi32, #tpu.memory_space<hbm>>) target_semaphore(%arg10 : memref<!tpu.dma_semaphore, #tpu.memory_space<semaphore_mem>>)
      %gt3A = arith.constant 0 : i32
      %gt3A_37 = arith.cmpi sgt, %scan3A_20, %gt3A : i32
      %convert_element_type3A = arith.extui %gt3A_37 : i1 to i32
      %cond3A = arith.constant 0 : i32
      %cond3A_38 = arith.cmpi ne, %convert_element_type3A, %cond3A : i32
      scf.if %cond3A_38 {
        %sub3A = arith.constant 1 : i32
        %sub3A_78 = arith.subi %mul3A_23, %sub3A : i32
        %mul3A_79 = arith.constant 128 : i32
        %mul3A_80 = arith.muli %sub3A_78, %mul3A_79 : i32
        %add3A_81 = arith.addi %mul3A_2, %mul3A_80 : i32
        %dma_wait3A_82 = arith.constant 0 : i32
        %dma_wait3A_83 = tpu.memref_slice %arg4[%add3A_81, %dma_wait3A_82] : memref<32768x384xi32, #tpu.memory_space<hbm>> -> memref<128x384xi32, #tpu.memory_space<hbm>>
        %dma_wait3A_84 = arith.constant 0 : i32
        %dma_wait3A_85 = tpu.memref_slice %arg4[%add3A_81, %dma_wait3A_84] : memref<32768x384xi32, #tpu.memory_space<hbm>> -> memref<128x384xi32, #tpu.memory_space<hbm>>
        tpu.wait_dma2 semaphore(%arg11 : memref<!tpu.dma_semaphore, #tpu.memory_space<semaphore_mem>>) src(%arg7 : memref<128x384xi32, #tpu.memory_space<vmem>>) dst(%dma_wait3A_85 : memref<128x384xi32, #tpu.memory_space<hbm>>)
      } else {
      }
      %add3A_39 = arith.constant 1 : i32
      %add3A_40 = arith.addi %mul3A_23, %add3A_39 : i32
      %dma_start3A_41 = arith.constant 0 : i32
      %dma_start3A_42 = tpu.memref_slice %arg5[%add3A_40, %dma_start3A_41] : memref<8x128xi32, #tpu.memory_space<vmem>> -> memref<1x128xi32, #tpu.memory_space<vmem>>
      %dma_start3A_43 = tpu.memref_squeeze %dma_start3A_42 : memref<1x128xi32, #tpu.memory_space<vmem>> -> memref<128xi32, #tpu.memory_space<vmem>>
      %dma_start3A_44 = arith.constant 0 : i32
      %dma_start3A_45 = arith.constant 0 : i32
      %dma_start3A_46 = tpu.memref_slice %arg3[%dma_start3A_44, %dma_start3A_45] : memref<30522x384xi32, #tpu.memory_space<hbm>> -> memref<30522x384xi32, #tpu.memory_space<hbm>>
      tpu.enqueue_indirect_dma source(%dma_start3A_46 : memref<30522x384xi32, #tpu.memory_space<hbm>>) target(%arg7 : memref<128x384xi32, #tpu.memory_space<vmem>>) offsets(%dma_start3A_43 : memref<128xi32, #tpu.memory_space<vmem>>) semaphore(%arg9 : memref<!tpu.dma_semaphore, #tpu.memory_space<semaphore_mem>>)
      %add3A_47 = arith.constant 1 : i32
      %add3A_48 = arith.addi %mul3A_23, %add3A_47 : i32
      %dma_wait3A_49 = arith.constant 0 : i32
      %dma_wait3A_50 = tpu.memref_slice %arg5[%add3A_48, %dma_wait3A_49] : memref<8x128xi32, #tpu.memory_space<vmem>> -> memref<1x128xi32, #tpu.memory_space<vmem>>
      %dma_wait3A_51 = tpu.memref_squeeze %dma_wait3A_50 : memref<1x128xi32, #tpu.memory_space<vmem>> -> memref<128xi32, #tpu.memory_space<vmem>>
      %dma_wait3A_52 = arith.constant 0 : i32
      %dma_wait3A_53 = arith.constant 0 : i32
      %dma_wait3A_54 = tpu.memref_slice %arg3[%dma_wait3A_52, %dma_wait3A_53] : memref<30522x384xi32, #tpu.memory_space<hbm>> -> memref<30522x384xi32, #tpu.memory_space<hbm>>
      tpu.wait_indirect_dma semaphore(%arg9 : memref<!tpu.dma_semaphore, #tpu.memory_space<semaphore_mem>>) src(%dma_wait3A_54 : memref<30522x384xi32, #tpu.memory_space<hbm>>) dst(%arg7 : memref<128x384xi32, #tpu.memory_space<vmem>>)
      %add3A_55 = arith.constant 1 : i32
      %add3A_56 = arith.addi %mul3A_23, %add3A_55 : i32
      %mul3A_57 = arith.constant 128 : i32
      %mul3A_58 = arith.muli %add3A_56, %mul3A_57 : i32
      %add3A_59 = arith.addi %mul3A_2, %mul3A_58 : i32
      %dma_start3A_60 = arith.constant 0 : i32
      %dma_start3A_61 = tpu.memref_slice %arg4[%add3A_59, %dma_start3A_60] : memref<32768x384xi32, #tpu.memory_space<hbm>> -> memref<128x384xi32, #tpu.memory_space<hbm>>
      %dma_start3A_62 = arith.constant 0 : i32
      %dma_start3A_63 = tpu.memref_slice %arg4[%add3A_59, %dma_start3A_62] : memref<32768x384xi32, #tpu.memory_space<hbm>> -> memref<128x384xi32, #tpu.memory_space<hbm>>
      tpu.enqueue_dma source(%arg7 : memref<128x384xi32, #tpu.memory_space<vmem>>) target(%dma_start3A_63 : memref<128x384xi32, #tpu.memory_space<hbm>>) target_semaphore(%arg11 : memref<!tpu.dma_semaphore, #tpu.memory_space<semaphore_mem>>)
      %mul3A_64 = arith.constant 128 : i32
      %mul3A_65 = arith.muli %mul3A_23, %mul3A_64 : i32
      %add3A_66 = arith.addi %mul3A_2, %mul3A_65 : i32
      %dma_wait3A_67 = arith.constant 0 : i32
      %dma_wait3A_68 = tpu.memref_slice %arg4[%add3A_66, %dma_wait3A_67] : memref<32768x384xi32, #tpu.memory_space<hbm>> -> memref<128x384xi32, #tpu.memory_space<hbm>>
      %dma_wait3A_69 = arith.constant 0 : i32
      %dma_wait3A_70 = tpu.memref_slice %arg4[%add3A_66, %dma_wait3A_69] : memref<32768x384xi32, #tpu.memory_space<hbm>> -> memref<128x384xi32, #tpu.memory_space<hbm>>
      tpu.wait_dma2 semaphore(%arg10 : memref<!tpu.dma_semaphore, #tpu.memory_space<semaphore_mem>>) src(%arg6 : memref<128x384xi32, #tpu.memory_space<vmem>>) dst(%dma_wait3A_70 : memref<128x384xi32, #tpu.memory_space<hbm>>)
      %add3A_71 = arith.constant 1 : i32
      %add3A_72 = arith.addi %scan3A_20, %add3A_71 : i32
      %lt3A = arith.constant 4 : i32
      %lt3A_73 = arith.cmpi slt, %add3A_72, %lt3A : i32
      %convert_element_type3A_74 = arith.extui %lt3A_73 : i1 to i32
      %cond3A_75 = arith.constant 0 : i32
      %cond3A_76 = arith.cmpi ne, %convert_element_type3A_74, %cond3A_75 : i32
      scf.if %cond3A_76 {
        %add3A_78 = arith.constant 2 : i32
        %add3A_79 = arith.addi %mul3A_23, %add3A_78 : i32
        %dma_start3A_80 = arith.constant 0 : i32
        %dma_start3A_81 = tpu.memref_slice %arg5[%add3A_79, %dma_start3A_80] : memref<8x128xi32, #tpu.memory_space<vmem>> -> memref<1x128xi32, #tpu.memory_space<vmem>>
        %dma_start3A_82 = tpu.memref_squeeze %dma_start3A_81 : memref<1x128xi32, #tpu.memory_space<vmem>> -> memref<128xi32, #tpu.memory_space<vmem>>
        %dma_start3A_83 = arith.constant 0 : i32
        %dma_start3A_84 = arith.constant 0 : i32
        %dma_start3A_85 = tpu.memref_slice %arg3[%dma_start3A_83, %dma_start3A_84] : memref<30522x384xi32, #tpu.memory_space<hbm>> -> memref<30522x384xi32, #tpu.memory_space<hbm>>
        tpu.enqueue_indirect_dma source(%dma_start3A_85 : memref<30522x384xi32, #tpu.memory_space<hbm>>) target(%arg6 : memref<128x384xi32, #tpu.memory_space<vmem>>) offsets(%dma_start3A_82 : memref<128xi32, #tpu.memory_space<vmem>>) semaphore(%arg8 : memref<!tpu.dma_semaphore, #tpu.memory_space<semaphore_mem>>)
      } else {
      }
      %scan3A_77 = arith.constant 0 : i32
      scf.yield %scan3A_77 : i32
    }
    %scan3A_14 = arith.constant 4 : i32
    %add3A_15 = arith.constant 896 : i32
    %add3A_16 = arith.addi %mul3A_2, %add3A_15 : i32
    %dma_wait3A = arith.constant 0 : i32
    %dma_wait3A_17 = tpu.memref_slice %arg4[%add3A_16, %dma_wait3A] : memref<32768x384xi32, #tpu.memory_space<hbm>> -> memref<128x384xi32, #tpu.memory_space<hbm>>
    %dma_wait3A_18 = arith.constant 0 : i32
    %dma_wait3A_19 = tpu.memref_slice %arg4[%add3A_16, %dma_wait3A_18] : memref<32768x384xi32, #tpu.memory_space<hbm>> -> memref<128x384xi32, #tpu.memory_space<hbm>>
    tpu.wait_dma2 semaphore(%arg11 : memref<!tpu.dma_semaphore, #tpu.memory_space<semaphore_mem>>) src(%arg7 : memref<128x384xi32, #tpu.memory_space<vmem>>) dst(%dma_wait3A_19 : memref<128x384xi32, #tpu.memory_space<hbm>>)
    return
  }
}

#map = affine_map<(d0, d1) -> (0, 0, 0)>
#map1 = affine_map<(d0, d1) -> (0, 0)>
module attributes {stable_mosaic.version = 14 : i64} {
  func.func @_gather_body(%arg0: i32, %arg1: i32, %arg2: memref<32x8x128xi32, #tpu.memory_space<hbm>>, %arg3: memref<30522x384xi32, #tpu.memory_space<hbm>>, %arg4: memref<32768x384xi32, #tpu.memory_space<hbm>>, %arg5: memref<8x128xi32, #tpu.memory_space<vmem>>, %arg6: memref<128x384xi32, #tpu.memory_space<vmem>>, %arg7: memref<128x384xi32, #tpu.memory_space<vmem>>, %arg8: memref<!tpu.dma_semaphore, #tpu.memory_space<semaphore_mem>>, %arg9: memref<!tpu.dma_semaphore, #tpu.memory_space<semaphore_mem>>, %arg10: memref<!tpu.dma_semaphore, #tpu.memory_space<semaphore_mem>>, %arg11: memref<!tpu.dma_semaphore, #tpu.memory_space<semaphore_mem>>) attributes {dimension_semantics = [#tpu.dimension_semantics<core_parallel>, #tpu.dimension_semantics<subcore_parallel>], iteration_bounds = array<i64: 2, 16>, scalar_prefetch = 0 : i64, scratch_operands = 7 : i64, tpu.core_type = #tpu.core_type<sc_vector_subcore>, window_params = [{transform_indices = #map}, {transform_indices = #map1}, {transform_indices = #map1}]} {
    %mul3A = arith.constant 2 : i32
    %mul3A_0 = arith.muli %arg1, %mul3A : i32
    %add3A = arith.addi %mul3A_0, %arg0 : i32
    %mul3A_1 = arith.constant 1024 : i32
    %mul3A_2 = arith.muli %add3A, %mul3A_1 : i32
    "tpu.region"() ({
      %run_scoped3A = tpu.sem_alloc : memref<!tpu.dma_semaphore, #tpu.memory_space<semaphore_mem>>
      %dma_start3A_20 = arith.constant 0 : i32
      %dma_start3A_21 = arith.constant 0 : i32
      %dma_start3A_22 = tpu.memref_slice %arg2[%add3A, %dma_start3A_20, %dma_start3A_21] : memref<32x8x128xi32, #tpu.memory_space<hbm>> -> memref<1x8x128xi32, #tpu.memory_space<hbm>>
      %dma_start3A_23 = tpu.memref_squeeze %dma_start3A_22 : memref<1x8x128xi32, #tpu.memory_space<hbm>> -> memref<8x128xi32, #tpu.memory_space<hbm>>
      %dma_start3A_24 = arith.constant 0 : i32
      %dma_start3A_25 = arith.constant 0 : i32
      %dma_start3A_26 = tpu.memref_slice %arg2[%add3A, %dma_start3A_24, %dma_start3A_25] : memref<32x8x128xi32, #tpu.memory_space<hbm>> -> memref<1x8x128xi32, #tpu.memory_space<hbm>>
      %dma_start3A_27 = tpu.memref_squeeze %dma_start3A_26 : memref<1x8x128xi32, #tpu.memory_space<hbm>> -> memref<8x128xi32, #tpu.memory_space<hbm>>
      tpu.enqueue_dma source(%dma_start3A_27 : memref<8x128xi32, #tpu.memory_space<hbm>>) target(%arg5 : memref<8x128xi32, #tpu.memory_space<vmem>>) target_semaphore(%run_scoped3A : memref<!tpu.dma_semaphore, #tpu.memory_space<semaphore_mem>>)
      %dma_wait3A_28 = arith.constant 0 : i32
      %dma_wait3A_29 = arith.constant 0 : i32
      %dma_wait3A_30 = tpu.memref_slice %arg2[%add3A, %dma_wait3A_28, %dma_wait3A_29] : memref<32x8x128xi32, #tpu.memory_space<hbm>> -> memref<1x8x128xi32, #tpu.memory_space<hbm>>
      %dma_wait3A_31 = tpu.memref_squeeze %dma_wait3A_30 : memref<1x8x128xi32, #tpu.memory_space<hbm>> -> memref<8x128xi32, #tpu.memory_space<hbm>>
      %dma_wait3A_32 = arith.constant 0 : i32
      %dma_wait3A_33 = arith.constant 0 : i32
      %dma_wait3A_34 = tpu.memref_slice %arg2[%add3A, %dma_wait3A_32, %dma_wait3A_33] : memref<32x8x128xi32, #tpu.memory_space<hbm>> -> memref<1x8x128xi32, #tpu.memory_space<hbm>>
      %dma_wait3A_35 = tpu.memref_squeeze %dma_wait3A_34 : memref<1x8x128xi32, #tpu.memory_space<hbm>> -> memref<8x128xi32, #tpu.memory_space<hbm>>
      tpu.wait_dma2 semaphore(%run_scoped3A : memref<!tpu.dma_semaphore, #tpu.memory_space<semaphore_mem>>) src(%dma_wait3A_35 : memref<8x128xi32, #tpu.memory_space<hbm>>) dst(%arg5 : memref<8x128xi32, #tpu.memory_space<vmem>>)
      tpu.yield
    }) : () -> ()
    %dma_start3A = arith.constant 0 : i32
    %dma_start3A_3 = arith.constant 0 : i32
    %dma_start3A_4 = tpu.memref_slice %arg5[%dma_start3A, %dma_start3A_3] : memref<8x128xi32, #tpu.memory_space<vmem>> -> memref<1x128xi32, #tpu.memory_space<vmem>>
    %dma_start3A_5 = tpu.memref_squeeze %dma_start3A_4 : memref<1x128xi32, #tpu.memory_space<vmem>> -> memref<128xi32, #tpu.memory_space<vmem>>
    %dma_start3A_6 = arith.constant 0 : i32
    %dma_start3A_7 = arith.constant 0 : i32
    %dma_start3A_8 = tpu.memref_slice %arg3[%dma_start3A_6, %dma_start3A_7] : memref<30522x384xi32, #tpu.memory_space<hbm>> -> memref<30522x384xi32, #tpu.memory_space<hbm>>
    tpu.enqueue_indirect_dma source(%dma_start3A_8 : memref<30522x384xi32, #tpu.memory_space<hbm>>) target(%arg6 : memref<128x384xi32, #tpu.memory_space<vmem>>) offsets(%dma_start3A_5 : memref<128xi32, #tpu.memory_space<vmem>>) semaphore(%arg8 : memref<!tpu.dma_semaphore, #tpu.memory_space<semaphore_mem>>)
    %scan3A = arith.constant 0 : i32
    %scan3A_9 = arith.constant 0 : i32
    %scan3A_10 = arith.constant 4 : i32
    %scan3A_11 = arith.addi %scan3A_9, %scan3A_10 : i32
    %scan3A_12 = arith.constant 1 : i32
    %scan3A_13 = scf.for %scan3A_20 = %scan3A_9 to %scan3A_11 step %scan3A_12 iter_args(%scan3A_21 = %scan3A) -> (i32)  : i32 {
      %mul3A_22 = arith.constant 2 : i32
      %mul3A_23 = arith.muli %mul3A_22, %scan3A_20 : i32
      %dma_wait3A_24 = arith.constant 0 : i32
      %dma_wait3A_25 = tpu.memref_slice %arg5[%mul3A_23, %dma_wait3A_24] : memref<8x128xi32, #tpu.memory_space<vmem>> -> memref<1x128xi32, #tpu.memory_space<vmem>>
      %dma_wait3A_26 = tpu.memref_squeeze %dma_wait3A_25 : memref<1x128xi32, #tpu.memory_space<vmem>> -> memref<128xi32, #tpu.memory_space<vmem>>
      %dma_wait3A_27 = arith.constant 0 : i32
      %dma_wait3A_28 = arith.constant 0 : i32
      %dma_wait3A_29 = tpu.memref_slice %arg3[%dma_wait3A_27, %dma_wait3A_28] : memref<30522x384xi32, #tpu.memory_space<hbm>> -> memref<30522x384xi32, #tpu.memory_space<hbm>>
      tpu.wait_indirect_dma semaphore(%arg8 : memref<!tpu.dma_semaphore, #tpu.memory_space<semaphore_mem>>) src(%dma_wait3A_29 : memref<30522x384xi32, #tpu.memory_space<hbm>>) dst(%arg6 : memref<128x384xi32, #tpu.memory_space<vmem>>)
      %mul3A_30 = arith.constant 128 : i32
      %mul3A_31 = arith.muli %mul3A_23, %mul3A_30 : i32
      %add3A_32 = arith.addi %mul3A_2, %mul3A_31 : i32
      %dma_start3A_33 = arith.constant 0 : i32
      %dma_start3A_34 = tpu.memref_slice %arg4[%add3A_32, %dma_start3A_33] : memref<32768x384xi32, #tpu.memory_space<hbm>> -> memref<128x384xi32, #tpu.memory_space<hbm>>
      %dma_start3A_35 = arith.constant 0 : i32
      %dma_start3A_36 = tpu.memref_slice %arg4[%add3A_32, %dma_start3A_35] : memref<32768x384xi32, #tpu.memory_space<hbm>> -> memref<128x384xi32, #tpu.memory_space<hbm>>
      tpu.enqueue_dma source(%arg6 : memref<128x384xi32, #tpu.memory_space<vmem>>) target(%dma_start3A_36 : memref<128x384xi32, #tpu.memory_space<hbm>>) target_semaphore(%arg10 : memref<!tpu.dma_semaphore, #tpu.memory_space<semaphore_mem>>)
      %gt3A = arith.constant 0 : i32
      %gt3A_37 = arith.cmpi sgt, %scan3A_20, %gt3A : i32
      %convert_element_type3A = arith.extui %gt3A_37 : i1 to i32
      %cond3A = arith.constant 0 : i32
      %cond3A_38 = arith.cmpi ne, %convert_element_type3A, %cond3A : i32
      scf.if %cond3A_38 {
        %sub3A = arith.constant 1 : i32
        %sub3A_78 = arith.subi %mul3A_23, %sub3A : i32
        %mul3A_79 = arith.constant 128 : i32
        %mul3A_80 = arith.muli %sub3A_78, %mul3A_79 : i32
        %add3A_81 = arith.addi %mul3A_2, %mul3A_80 : i32
        %dma_wait3A_82 = arith.constant 0 : i32
        %dma_wait3A_83 = tpu.memref_slice %arg4[%add3A_81, %dma_wait3A_82] : memref<32768x384xi32, #tpu.memory_space<hbm>> -> memref<128x384xi32, #tpu.memory_space<hbm>>
        %dma_wait3A_84 = arith.constant 0 : i32
        %dma_wait3A_85 = tpu.memref_slice %arg4[%add3A_81, %dma_wait3A_84] : memref<32768x384xi32, #tpu.memory_space<hbm>> -> memref<128x384xi32, #tpu.memory_space<hbm>>
        tpu.wait_dma2 semaphore(%arg11 : memref<!tpu.dma_semaphore, #tpu.memory_space<semaphore_mem>>) src(%arg7 : memref<128x384xi32, #tpu.memory_space<vmem>>) dst(%dma_wait3A_85 : memref<128x384xi32, #tpu.memory_space<hbm>>)
      } else {
      }
      %add3A_39 = arith.constant 1 : i32
      %add3A_40 = arith.addi %mul3A_23, %add3A_39 : i32
      %dma_start3A_41 = arith.constant 0 : i32
      %dma_start3A_42 = tpu.memref_slice %arg5[%add3A_40, %dma_start3A_41] : memref<8x128xi32, #tpu.memory_space<vmem>> -> memref<1x128xi32, #tpu.memory_space<vmem>>
      %dma_start3A_43 = tpu.memref_squeeze %dma_start3A_42 : memref<1x128xi32, #tpu.memory_space<vmem>> -> memref<128xi32, #tpu.memory_space<vmem>>
      %dma_start3A_44 = arith.constant 0 : i32
      %dma_start3A_45 = arith.constant 0 : i32
      %dma_start3A_46 = tpu.memref_slice %arg3[%dma_start3A_44, %dma_start3A_45] : memref<30522x384xi32, #tpu.memory_space<hbm>> -> memref<30522x384xi32, #tpu.memory_space<hbm>>
      tpu.enqueue_indirect_dma source(%dma_start3A_46 : memref<30522x384xi32, #tpu.memory_space<hbm>>) target(%arg7 : memref<128x384xi32, #tpu.memory_space<vmem>>) offsets(%dma_start3A_43 : memref<128xi32, #tpu.memory_space<vmem>>) semaphore(%arg9 : memref<!tpu.dma_semaphore, #tpu.memory_space<semaphore_mem>>)
      %add3A_47 = arith.constant 1 : i32
      %add3A_48 = arith.addi %mul3A_23, %add3A_47 : i32
      %dma_wait3A_49 = arith.constant 0 : i32
      %dma_wait3A_50 = tpu.memref_slice %arg5[%add3A_48, %dma_wait3A_49] : memref<8x128xi32, #tpu.memory_space<vmem>> -> memref<1x128xi32, #tpu.memory_space<vmem>>
      %dma_wait3A_51 = tpu.memref_squeeze %dma_wait3A_50 : memref<1x128xi32, #tpu.memory_space<vmem>> -> memref<128xi32, #tpu.memory_space<vmem>>
      %dma_wait3A_52 = arith.constant 0 : i32
      %dma_wait3A_53 = arith.constant 0 : i32
      %dma_wait3A_54 = tpu.memref_slice %arg3[%dma_wait3A_52, %dma_wait3A_53] : memref<30522x384xi32, #tpu.memory_space<hbm>> -> memref<30522x384xi32, #tpu.memory_space<hbm>>
      tpu.wait_indirect_dma semaphore(%arg9 : memref<!tpu.dma_semaphore, #tpu.memory_space<semaphore_mem>>) src(%dma_wait3A_54 : memref<30522x384xi32, #tpu.memory_space<hbm>>) dst(%arg7 : memref<128x384xi32, #tpu.memory_space<vmem>>)
      %add3A_55 = arith.constant 1 : i32
      %add3A_56 = arith.addi %mul3A_23, %add3A_55 : i32
      %mul3A_57 = arith.constant 128 : i32
      %mul3A_58 = arith.muli %add3A_56, %mul3A_57 : i32
      %add3A_59 = arith.addi %mul3A_2, %mul3A_58 : i32
      %dma_start3A_60 = arith.constant 0 : i32
      %dma_start3A_61 = tpu.memref_slice %arg4[%add3A_59, %dma_start3A_60] : memref<32768x384xi32, #tpu.memory_space<hbm>> -> memref<128x384xi32, #tpu.memory_space<hbm>>
      %dma_start3A_62 = arith.constant 0 : i32
      %dma_start3A_63 = tpu.memref_slice %arg4[%add3A_59, %dma_start3A_62] : memref<32768x384xi32, #tpu.memory_space<hbm>> -> memref<128x384xi32, #tpu.memory_space<hbm>>
      tpu.enqueue_dma source(%arg7 : memref<128x384xi32, #tpu.memory_space<vmem>>) target(%dma_start3A_63 : memref<128x384xi32, #tpu.memory_space<hbm>>) target_semaphore(%arg11 : memref<!tpu.dma_semaphore, #tpu.memory_space<semaphore_mem>>)
      %mul3A_64 = arith.constant 128 : i32
      %mul3A_65 = arith.muli %mul3A_23, %mul3A_64 : i32
      %add3A_66 = arith.addi %mul3A_2, %mul3A_65 : i32
      %dma_wait3A_67 = arith.constant 0 : i32
      %dma_wait3A_68 = tpu.memref_slice %arg4[%add3A_66, %dma_wait3A_67] : memref<32768x384xi32, #tpu.memory_space<hbm>> -> memref<128x384xi32, #tpu.memory_space<hbm>>
      %dma_wait3A_69 = arith.constant 0 : i32
      %dma_wait3A_70 = tpu.memref_slice %arg4[%add3A_66, %dma_wait3A_69] : memref<32768x384xi32, #tpu.memory_space<hbm>> -> memref<128x384xi32, #tpu.memory_space<hbm>>
      tpu.wait_dma2 semaphore(%arg10 : memref<!tpu.dma_semaphore, #tpu.memory_space<semaphore_mem>>) src(%arg6 : memref<128x384xi32, #tpu.memory_space<vmem>>) dst(%dma_wait3A_70 : memref<128x384xi32, #tpu.memory_space<hbm>>)
      %add3A_71 = arith.constant 1 : i32
      %add3A_72 = arith.addi %scan3A_20, %add3A_71 : i32
      %lt3A = arith.constant 4 : i32
      %lt3A_73 = arith.cmpi slt, %add3A_72, %lt3A : i32
      %convert_element_type3A_74 = arith.extui %lt3A_73 : i1 to i32
      %cond3A_75 = arith.constant 0 : i32
      %cond3A_76 = arith.cmpi ne, %convert_element_type3A_74, %cond3A_75 : i32
      scf.if %cond3A_76 {
        %add3A_78 = arith.constant 2 : i32
        %add3A_79 = arith.addi %mul3A_23, %add3A_78 : i32
        %dma_start3A_80 = arith.constant 0 : i32
        %dma_start3A_81 = tpu.memref_slice %arg5[%add3A_79, %dma_start3A_80] : memref<8x128xi32, #tpu.memory_space<vmem>> -> memref<1x128xi32, #tpu.memory_space<vmem>>
        %dma_start3A_82 = tpu.memref_squeeze %dma_start3A_81 : memref<1x128xi32, #tpu.memory_space<vmem>> -> memref<128xi32, #tpu.memory_space<vmem>>
        %dma_start3A_83 = arith.constant 0 : i32
        %dma_start3A_84 = arith.constant 0 : i32
        %dma_start3A_85 = tpu.memref_slice %arg3[%dma_start3A_83, %dma_start3A_84] : memref<30522x384xi32, #tpu.memory_space<hbm>> -> memref<30522x384xi32, #tpu.memory_space<hbm>>
        tpu.enqueue_indirect_dma source(%dma_start3A_85 : memref<30522x384xi32, #tpu.memory_space<hbm>>) target(%arg6 : memref<128x384xi32, #tpu.memory_space<vmem>>) offsets(%dma_start3A_82 : memref<128xi32, #tpu.memory_space<vmem>>) semaphore(%arg8 : memref<!tpu.dma_semaphore, #tpu.memory_space<semaphore_mem>>)
      } else {
      }
      %scan3A_77 = arith.constant 0 : i32
      scf.yield %scan3A_77 : i32
    }
    %scan3A_14 = arith.constant 4 : i32
    %add3A_15 = arith.constant 896 : i32
    %add3A_16 = arith.addi %mul3A_2, %add3A_15 : i32
    %dma_wait3A = arith.constant 0 : i32
    %dma_wait3A_17 = tpu.memref_slice %arg4[%add3A_16, %dma_wait3A] : memref<32768x384xi32, #tpu.memory_space<hbm>> -> memref<128x384xi32, #tpu.memory_space<hbm>>
    %dma_wait3A_18 = arith.constant 0 : i32
    %dma_wait3A_19 = tpu.memref_slice %arg4[%add3A_16, %dma_wait3A_18] : memref<32768x384xi32, #tpu.memory_space<hbm>> -> memref<128x384xi32, #tpu.memory_space<hbm>>
    tpu.wait_dma2 semaphore(%arg11 : memref<!tpu.dma_semaphore, #tpu.memory_space<semaphore_mem>>) src(%arg7 : memref<128x384xi32, #tpu.memory_space<vmem>>) dst(%dma_wait3A_19 : memref<128x384xi32, #tpu.memory_space<hbm>>)
    return
  }
}

#map = affine_map<(d0, d1) -> (0, 0, 0)>
#map1 = affine_map<(d0, d1) -> (0, 0)>
module attributes {stable_mosaic.version = 14 : i64} {
  func.func @_gather_body(%arg0: i32, %arg1: i32, %arg2: memref<32x8x128xi32, #tpu.memory_space<hbm>>, %arg3: memref<30522x384xi32, #tpu.memory_space<hbm>>, %arg4: memref<32768x384xi32, #tpu.memory_space<hbm>>, %arg5: memref<8x128xi32, #tpu.memory_space<vmem>>, %arg6: memref<128x384xi32, #tpu.memory_space<vmem>>, %arg7: memref<128x384xi32, #tpu.memory_space<vmem>>, %arg8: memref<!tpu.dma_semaphore, #tpu.memory_space<semaphore_mem>>, %arg9: memref<!tpu.dma_semaphore, #tpu.memory_space<semaphore_mem>>, %arg10: memref<!tpu.dma_semaphore, #tpu.memory_space<semaphore_mem>>, %arg11: memref<!tpu.dma_semaphore, #tpu.memory_space<semaphore_mem>>) attributes {dimension_semantics = [#tpu.dimension_semantics<core_parallel>, #tpu.dimension_semantics<subcore_parallel>], iteration_bounds = array<i64: 2, 16>, scalar_prefetch = 0 : i64, scratch_operands = 7 : i64, tpu.core_type = #tpu.core_type<sc_vector_subcore>, window_params = [{transform_indices = #map}, {transform_indices = #map1}, {transform_indices = #map1}]} {
    %mul3A = arith.constant 2 : i32
    %mul3A_0 = arith.muli %arg1, %mul3A : i32
    %add3A = arith.addi %mul3A_0, %arg0 : i32
    %mul3A_1 = arith.constant 1024 : i32
    %mul3A_2 = arith.muli %add3A, %mul3A_1 : i32
    "tpu.region"() ({
      %run_scoped3A = tpu.sem_alloc : memref<!tpu.dma_semaphore, #tpu.memory_space<semaphore_mem>>
      %dma_start3A_20 = arith.constant 0 : i32
      %dma_start3A_21 = arith.constant 0 : i32
      %dma_start3A_22 = tpu.memref_slice %arg2[%add3A, %dma_start3A_20, %dma_start3A_21] : memref<32x8x128xi32, #tpu.memory_space<hbm>> -> memref<1x8x128xi32, #tpu.memory_space<hbm>>
      %dma_start3A_23 = tpu.memref_squeeze %dma_start3A_22 : memref<1x8x128xi32, #tpu.memory_space<hbm>> -> memref<8x128xi32, #tpu.memory_space<hbm>>
      %dma_start3A_24 = arith.constant 0 : i32
      %dma_start3A_25 = arith.constant 0 : i32
      %dma_start3A_26 = tpu.memref_slice %arg2[%add3A, %dma_start3A_24, %dma_start3A_25] : memref<32x8x128xi32, #tpu.memory_space<hbm>> -> memref<1x8x128xi32, #tpu.memory_space<hbm>>
      %dma_start3A_27 = tpu.memref_squeeze %dma_start3A_26 : memref<1x8x128xi32, #tpu.memory_space<hbm>> -> memref<8x128xi32, #tpu.memory_space<hbm>>
      tpu.enqueue_dma source(%dma_start3A_27 : memref<8x128xi32, #tpu.memory_space<hbm>>) target(%arg5 : memref<8x128xi32, #tpu.memory_space<vmem>>) target_semaphore(%run_scoped3A : memref<!tpu.dma_semaphore, #tpu.memory_space<semaphore_mem>>)
      %dma_wait3A_28 = arith.constant 0 : i32
      %dma_wait3A_29 = arith.constant 0 : i32
      %dma_wait3A_30 = tpu.memref_slice %arg2[%add3A, %dma_wait3A_28, %dma_wait3A_29] : memref<32x8x128xi32, #tpu.memory_space<hbm>> -> memref<1x8x128xi32, #tpu.memory_space<hbm>>
      %dma_wait3A_31 = tpu.memref_squeeze %dma_wait3A_30 : memref<1x8x128xi32, #tpu.memory_space<hbm>> -> memref<8x128xi32, #tpu.memory_space<hbm>>
      %dma_wait3A_32 = arith.constant 0 : i32
      %dma_wait3A_33 = arith.constant 0 : i32
      %dma_wait3A_34 = tpu.memref_slice %arg2[%add3A, %dma_wait3A_32, %dma_wait3A_33] : memref<32x8x128xi32, #tpu.memory_space<hbm>> -> memref<1x8x128xi32, #tpu.memory_space<hbm>>
      %dma_wait3A_35 = tpu.memref_squeeze %dma_wait3A_34 : memref<1x8x128xi32, #tpu.memory_space<hbm>> -> memref<8x128xi32, #tpu.memory_space<hbm>>
      tpu.wait_dma2 semaphore(%run_scoped3A : memref<!tpu.dma_semaphore, #tpu.memory_space<semaphore_mem>>) src(%dma_wait3A_35 : memref<8x128xi32, #tpu.memory_space<hbm>>) dst(%arg5 : memref<8x128xi32, #tpu.memory_space<vmem>>)
      tpu.yield
    }) : () -> ()
    %dma_start3A = arith.constant 0 : i32
    %dma_start3A_3 = arith.constant 0 : i32
    %dma_start3A_4 = tpu.memref_slice %arg5[%dma_start3A, %dma_start3A_3] : memref<8x128xi32, #tpu.memory_space<vmem>> -> memref<1x128xi32, #tpu.memory_space<vmem>>
    %dma_start3A_5 = tpu.memref_squeeze %dma_start3A_4 : memref<1x128xi32, #tpu.memory_space<vmem>> -> memref<128xi32, #tpu.memory_space<vmem>>
    %dma_start3A_6 = arith.constant 0 : i32
    %dma_start3A_7 = arith.constant 0 : i32
    %dma_start3A_8 = tpu.memref_slice %arg3[%dma_start3A_6, %dma_start3A_7] : memref<30522x384xi32, #tpu.memory_space<hbm>> -> memref<30522x384xi32, #tpu.memory_space<hbm>>
    tpu.enqueue_indirect_dma source(%dma_start3A_8 : memref<30522x384xi32, #tpu.memory_space<hbm>>) target(%arg6 : memref<128x384xi32, #tpu.memory_space<vmem>>) offsets(%dma_start3A_5 : memref<128xi32, #tpu.memory_space<vmem>>) semaphore(%arg8 : memref<!tpu.dma_semaphore, #tpu.memory_space<semaphore_mem>>)
    %scan3A = arith.constant 0 : i32
    %scan3A_9 = arith.constant 0 : i32
    %scan3A_10 = arith.constant 4 : i32
    %scan3A_11 = arith.addi %scan3A_9, %scan3A_10 : i32
    %scan3A_12 = arith.constant 1 : i32
    %scan3A_13 = scf.for %scan3A_20 = %scan3A_9 to %scan3A_11 step %scan3A_12 iter_args(%scan3A_21 = %scan3A) -> (i32)  : i32 {
      %mul3A_22 = arith.constant 2 : i32
      %mul3A_23 = arith.muli %mul3A_22, %scan3A_20 : i32
      %dma_wait3A_24 = arith.constant 0 : i32
      %dma_wait3A_25 = tpu.memref_slice %arg5[%mul3A_23, %dma_wait3A_24] : memref<8x128xi32, #tpu.memory_space<vmem>> -> memref<1x128xi32, #tpu.memory_space<vmem>>
      %dma_wait3A_26 = tpu.memref_squeeze %dma_wait3A_25 : memref<1x128xi32, #tpu.memory_space<vmem>> -> memref<128xi32, #tpu.memory_space<vmem>>
      %dma_wait3A_27 = arith.constant 0 : i32
      %dma_wait3A_28 = arith.constant 0 : i32
      %dma_wait3A_29 = tpu.memref_slice %arg3[%dma_wait3A_27, %dma_wait3A_28] : memref<30522x384xi32, #tpu.memory_space<hbm>> -> memref<30522x384xi32, #tpu.memory_space<hbm>>
      tpu.wait_indirect_dma semaphore(%arg8 : memref<!tpu.dma_semaphore, #tpu.memory_space<semaphore_mem>>) src(%dma_wait3A_29 : memref<30522x384xi32, #tpu.memory_space<hbm>>) dst(%arg6 : memref<128x384xi32, #tpu.memory_space<vmem>>)
      %mul3A_30 = arith.constant 128 : i32
      %mul3A_31 = arith.muli %mul3A_23, %mul3A_30 : i32
      %add3A_32 = arith.addi %mul3A_2, %mul3A_31 : i32
      %dma_start3A_33 = arith.constant 0 : i32
      %dma_start3A_34 = tpu.memref_slice %arg4[%add3A_32, %dma_start3A_33] : memref<32768x384xi32, #tpu.memory_space<hbm>> -> memref<128x384xi32, #tpu.memory_space<hbm>>
      %dma_start3A_35 = arith.constant 0 : i32
      %dma_start3A_36 = tpu.memref_slice %arg4[%add3A_32, %dma_start3A_35] : memref<32768x384xi32, #tpu.memory_space<hbm>> -> memref<128x384xi32, #tpu.memory_space<hbm>>
      tpu.enqueue_dma source(%arg6 : memref<128x384xi32, #tpu.memory_space<vmem>>) target(%dma_start3A_36 : memref<128x384xi32, #tpu.memory_space<hbm>>) target_semaphore(%arg10 : memref<!tpu.dma_semaphore, #tpu.memory_space<semaphore_mem>>)
      %gt3A = arith.constant 0 : i32
      %gt3A_37 = arith.cmpi sgt, %scan3A_20, %gt3A : i32
      %convert_element_type3A = arith.extui %gt3A_37 : i1 to i32
      %cond3A = arith.constant 0 : i32
      %cond3A_38 = arith.cmpi ne, %convert_element_type3A, %cond3A : i32
      scf.if %cond3A_38 {
        %sub3A = arith.constant 1 : i32
        %sub3A_78 = arith.subi %mul3A_23, %sub3A : i32
        %mul3A_79 = arith.constant 128 : i32
        %mul3A_80 = arith.muli %sub3A_78, %mul3A_79 : i32
        %add3A_81 = arith.addi %mul3A_2, %mul3A_80 : i32
        %dma_wait3A_82 = arith.constant 0 : i32
        %dma_wait3A_83 = tpu.memref_slice %arg4[%add3A_81, %dma_wait3A_82] : memref<32768x384xi32, #tpu.memory_space<hbm>> -> memref<128x384xi32, #tpu.memory_space<hbm>>
        %dma_wait3A_84 = arith.constant 0 : i32
        %dma_wait3A_85 = tpu.memref_slice %arg4[%add3A_81, %dma_wait3A_84] : memref<32768x384xi32, #tpu.memory_space<hbm>> -> memref<128x384xi32, #tpu.memory_space<hbm>>
        tpu.wait_dma2 semaphore(%arg11 : memref<!tpu.dma_semaphore, #tpu.memory_space<semaphore_mem>>) src(%arg7 : memref<128x384xi32, #tpu.memory_space<vmem>>) dst(%dma_wait3A_85 : memref<128x384xi32, #tpu.memory_space<hbm>>)
      } else {
      }
      %add3A_39 = arith.constant 1 : i32
      %add3A_40 = arith.addi %mul3A_23, %add3A_39 : i32
      %dma_start3A_41 = arith.constant 0 : i32
      %dma_start3A_42 = tpu.memref_slice %arg5[%add3A_40, %dma_start3A_41] : memref<8x128xi32, #tpu.memory_space<vmem>> -> memref<1x128xi32, #tpu.memory_space<vmem>>
      %dma_start3A_43 = tpu.memref_squeeze %dma_start3A_42 : memref<1x128xi32, #tpu.memory_space<vmem>> -> memref<128xi32, #tpu.memory_space<vmem>>
      %dma_start3A_44 = arith.constant 0 : i32
      %dma_start3A_45 = arith.constant 0 : i32
      %dma_start3A_46 = tpu.memref_slice %arg3[%dma_start3A_44, %dma_start3A_45] : memref<30522x384xi32, #tpu.memory_space<hbm>> -> memref<30522x384xi32, #tpu.memory_space<hbm>>
      tpu.enqueue_indirect_dma source(%dma_start3A_46 : memref<30522x384xi32, #tpu.memory_space<hbm>>) target(%arg7 : memref<128x384xi32, #tpu.memory_space<vmem>>) offsets(%dma_start3A_43 : memref<128xi32, #tpu.memory_space<vmem>>) semaphore(%arg9 : memref<!tpu.dma_semaphore, #tpu.memory_space<semaphore_mem>>)
      %add3A_47 = arith.constant 1 : i32
      %add3A_48 = arith.addi %mul3A_23, %add3A_47 : i32
      %dma_wait3A_49 = arith.constant 0 : i32
      %dma_wait3A_50 = tpu.memref_slice %arg5[%add3A_48, %dma_wait3A_49] : memref<8x128xi32, #tpu.memory_space<vmem>> -> memref<1x128xi32, #tpu.memory_space<vmem>>
      %dma_wait3A_51 = tpu.memref_squeeze %dma_wait3A_50 : memref<1x128xi32, #tpu.memory_space<vmem>> -> memref<128xi32, #tpu.memory_space<vmem>>
      %dma_wait3A_52 = arith.constant 0 : i32
      %dma_wait3A_53 = arith.constant 0 : i32
      %dma_wait3A_54 = tpu.memref_slice %arg3[%dma_wait3A_52, %dma_wait3A_53] : memref<30522x384xi32, #tpu.memory_space<hbm>> -> memref<30522x384xi32, #tpu.memory_space<hbm>>
      tpu.wait_indirect_dma semaphore(%arg9 : memref<!tpu.dma_semaphore, #tpu.memory_space<semaphore_mem>>) src(%dma_wait3A_54 : memref<30522x384xi32, #tpu.memory_space<hbm>>) dst(%arg7 : memref<128x384xi32, #tpu.memory_space<vmem>>)
      %add3A_55 = arith.constant 1 : i32
      %add3A_56 = arith.addi %mul3A_23, %add3A_55 : i32
      %mul3A_57 = arith.constant 128 : i32
      %mul3A_58 = arith.muli %add3A_56, %mul3A_57 : i32
      %add3A_59 = arith.addi %mul3A_2, %mul3A_58 : i32
      %dma_start3A_60 = arith.constant 0 : i32
      %dma_start3A_61 = tpu.memref_slice %arg4[%add3A_59, %dma_start3A_60] : memref<32768x384xi32, #tpu.memory_space<hbm>> -> memref<128x384xi32, #tpu.memory_space<hbm>>
      %dma_start3A_62 = arith.constant 0 : i32
      %dma_start3A_63 = tpu.memref_slice %arg4[%add3A_59, %dma_start3A_62] : memref<32768x384xi32, #tpu.memory_space<hbm>> -> memref<128x384xi32, #tpu.memory_space<hbm>>
      tpu.enqueue_dma source(%arg7 : memref<128x384xi32, #tpu.memory_space<vmem>>) target(%dma_start3A_63 : memref<128x384xi32, #tpu.memory_space<hbm>>) target_semaphore(%arg11 : memref<!tpu.dma_semaphore, #tpu.memory_space<semaphore_mem>>)
      %mul3A_64 = arith.constant 128 : i32
      %mul3A_65 = arith.muli %mul3A_23, %mul3A_64 : i32
      %add3A_66 = arith.addi %mul3A_2, %mul3A_65 : i32
      %dma_wait3A_67 = arith.constant 0 : i32
      %dma_wait3A_68 = tpu.memref_slice %arg4[%add3A_66, %dma_wait3A_67] : memref<32768x384xi32, #tpu.memory_space<hbm>> -> memref<128x384xi32, #tpu.memory_space<hbm>>
      %dma_wait3A_69 = arith.constant 0 : i32
      %dma_wait3A_70 = tpu.memref_slice %arg4[%add3A_66, %dma_wait3A_69] : memref<32768x384xi32, #tpu.memory_space<hbm>> -> memref<128x384xi32, #tpu.memory_space<hbm>>
      tpu.wait_dma2 semaphore(%arg10 : memref<!tpu.dma_semaphore, #tpu.memory_space<semaphore_mem>>) src(%arg6 : memref<128x384xi32, #tpu.memory_space<vmem>>) dst(%dma_wait3A_70 : memref<128x384xi32, #tpu.memory_space<hbm>>)
      %add3A_71 = arith.constant 1 : i32
      %add3A_72 = arith.addi %scan3A_20, %add3A_71 : i32
      %lt3A = arith.constant 4 : i32
      %lt3A_73 = arith.cmpi slt, %add3A_72, %lt3A : i32
      %convert_element_type3A_74 = arith.extui %lt3A_73 : i1 to i32
      %cond3A_75 = arith.constant 0 : i32
      %cond3A_76 = arith.cmpi ne, %convert_element_type3A_74, %cond3A_75 : i32
      scf.if %cond3A_76 {
        %add3A_78 = arith.constant 2 : i32
        %add3A_79 = arith.addi %mul3A_23, %add3A_78 : i32
        %dma_start3A_80 = arith.constant 0 : i32
        %dma_start3A_81 = tpu.memref_slice %arg5[%add3A_79, %dma_start3A_80] : memref<8x128xi32, #tpu.memory_space<vmem>> -> memref<1x128xi32, #tpu.memory_space<vmem>>
        %dma_start3A_82 = tpu.memref_squeeze %dma_start3A_81 : memref<1x128xi32, #tpu.memory_space<vmem>> -> memref<128xi32, #tpu.memory_space<vmem>>
        %dma_start3A_83 = arith.constant 0 : i32
        %dma_start3A_84 = arith.constant 0 : i32
        %dma_start3A_85 = tpu.memref_slice %arg3[%dma_start3A_83, %dma_start3A_84] : memref<30522x384xi32, #tpu.memory_space<hbm>> -> memref<30522x384xi32, #tpu.memory_space<hbm>>
        tpu.enqueue_indirect_dma source(%dma_start3A_85 : memref<30522x384xi32, #tpu.memory_space<hbm>>) target(%arg6 : memref<128x384xi32, #tpu.memory_space<vmem>>) offsets(%dma_start3A_82 : memref<128xi32, #tpu.memory_space<vmem>>) semaphore(%arg8 : memref<!tpu.dma_semaphore, #tpu.memory_space<semaphore_mem>>)
      } else {
      }
      %scan3A_77 = arith.constant 0 : i32
      scf.yield %scan3A_77 : i32
    }
    %scan3A_14 = arith.constant 4 : i32
    %add3A_15 = arith.constant 896 : i32
    %add3A_16 = arith.addi %mul3A_2, %add3A_15 : i32
    %dma_wait3A = arith.constant 0 : i32
    %dma_wait3A_17 = tpu.memref_slice %arg4[%add3A_16, %dma_wait3A] : memref<32768x384xi32, #tpu.memory_space<hbm>> -> memref<128x384xi32, #tpu.memory_space<hbm>>
    %dma_wait3A_18 = arith.constant 0 : i32
    %dma_wait3A_19 = tpu.memref_slice %arg4[%add3A_16, %dma_wait3A_18] : memref<32768x384xi32, #tpu.memory_space<hbm>> -> memref<128x384xi32, #tpu.memory_space<hbm>>
    tpu.wait_dma2 semaphore(%arg11 : memref<!tpu.dma_semaphore, #tpu.memory_space<semaphore_mem>>) src(%arg7 : memref<128x384xi32, #tpu.memory_space<vmem>>) dst(%dma_wait3A_19 : memref<128x384xi32, #tpu.memory_space<hbm>>)
    return
  }
}

#map = affine_map<(d0, d1) -> (0, 0, 0)>
#map1 = affine_map<(d0, d1) -> (0, 0)>
module attributes {stable_mosaic.version = 14 : i64} {
  func.func @_gather_body(%arg0: i32, %arg1: i32, %arg2: memref<32x8x128xi32, #tpu.memory_space<hbm>>, %arg3: memref<30522x384xi32, #tpu.memory_space<hbm>>, %arg4: memref<32768x384xi32, #tpu.memory_space<hbm>>, %arg5: memref<8x128xi32, #tpu.memory_space<vmem>>, %arg6: memref<128x384xi32, #tpu.memory_space<vmem>>, %arg7: memref<128x384xi32, #tpu.memory_space<vmem>>, %arg8: memref<!tpu.dma_semaphore, #tpu.memory_space<semaphore_mem>>, %arg9: memref<!tpu.dma_semaphore, #tpu.memory_space<semaphore_mem>>, %arg10: memref<!tpu.dma_semaphore, #tpu.memory_space<semaphore_mem>>, %arg11: memref<!tpu.dma_semaphore, #tpu.memory_space<semaphore_mem>>) attributes {dimension_semantics = [#tpu.dimension_semantics<core_parallel>, #tpu.dimension_semantics<subcore_parallel>], iteration_bounds = array<i64: 2, 16>, scalar_prefetch = 0 : i64, scratch_operands = 7 : i64, tpu.core_type = #tpu.core_type<sc_vector_subcore>, window_params = [{transform_indices = #map}, {transform_indices = #map1}, {transform_indices = #map1}]} {
    %mul3A = arith.constant 2 : i32
    %mul3A_0 = arith.muli %arg1, %mul3A : i32
    %add3A = arith.addi %mul3A_0, %arg0 : i32
    %mul3A_1 = arith.constant 1024 : i32
    %mul3A_2 = arith.muli %add3A, %mul3A_1 : i32
    "tpu.region"() ({
      %run_scoped3A = tpu.sem_alloc : memref<!tpu.dma_semaphore, #tpu.memory_space<semaphore_mem>>
      %dma_start3A_20 = arith.constant 0 : i32
      %dma_start3A_21 = arith.constant 0 : i32
      %dma_start3A_22 = tpu.memref_slice %arg2[%add3A, %dma_start3A_20, %dma_start3A_21] : memref<32x8x128xi32, #tpu.memory_space<hbm>> -> memref<1x8x128xi32, #tpu.memory_space<hbm>>
      %dma_start3A_23 = tpu.memref_squeeze %dma_start3A_22 : memref<1x8x128xi32, #tpu.memory_space<hbm>> -> memref<8x128xi32, #tpu.memory_space<hbm>>
      %dma_start3A_24 = arith.constant 0 : i32
      %dma_start3A_25 = arith.constant 0 : i32
      %dma_start3A_26 = tpu.memref_slice %arg2[%add3A, %dma_start3A_24, %dma_start3A_25] : memref<32x8x128xi32, #tpu.memory_space<hbm>> -> memref<1x8x128xi32, #tpu.memory_space<hbm>>
      %dma_start3A_27 = tpu.memref_squeeze %dma_start3A_26 : memref<1x8x128xi32, #tpu.memory_space<hbm>> -> memref<8x128xi32, #tpu.memory_space<hbm>>
      tpu.enqueue_dma source(%dma_start3A_27 : memref<8x128xi32, #tpu.memory_space<hbm>>) target(%arg5 : memref<8x128xi32, #tpu.memory_space<vmem>>) target_semaphore(%run_scoped3A : memref<!tpu.dma_semaphore, #tpu.memory_space<semaphore_mem>>)
      %dma_wait3A_28 = arith.constant 0 : i32
      %dma_wait3A_29 = arith.constant 0 : i32
      %dma_wait3A_30 = tpu.memref_slice %arg2[%add3A, %dma_wait3A_28, %dma_wait3A_29] : memref<32x8x128xi32, #tpu.memory_space<hbm>> -> memref<1x8x128xi32, #tpu.memory_space<hbm>>
      %dma_wait3A_31 = tpu.memref_squeeze %dma_wait3A_30 : memref<1x8x128xi32, #tpu.memory_space<hbm>> -> memref<8x128xi32, #tpu.memory_space<hbm>>
      %dma_wait3A_32 = arith.constant 0 : i32
      %dma_wait3A_33 = arith.constant 0 : i32
      %dma_wait3A_34 = tpu.memref_slice %arg2[%add3A, %dma_wait3A_32, %dma_wait3A_33] : memref<32x8x128xi32, #tpu.memory_space<hbm>> -> memref<1x8x128xi32, #tpu.memory_space<hbm>>
      %dma_wait3A_35 = tpu.memref_squeeze %dma_wait3A_34 : memref<1x8x128xi32, #tpu.memory_space<hbm>> -> memref<8x128xi32, #tpu.memory_space<hbm>>
      tpu.wait_dma2 semaphore(%run_scoped3A : memref<!tpu.dma_semaphore, #tpu.memory_space<semaphore_mem>>) src(%dma_wait3A_35 : memref<8x128xi32, #tpu.memory_space<hbm>>) dst(%arg5 : memref<8x128xi32, #tpu.memory_space<vmem>>)
      tpu.yield
    }) : () -> ()
    %dma_start3A = arith.constant 0 : i32
    %dma_start3A_3 = arith.constant 0 : i32
    %dma_start3A_4 = tpu.memref_slice %arg5[%dma_start3A, %dma_start3A_3] : memref<8x128xi32, #tpu.memory_space<vmem>> -> memref<1x128xi32, #tpu.memory_space<vmem>>
    %dma_start3A_5 = tpu.memref_squeeze %dma_start3A_4 : memref<1x128xi32, #tpu.memory_space<vmem>> -> memref<128xi32, #tpu.memory_space<vmem>>
    %dma_start3A_6 = arith.constant 0 : i32
    %dma_start3A_7 = arith.constant 0 : i32
    %dma_start3A_8 = tpu.memref_slice %arg3[%dma_start3A_6, %dma_start3A_7] : memref<30522x384xi32, #tpu.memory_space<hbm>> -> memref<30522x384xi32, #tpu.memory_space<hbm>>
    tpu.enqueue_indirect_dma source(%dma_start3A_8 : memref<30522x384xi32, #tpu.memory_space<hbm>>) target(%arg6 : memref<128x384xi32, #tpu.memory_space<vmem>>) offsets(%dma_start3A_5 : memref<128xi32, #tpu.memory_space<vmem>>) semaphore(%arg8 : memref<!tpu.dma_semaphore, #tpu.memory_space<semaphore_mem>>)
    %scan3A = arith.constant 0 : i32
    %scan3A_9 = arith.constant 0 : i32
    %scan3A_10 = arith.constant 4 : i32
    %scan3A_11 = arith.addi %scan3A_9, %scan3A_10 : i32
    %scan3A_12 = arith.constant 1 : i32
    %scan3A_13 = scf.for %scan3A_20 = %scan3A_9 to %scan3A_11 step %scan3A_12 iter_args(%scan3A_21 = %scan3A) -> (i32)  : i32 {
      %mul3A_22 = arith.constant 2 : i32
      %mul3A_23 = arith.muli %mul3A_22, %scan3A_20 : i32
      %dma_wait3A_24 = arith.constant 0 : i32
      %dma_wait3A_25 = tpu.memref_slice %arg5[%mul3A_23, %dma_wait3A_24] : memref<8x128xi32, #tpu.memory_space<vmem>> -> memref<1x128xi32, #tpu.memory_space<vmem>>
      %dma_wait3A_26 = tpu.memref_squeeze %dma_wait3A_25 : memref<1x128xi32, #tpu.memory_space<vmem>> -> memref<128xi32, #tpu.memory_space<vmem>>
      %dma_wait3A_27 = arith.constant 0 : i32
      %dma_wait3A_28 = arith.constant 0 : i32
      %dma_wait3A_29 = tpu.memref_slice %arg3[%dma_wait3A_27, %dma_wait3A_28] : memref<30522x384xi32, #tpu.memory_space<hbm>> -> memref<30522x384xi32, #tpu.memory_space<hbm>>
      tpu.wait_indirect_dma semaphore(%arg8 : memref<!tpu.dma_semaphore, #tpu.memory_space<semaphore_mem>>) src(%dma_wait3A_29 : memref<30522x384xi32, #tpu.memory_space<hbm>>) dst(%arg6 : memref<128x384xi32, #tpu.memory_space<vmem>>)
      %mul3A_30 = arith.constant 128 : i32
      %mul3A_31 = arith.muli %mul3A_23, %mul3A_30 : i32
      %add3A_32 = arith.addi %mul3A_2, %mul3A_31 : i32
      %dma_start3A_33 = arith.constant 0 : i32
      %dma_start3A_34 = tpu.memref_slice %arg4[%add3A_32, %dma_start3A_33] : memref<32768x384xi32, #tpu.memory_space<hbm>> -> memref<128x384xi32, #tpu.memory_space<hbm>>
      %dma_start3A_35 = arith.constant 0 : i32
      %dma_start3A_36 = tpu.memref_slice %arg4[%add3A_32, %dma_start3A_35] : memref<32768x384xi32, #tpu.memory_space<hbm>> -> memref<128x384xi32, #tpu.memory_space<hbm>>
      tpu.enqueue_dma source(%arg6 : memref<128x384xi32, #tpu.memory_space<vmem>>) target(%dma_start3A_36 : memref<128x384xi32, #tpu.memory_space<hbm>>) target_semaphore(%arg10 : memref<!tpu.dma_semaphore, #tpu.memory_space<semaphore_mem>>)
      %gt3A = arith.constant 0 : i32
      %gt3A_37 = arith.cmpi sgt, %scan3A_20, %gt3A : i32
      %convert_element_type3A = arith.extui %gt3A_37 : i1 to i32
      %cond3A = arith.constant 0 : i32
      %cond3A_38 = arith.cmpi ne, %convert_element_type3A, %cond3A : i32
      scf.if %cond3A_38 {
        %sub3A = arith.constant 1 : i32
        %sub3A_78 = arith.subi %mul3A_23, %sub3A : i32
        %mul3A_79 = arith.constant 128 : i32
        %mul3A_80 = arith.muli %sub3A_78, %mul3A_79 : i32
        %add3A_81 = arith.addi %mul3A_2, %mul3A_80 : i32
        %dma_wait3A_82 = arith.constant 0 : i32
        %dma_wait3A_83 = tpu.memref_slice %arg4[%add3A_81, %dma_wait3A_82] : memref<32768x384xi32, #tpu.memory_space<hbm>> -> memref<128x384xi32, #tpu.memory_space<hbm>>
        %dma_wait3A_84 = arith.constant 0 : i32
        %dma_wait3A_85 = tpu.memref_slice %arg4[%add3A_81, %dma_wait3A_84] : memref<32768x384xi32, #tpu.memory_space<hbm>> -> memref<128x384xi32, #tpu.memory_space<hbm>>
        tpu.wait_dma2 semaphore(%arg11 : memref<!tpu.dma_semaphore, #tpu.memory_space<semaphore_mem>>) src(%arg7 : memref<128x384xi32, #tpu.memory_space<vmem>>) dst(%dma_wait3A_85 : memref<128x384xi32, #tpu.memory_space<hbm>>)
      } else {
      }
      %add3A_39 = arith.constant 1 : i32
      %add3A_40 = arith.addi %mul3A_23, %add3A_39 : i32
      %dma_start3A_41 = arith.constant 0 : i32
      %dma_start3A_42 = tpu.memref_slice %arg5[%add3A_40, %dma_start3A_41] : memref<8x128xi32, #tpu.memory_space<vmem>> -> memref<1x128xi32, #tpu.memory_space<vmem>>
      %dma_start3A_43 = tpu.memref_squeeze %dma_start3A_42 : memref<1x128xi32, #tpu.memory_space<vmem>> -> memref<128xi32, #tpu.memory_space<vmem>>
      %dma_start3A_44 = arith.constant 0 : i32
      %dma_start3A_45 = arith.constant 0 : i32
      %dma_start3A_46 = tpu.memref_slice %arg3[%dma_start3A_44, %dma_start3A_45] : memref<30522x384xi32, #tpu.memory_space<hbm>> -> memref<30522x384xi32, #tpu.memory_space<hbm>>
      tpu.enqueue_indirect_dma source(%dma_start3A_46 : memref<30522x384xi32, #tpu.memory_space<hbm>>) target(%arg7 : memref<128x384xi32, #tpu.memory_space<vmem>>) offsets(%dma_start3A_43 : memref<128xi32, #tpu.memory_space<vmem>>) semaphore(%arg9 : memref<!tpu.dma_semaphore, #tpu.memory_space<semaphore_mem>>)
      %add3A_47 = arith.constant 1 : i32
      %add3A_48 = arith.addi %mul3A_23, %add3A_47 : i32
      %dma_wait3A_49 = arith.constant 0 : i32
      %dma_wait3A_50 = tpu.memref_slice %arg5[%add3A_48, %dma_wait3A_49] : memref<8x128xi32, #tpu.memory_space<vmem>> -> memref<1x128xi32, #tpu.memory_space<vmem>>
      %dma_wait3A_51 = tpu.memref_squeeze %dma_wait3A_50 : memref<1x128xi32, #tpu.memory_space<vmem>> -> memref<128xi32, #tpu.memory_space<vmem>>
      %dma_wait3A_52 = arith.constant 0 : i32
      %dma_wait3A_53 = arith.constant 0 : i32
      %dma_wait3A_54 = tpu.memref_slice %arg3[%dma_wait3A_52, %dma_wait3A_53] : memref<30522x384xi32, #tpu.memory_space<hbm>> -> memref<30522x384xi32, #tpu.memory_space<hbm>>
      tpu.wait_indirect_dma semaphore(%arg9 : memref<!tpu.dma_semaphore, #tpu.memory_space<semaphore_mem>>) src(%dma_wait3A_54 : memref<30522x384xi32, #tpu.memory_space<hbm>>) dst(%arg7 : memref<128x384xi32, #tpu.memory_space<vmem>>)
      %add3A_55 = arith.constant 1 : i32
      %add3A_56 = arith.addi %mul3A_23, %add3A_55 : i32
      %mul3A_57 = arith.constant 128 : i32
      %mul3A_58 = arith.muli %add3A_56, %mul3A_57 : i32
      %add3A_59 = arith.addi %mul3A_2, %mul3A_58 : i32
      %dma_start3A_60 = arith.constant 0 : i32
      %dma_start3A_61 = tpu.memref_slice %arg4[%add3A_59, %dma_start3A_60] : memref<32768x384xi32, #tpu.memory_space<hbm>> -> memref<128x384xi32, #tpu.memory_space<hbm>>
      %dma_start3A_62 = arith.constant 0 : i32
      %dma_start3A_63 = tpu.memref_slice %arg4[%add3A_59, %dma_start3A_62] : memref<32768x384xi32, #tpu.memory_space<hbm>> -> memref<128x384xi32, #tpu.memory_space<hbm>>
      tpu.enqueue_dma source(%arg7 : memref<128x384xi32, #tpu.memory_space<vmem>>) target(%dma_start3A_63 : memref<128x384xi32, #tpu.memory_space<hbm>>) target_semaphore(%arg11 : memref<!tpu.dma_semaphore, #tpu.memory_space<semaphore_mem>>)
      %mul3A_64 = arith.constant 128 : i32
      %mul3A_65 = arith.muli %mul3A_23, %mul3A_64 : i32
      %add3A_66 = arith.addi %mul3A_2, %mul3A_65 : i32
      %dma_wait3A_67 = arith.constant 0 : i32
      %dma_wait3A_68 = tpu.memref_slice %arg4[%add3A_66, %dma_wait3A_67] : memref<32768x384xi32, #tpu.memory_space<hbm>> -> memref<128x384xi32, #tpu.memory_space<hbm>>
      %dma_wait3A_69 = arith.constant 0 : i32
      %dma_wait3A_70 = tpu.memref_slice %arg4[%add3A_66, %dma_wait3A_69] : memref<32768x384xi32, #tpu.memory_space<hbm>> -> memref<128x384xi32, #tpu.memory_space<hbm>>
      tpu.wait_dma2 semaphore(%arg10 : memref<!tpu.dma_semaphore, #tpu.memory_space<semaphore_mem>>) src(%arg6 : memref<128x384xi32, #tpu.memory_space<vmem>>) dst(%dma_wait3A_70 : memref<128x384xi32, #tpu.memory_space<hbm>>)
      %add3A_71 = arith.constant 1 : i32
      %add3A_72 = arith.addi %scan3A_20, %add3A_71 : i32
      %lt3A = arith.constant 4 : i32
      %lt3A_73 = arith.cmpi slt, %add3A_72, %lt3A : i32
      %convert_element_type3A_74 = arith.extui %lt3A_73 : i1 to i32
      %cond3A_75 = arith.constant 0 : i32
      %cond3A_76 = arith.cmpi ne, %convert_element_type3A_74, %cond3A_75 : i32
      scf.if %cond3A_76 {
        %add3A_78 = arith.constant 2 : i32
        %add3A_79 = arith.addi %mul3A_23, %add3A_78 : i32
        %dma_start3A_80 = arith.constant 0 : i32
        %dma_start3A_81 = tpu.memref_slice %arg5[%add3A_79, %dma_start3A_80] : memref<8x128xi32, #tpu.memory_space<vmem>> -> memref<1x128xi32, #tpu.memory_space<vmem>>
        %dma_start3A_82 = tpu.memref_squeeze %dma_start3A_81 : memref<1x128xi32, #tpu.memory_space<vmem>> -> memref<128xi32, #tpu.memory_space<vmem>>
        %dma_start3A_83 = arith.constant 0 : i32
        %dma_start3A_84 = arith.constant 0 : i32
        %dma_start3A_85 = tpu.memref_slice %arg3[%dma_start3A_83, %dma_start3A_84] : memref<30522x384xi32, #tpu.memory_space<hbm>> -> memref<30522x384xi32, #tpu.memory_space<hbm>>
        tpu.enqueue_indirect_dma source(%dma_start3A_85 : memref<30522x384xi32, #tpu.memory_space<hbm>>) target(%arg6 : memref<128x384xi32, #tpu.memory_space<vmem>>) offsets(%dma_start3A_82 : memref<128xi32, #tpu.memory_space<vmem>>) semaphore(%arg8 : memref<!tpu.dma_semaphore, #tpu.memory_space<semaphore_mem>>)
      } else {
      }
      %scan3A_77 = arith.constant 0 : i32
      scf.yield %scan3A_77 : i32
    }
    %scan3A_14 = arith.constant 4 : i32
    %add3A_15 = arith.constant 896 : i32
    %add3A_16 = arith.addi %mul3A_2, %add3A_15 : i32
    %dma_wait3A = arith.constant 0 : i32
    %dma_wait3A_17 = tpu.memref_slice %arg4[%add3A_16, %dma_wait3A] : memref<32768x384xi32, #tpu.memory_space<hbm>> -> memref<128x384xi32, #tpu.memory_space<hbm>>
    %dma_wait3A_18 = arith.constant 0 : i32
    %dma_wait3A_19 = tpu.memref_slice %arg4[%add3A_16, %dma_wait3A_18] : memref<32768x384xi32, #tpu.memory_space<hbm>> -> memref<128x384xi32, #tpu.memory_space<hbm>>
    tpu.wait_dma2 semaphore(%arg11 : memref<!tpu.dma_semaphore, #tpu.memory_space<semaphore_mem>>) src(%arg7 : memref<128x384xi32, #tpu.memory_space<vmem>>) dst(%dma_wait3A_19 : memref<128x384xi32, #tpu.memory_space<hbm>>)
    return
  }
}

module attributes {stable_mosaic.version = 14 : i64} {
  func.func @_mm_body(%arg0: i32, %arg1: memref<1024x384xi32, #tpu.memory_space<vmem>>, %arg2: memref<768x256xf32, #tpu.memory_space<vmem>>, %arg3: memref<1024x256xf32, #tpu.memory_space<vmem>>, %arg4: memref<1024x256xf32, #tpu.memory_space<vmem>>) attributes {dimension_semantics = [#tpu.dimension_semantics<arbitrary>], iteration_bounds = array<i64: 32>, scalar_prefetch = 0 : i64, scratch_operands = 0 : i64, tpu.core_type = #tpu.core_type<tc>, window_params = [{transform_indices = @transform_0, window_bounds = array<i64: 1024, 384>}, {transform_indices = @transform_1, window_bounds = array<i64: 768, 256>}, {pipeline_mode = #tpu.pipeline_mode<synchronous>, transform_indices = @transform_2, window_bounds = array<i64: 1024, 256>}, {pipeline_mode = #tpu.pipeline_mode<synchronous>, transform_indices = @transform_3, window_bounds = array<i64: 1024, 256>}]} {
    %eq3A = arith.constant 0 : i32
    %eq3A_0 = arith.cmpi eq, %arg0, %eq3A : i32
    %convert_element_type3A = arith.extui %eq3A_0 : i1 to i32
    %cond3A = arith.constant 0 : i32
    %cond3A_1 = arith.cmpi ne, %convert_element_type3A, %cond3A : i32
    scf.if %cond3A_1 {
      %get3A_30 = arith.constant 0 : index
      %get3A_31 = arith.constant 0 : index
      %get3A_32 = vector.load %arg3[%get3A_30, %get3A_31] : memref<1024x256xf32, #tpu.memory_space<vmem>>, vector<1024x256xf32>
      %swap3A_33 = arith.constant 0 : index
      %swap3A_34 = arith.constant 0 : index
      %swap3A_35 = vector.load %arg4[%swap3A_33, %swap3A_34] : memref<1024x256xf32, #tpu.memory_space<vmem>>, vector<1024x256xf32>
      tpu.vector_store %arg4[%swap3A_33, %swap3A_34], %get3A_32 {strides = array<i32>} : memref<1024x256xf32, #tpu.memory_space<vmem>>, vector<1024x256xf32>,
    } else {
    }
    %get3A = arith.constant 0 : index
    %get3A_2 = arith.constant 0 : index
    %get3A_3 = vector.load %arg1[%get3A, %get3A_2] : memref<1024x384xi32, #tpu.memory_space<vmem>>, vector<1024x384xi32>
    %shift_left3A = arith.constant 16 : i32
    %shift_left3A_4 = vector.broadcast %shift_left3A : i32 to vector<1024x384xi32>
    %shift_left3A_5 = arith.shli %get3A_3, %shift_left3A_4 : vector<1024x384xi32>
    %bitcast_convert_type3A = tpu.bitcast %shift_left3A_5 : vector<1024x384xi32> -> vector<1024x384xf32>
    %and3A = arith.constant -65536 : i32
    %and3A_6 = vector.broadcast %and3A : i32 to vector<1024x384xi32>
    %and3A_7 = arith.andi %get3A_3, %and3A_6 : vector<1024x384xi32>
    %bitcast_convert_type3A_8 = tpu.bitcast %and3A_7 : vector<1024x384xi32> -> vector<1024x384xf32>
    %get3A_9 = arith.constant 0 : index
    %get3A_10 = arith.constant 0 : index
    %get3A_11 = vector.load %arg4[%get3A_9, %get3A_10] : memref<1024x256xf32, #tpu.memory_space<vmem>>, vector<1024x256xf32>
    %get3A_12 = arith.constant 0 : index
    %get3A_13 = arith.constant 0 : index
    %get3A_14 = vector.load %arg2[%get3A_12, %get3A_13] : memref<768x256xf32, #tpu.memory_space<vmem>>, vector<384x256xf32>
    %dot_general3A = arith.constant dense<0.000000e+00> : vector<1024x256xf32>
    %dot_general3A_15 = tpu.matmul %bitcast_convert_type3A, %get3A_14, %dot_general3A {dimension_numbers = #tpu.dot_dimension_numbers<[1], [0], [0], [1], [0, 0, 1, 1], [], []>, transpose_lhs_hint = false} : vector<1024x384xf32>, vector<384x256xf32>, vector<1024x256xf32> -> vector<1024x256xf32>
    %add3A = arith.addf %get3A_11, %dot_general3A_15 : vector<1024x256xf32>
    %swap3A = arith.constant 0 : index
    %swap3A_16 = arith.constant 0 : index
    %swap3A_17 = vector.load %arg4[%swap3A, %swap3A_16] : memref<1024x256xf32, #tpu.memory_space<vmem>>, vector<1024x256xf32>
    tpu.vector_store %arg4[%swap3A, %swap3A_16], %add3A {strides = array<i32>} : memref<1024x256xf32, #tpu.memory_space<vmem>>, vector<1024x256xf32>,
    %get3A_18 = arith.constant 0 : index
    %get3A_19 = arith.constant 0 : index
    %get3A_20 = vector.load %arg4[%get3A_18, %get3A_19] : memref<1024x256xf32, #tpu.memory_space<vmem>>, vector<1024x256xf32>
    %get3A_21 = arith.constant 384 : index
    %get3A_22 = arith.constant 0 : index
    %get3A_23 = vector.load %arg2[%get3A_21, %get3A_22] : memref<768x256xf32, #tpu.memory_space<vmem>>, vector<384x256xf32>
    %dot_general3A_24 = arith.constant dense<0.000000e+00> : vector<1024x256xf32>
    %dot_general3A_25 = tpu.matmul %bitcast_convert_type3A_8, %get3A_23, %dot_general3A_24 {dimension_numbers = #tpu.dot_dimension_numbers<[1], [0], [0], [1], [0, 0, 1, 1], [], []>, transpose_lhs_hint = false} : vector<1024x384xf32>, vector<384x256xf32>, vector<1024x256xf32> -> vector<1024x256xf32>
    %add3A_26 = arith.addf %get3A_20, %dot_general3A_25 : vector<1024x256xf32>
    %swap3A_27 = arith.constant 0 : index
    %swap3A_28 = arith.constant 0 : index
    %swap3A_29 = vector.load %arg4[%swap3A_27, %swap3A_28] : memref<1024x256xf32, #tpu.memory_space<vmem>>, vector<1024x256xf32>
    tpu.vector_store %arg4[%swap3A_27, %swap3A_28], %add3A_26 {strides = array<i32>} : memref<1024x256xf32, #tpu.memory_space<vmem>>, vector<1024x256xf32>,
    return
  }
  func.func @transform_0(%arg0: i32) -> (i32, i32) {
    %c0_i32 = arith.constant 0 : i32
    %c0_i32_0 = arith.constant 0 : i32
    return %arg0, %c0_i32 : i32, i32
  }
  func.func @transform_1(%arg0: i32) -> (i32, i32) {
    %add3A = arith.constant 0 : i32
    %add3A_0 = arith.addi %add3A, %arg0 : i32
    %c0_i32 = arith.constant 0 : i32
    %c0_i32_1 = arith.constant 0 : i32
    return %add3A_0, %c0_i32 : i32, i32
  }
  func.func @transform_2(%arg0: i32) -> (i32, i32) {
    %c0_i32 = arith.constant 0 : i32
    %c0_i32_0 = arith.constant 0 : i32
    %c0_i32_1 = arith.constant 0 : i32
    return %c0_i32, %c0_i32_0 : i32, i32
  }
  func.func @transform_3(%arg0: i32) -> (i32, i32) {
    %c0_i32 = arith.constant 0 : i32
    %c0_i32_0 = arith.constant 0 : i32
    %c0_i32_1 = arith.constant 0 : i32
    return %c0_i32, %c0_i32_0 : i32, i32
  }
}

module attributes {stable_mosaic.version = 14 : i64} {
  func.func @_mm_body(%arg0: i32, %arg1: memref<1024x384xi32, #tpu.memory_space<vmem>>, %arg2: memref<768x256xf32, #tpu.memory_space<vmem>>, %arg3: memref<1024x256xf32, #tpu.memory_space<vmem>>, %arg4: memref<1024x256xf32, #tpu.memory_space<vmem>>) attributes {dimension_semantics = [#tpu.dimension_semantics<arbitrary>], iteration_bounds = array<i64: 32>, scalar_prefetch = 0 : i64, scratch_operands = 0 : i64, tpu.core_type = #tpu.core_type<tc>, window_params = [{transform_indices = @transform_0, window_bounds = array<i64: 1024, 384>}, {transform_indices = @transform_1, window_bounds = array<i64: 768, 256>}, {pipeline_mode = #tpu.pipeline_mode<synchronous>, transform_indices = @transform_2, window_bounds = array<i64: 1024, 256>}, {pipeline_mode = #tpu.pipeline_mode<synchronous>, transform_indices = @transform_3, window_bounds = array<i64: 1024, 256>}]} {
    %eq3A = arith.constant 0 : i32
    %eq3A_0 = arith.cmpi eq, %arg0, %eq3A : i32
    %convert_element_type3A = arith.extui %eq3A_0 : i1 to i32
    %cond3A = arith.constant 0 : i32
    %cond3A_1 = arith.cmpi ne, %convert_element_type3A, %cond3A : i32
    scf.if %cond3A_1 {
      %get3A_30 = arith.constant 0 : index
      %get3A_31 = arith.constant 0 : index
      %get3A_32 = vector.load %arg3[%get3A_30, %get3A_31] : memref<1024x256xf32, #tpu.memory_space<vmem>>, vector<1024x256xf32>
      %swap3A_33 = arith.constant 0 : index
      %swap3A_34 = arith.constant 0 : index
      %swap3A_35 = vector.load %arg4[%swap3A_33, %swap3A_34] : memref<1024x256xf32, #tpu.memory_space<vmem>>, vector<1024x256xf32>
      tpu.vector_store %arg4[%swap3A_33, %swap3A_34], %get3A_32 {strides = array<i32>} : memref<1024x256xf32, #tpu.memory_space<vmem>>, vector<1024x256xf32>,
    } else {
    }
    %get3A = arith.constant 0 : index
    %get3A_2 = arith.constant 0 : index
    %get3A_3 = vector.load %arg1[%get3A, %get3A_2] : memref<1024x384xi32, #tpu.memory_space<vmem>>, vector<1024x384xi32>
    %shift_left3A = arith.constant 16 : i32
    %shift_left3A_4 = vector.broadcast %shift_left3A : i32 to vector<1024x384xi32>
    %shift_left3A_5 = arith.shli %get3A_3, %shift_left3A_4 : vector<1024x384xi32>
    %bitcast_convert_type3A = tpu.bitcast %shift_left3A_5 : vector<1024x384xi32> -> vector<1024x384xf32>
    %and3A = arith.constant -65536 : i32
    %and3A_6 = vector.broadcast %and3A : i32 to vector<1024x384xi32>
    %and3A_7 = arith.andi %get3A_3, %and3A_6 : vector<1024x384xi32>
    %bitcast_convert_type3A_8 = tpu.bitcast %and3A_7 : vector<1024x384xi32> -> vector<1024x384xf32>
    %get3A_9 = arith.constant 0 : index
    %get3A_10 = arith.constant 0 : index
    %get3A_11 = vector.load %arg4[%get3A_9, %get3A_10] : memref<1024x256xf32, #tpu.memory_space<vmem>>, vector<1024x256xf32>
    %get3A_12 = arith.constant 0 : index
    %get3A_13 = arith.constant 0 : index
    %get3A_14 = vector.load %arg2[%get3A_12, %get3A_13] : memref<768x256xf32, #tpu.memory_space<vmem>>, vector<384x256xf32>
    %dot_general3A = arith.constant dense<0.000000e+00> : vector<1024x256xf32>
    %dot_general3A_15 = tpu.matmul %bitcast_convert_type3A, %get3A_14, %dot_general3A {dimension_numbers = #tpu.dot_dimension_numbers<[1], [0], [0], [1], [0, 0, 1, 1], [], []>, transpose_lhs_hint = false} : vector<1024x384xf32>, vector<384x256xf32>, vector<1024x256xf32> -> vector<1024x256xf32>
    %add3A = arith.addf %get3A_11, %dot_general3A_15 : vector<1024x256xf32>
    %swap3A = arith.constant 0 : index
    %swap3A_16 = arith.constant 0 : index
    %swap3A_17 = vector.load %arg4[%swap3A, %swap3A_16] : memref<1024x256xf32, #tpu.memory_space<vmem>>, vector<1024x256xf32>
    tpu.vector_store %arg4[%swap3A, %swap3A_16], %add3A {strides = array<i32>} : memref<1024x256xf32, #tpu.memory_space<vmem>>, vector<1024x256xf32>,
    %get3A_18 = arith.constant 0 : index
    %get3A_19 = arith.constant 0 : index
    %get3A_20 = vector.load %arg4[%get3A_18, %get3A_19] : memref<1024x256xf32, #tpu.memory_space<vmem>>, vector<1024x256xf32>
    %get3A_21 = arith.constant 384 : index
    %get3A_22 = arith.constant 0 : index
    %get3A_23 = vector.load %arg2[%get3A_21, %get3A_22] : memref<768x256xf32, #tpu.memory_space<vmem>>, vector<384x256xf32>
    %dot_general3A_24 = arith.constant dense<0.000000e+00> : vector<1024x256xf32>
    %dot_general3A_25 = tpu.matmul %bitcast_convert_type3A_8, %get3A_23, %dot_general3A_24 {dimension_numbers = #tpu.dot_dimension_numbers<[1], [0], [0], [1], [0, 0, 1, 1], [], []>, transpose_lhs_hint = false} : vector<1024x384xf32>, vector<384x256xf32>, vector<1024x256xf32> -> vector<1024x256xf32>
    %add3A_26 = arith.addf %get3A_20, %dot_general3A_25 : vector<1024x256xf32>
    %swap3A_27 = arith.constant 0 : index
    %swap3A_28 = arith.constant 0 : index
    %swap3A_29 = vector.load %arg4[%swap3A_27, %swap3A_28] : memref<1024x256xf32, #tpu.memory_space<vmem>>, vector<1024x256xf32>
    tpu.vector_store %arg4[%swap3A_27, %swap3A_28], %add3A_26 {strides = array<i32>} : memref<1024x256xf32, #tpu.memory_space<vmem>>, vector<1024x256xf32>,
    return
  }
  func.func @transform_0(%arg0: i32) -> (i32, i32) {
    %c0_i32 = arith.constant 0 : i32
    %c0_i32_0 = arith.constant 0 : i32
    return %arg0, %c0_i32 : i32, i32
  }
  func.func @transform_1(%arg0: i32) -> (i32, i32) {
    %add3A = arith.constant 32 : i32
    %add3A_0 = arith.addi %add3A, %arg0 : i32
    %c0_i32 = arith.constant 0 : i32
    %c0_i32_1 = arith.constant 0 : i32
    return %add3A_0, %c0_i32 : i32, i32
  }
  func.func @transform_2(%arg0: i32) -> (i32, i32) {
    %c0_i32 = arith.constant 0 : i32
    %c0_i32_0 = arith.constant 0 : i32
    %c0_i32_1 = arith.constant 0 : i32
    return %c0_i32, %c0_i32_0 : i32, i32
  }
  func.func @transform_3(%arg0: i32) -> (i32, i32) {
    %c0_i32 = arith.constant 0 : i32
    %c0_i32_0 = arith.constant 0 : i32
    %c0_i32_1 = arith.constant 0 : i32
    return %c0_i32, %c0_i32_0 : i32, i32
  }
}

module attributes {stable_mosaic.version = 14 : i64} {
  func.func @_mm_body(%arg0: i32, %arg1: memref<1024x384xi32, #tpu.memory_space<vmem>>, %arg2: memref<768x256xf32, #tpu.memory_space<vmem>>, %arg3: memref<1024x256xf32, #tpu.memory_space<vmem>>, %arg4: memref<1024x256xf32, #tpu.memory_space<vmem>>) attributes {dimension_semantics = [#tpu.dimension_semantics<arbitrary>], iteration_bounds = array<i64: 32>, scalar_prefetch = 0 : i64, scratch_operands = 0 : i64, tpu.core_type = #tpu.core_type<tc>, window_params = [{transform_indices = @transform_0, window_bounds = array<i64: 1024, 384>}, {transform_indices = @transform_1, window_bounds = array<i64: 768, 256>}, {pipeline_mode = #tpu.pipeline_mode<synchronous>, transform_indices = @transform_2, window_bounds = array<i64: 1024, 256>}, {pipeline_mode = #tpu.pipeline_mode<synchronous>, transform_indices = @transform_3, window_bounds = array<i64: 1024, 256>}]} {
    %eq3A = arith.constant 0 : i32
    %eq3A_0 = arith.cmpi eq, %arg0, %eq3A : i32
    %convert_element_type3A = arith.extui %eq3A_0 : i1 to i32
    %cond3A = arith.constant 0 : i32
    %cond3A_1 = arith.cmpi ne, %convert_element_type3A, %cond3A : i32
    scf.if %cond3A_1 {
      %get3A_30 = arith.constant 0 : index
      %get3A_31 = arith.constant 0 : index
      %get3A_32 = vector.load %arg3[%get3A_30, %get3A_31] : memref<1024x256xf32, #tpu.memory_space<vmem>>, vector<1024x256xf32>
      %swap3A_33 = arith.constant 0 : index
      %swap3A_34 = arith.constant 0 : index
      %swap3A_35 = vector.load %arg4[%swap3A_33, %swap3A_34] : memref<1024x256xf32, #tpu.memory_space<vmem>>, vector<1024x256xf32>
      tpu.vector_store %arg4[%swap3A_33, %swap3A_34], %get3A_32 {strides = array<i32>} : memref<1024x256xf32, #tpu.memory_space<vmem>>, vector<1024x256xf32>,
    } else {
    }
    %get3A = arith.constant 0 : index
    %get3A_2 = arith.constant 0 : index
    %get3A_3 = vector.load %arg1[%get3A, %get3A_2] : memref<1024x384xi32, #tpu.memory_space<vmem>>, vector<1024x384xi32>
    %shift_left3A = arith.constant 16 : i32
    %shift_left3A_4 = vector.broadcast %shift_left3A : i32 to vector<1024x384xi32>
    %shift_left3A_5 = arith.shli %get3A_3, %shift_left3A_4 : vector<1024x384xi32>
    %bitcast_convert_type3A = tpu.bitcast %shift_left3A_5 : vector<1024x384xi32> -> vector<1024x384xf32>
    %and3A = arith.constant -65536 : i32
    %and3A_6 = vector.broadcast %and3A : i32 to vector<1024x384xi32>
    %and3A_7 = arith.andi %get3A_3, %and3A_6 : vector<1024x384xi32>
    %bitcast_convert_type3A_8 = tpu.bitcast %and3A_7 : vector<1024x384xi32> -> vector<1024x384xf32>
    %get3A_9 = arith.constant 0 : index
    %get3A_10 = arith.constant 0 : index
    %get3A_11 = vector.load %arg4[%get3A_9, %get3A_10] : memref<1024x256xf32, #tpu.memory_space<vmem>>, vector<1024x256xf32>
    %get3A_12 = arith.constant 0 : index
    %get3A_13 = arith.constant 0 : index
    %get3A_14 = vector.load %arg2[%get3A_12, %get3A_13] : memref<768x256xf32, #tpu.memory_space<vmem>>, vector<384x256xf32>
    %dot_general3A = arith.constant dense<0.000000e+00> : vector<1024x256xf32>
    %dot_general3A_15 = tpu.matmul %bitcast_convert_type3A, %get3A_14, %dot_general3A {dimension_numbers = #tpu.dot_dimension_numbers<[1], [0], [0], [1], [0, 0, 1, 1], [], []>, transpose_lhs_hint = false} : vector<1024x384xf32>, vector<384x256xf32>, vector<1024x256xf32> -> vector<1024x256xf32>
    %add3A = arith.addf %get3A_11, %dot_general3A_15 : vector<1024x256xf32>
    %swap3A = arith.constant 0 : index
    %swap3A_16 = arith.constant 0 : index
    %swap3A_17 = vector.load %arg4[%swap3A, %swap3A_16] : memref<1024x256xf32, #tpu.memory_space<vmem>>, vector<1024x256xf32>
    tpu.vector_store %arg4[%swap3A, %swap3A_16], %add3A {strides = array<i32>} : memref<1024x256xf32, #tpu.memory_space<vmem>>, vector<1024x256xf32>,
    %get3A_18 = arith.constant 0 : index
    %get3A_19 = arith.constant 0 : index
    %get3A_20 = vector.load %arg4[%get3A_18, %get3A_19] : memref<1024x256xf32, #tpu.memory_space<vmem>>, vector<1024x256xf32>
    %get3A_21 = arith.constant 384 : index
    %get3A_22 = arith.constant 0 : index
    %get3A_23 = vector.load %arg2[%get3A_21, %get3A_22] : memref<768x256xf32, #tpu.memory_space<vmem>>, vector<384x256xf32>
    %dot_general3A_24 = arith.constant dense<0.000000e+00> : vector<1024x256xf32>
    %dot_general3A_25 = tpu.matmul %bitcast_convert_type3A_8, %get3A_23, %dot_general3A_24 {dimension_numbers = #tpu.dot_dimension_numbers<[1], [0], [0], [1], [0, 0, 1, 1], [], []>, transpose_lhs_hint = false} : vector<1024x384xf32>, vector<384x256xf32>, vector<1024x256xf32> -> vector<1024x256xf32>
    %add3A_26 = arith.addf %get3A_20, %dot_general3A_25 : vector<1024x256xf32>
    %swap3A_27 = arith.constant 0 : index
    %swap3A_28 = arith.constant 0 : index
    %swap3A_29 = vector.load %arg4[%swap3A_27, %swap3A_28] : memref<1024x256xf32, #tpu.memory_space<vmem>>, vector<1024x256xf32>
    tpu.vector_store %arg4[%swap3A_27, %swap3A_28], %add3A_26 {strides = array<i32>} : memref<1024x256xf32, #tpu.memory_space<vmem>>, vector<1024x256xf32>,
    return
  }
  func.func @transform_0(%arg0: i32) -> (i32, i32) {
    %c0_i32 = arith.constant 0 : i32
    %c0_i32_0 = arith.constant 0 : i32
    return %arg0, %c0_i32 : i32, i32
  }
  func.func @transform_1(%arg0: i32) -> (i32, i32) {
    %add3A = arith.constant 64 : i32
    %add3A_0 = arith.addi %add3A, %arg0 : i32
    %c0_i32 = arith.constant 0 : i32
    %c0_i32_1 = arith.constant 0 : i32
    return %add3A_0, %c0_i32 : i32, i32
  }
  func.func @transform_2(%arg0: i32) -> (i32, i32) {
    %c0_i32 = arith.constant 0 : i32
    %c0_i32_0 = arith.constant 0 : i32
    %c0_i32_1 = arith.constant 0 : i32
    return %c0_i32, %c0_i32_0 : i32, i32
  }
  func.func @transform_3(%arg0: i32) -> (i32, i32) {
    %c0_i32 = arith.constant 0 : i32
    %c0_i32_0 = arith.constant 0 : i32
    %c0_i32_1 = arith.constant 0 : i32
    return %c0_i32, %c0_i32_0 : i32, i32
  }
}

module attributes {stable_mosaic.version = 14 : i64} {
  func.func @_mm_body(%arg0: i32, %arg1: memref<1024x384xi32, #tpu.memory_space<vmem>>, %arg2: memref<768x256xf32, #tpu.memory_space<vmem>>, %arg3: memref<1024x256xf32, #tpu.memory_space<vmem>>, %arg4: memref<1024x256xf32, #tpu.memory_space<vmem>>) attributes {dimension_semantics = [#tpu.dimension_semantics<arbitrary>], iteration_bounds = array<i64: 32>, scalar_prefetch = 0 : i64, scratch_operands = 0 : i64, tpu.core_type = #tpu.core_type<tc>, window_params = [{transform_indices = @transform_0, window_bounds = array<i64: 1024, 384>}, {transform_indices = @transform_1, window_bounds = array<i64: 768, 256>}, {pipeline_mode = #tpu.pipeline_mode<synchronous>, transform_indices = @transform_2, window_bounds = array<i64: 1024, 256>}, {pipeline_mode = #tpu.pipeline_mode<synchronous>, transform_indices = @transform_3, window_bounds = array<i64: 1024, 256>}]} {
    %eq3A = arith.constant 0 : i32
    %eq3A_0 = arith.cmpi eq, %arg0, %eq3A : i32
    %convert_element_type3A = arith.extui %eq3A_0 : i1 to i32
    %cond3A = arith.constant 0 : i32
    %cond3A_1 = arith.cmpi ne, %convert_element_type3A, %cond3A : i32
    scf.if %cond3A_1 {
      %get3A_30 = arith.constant 0 : index
      %get3A_31 = arith.constant 0 : index
      %get3A_32 = vector.load %arg3[%get3A_30, %get3A_31] : memref<1024x256xf32, #tpu.memory_space<vmem>>, vector<1024x256xf32>
      %swap3A_33 = arith.constant 0 : index
      %swap3A_34 = arith.constant 0 : index
      %swap3A_35 = vector.load %arg4[%swap3A_33, %swap3A_34] : memref<1024x256xf32, #tpu.memory_space<vmem>>, vector<1024x256xf32>
      tpu.vector_store %arg4[%swap3A_33, %swap3A_34], %get3A_32 {strides = array<i32>} : memref<1024x256xf32, #tpu.memory_space<vmem>>, vector<1024x256xf32>,
    } else {
    }
    %get3A = arith.constant 0 : index
    %get3A_2 = arith.constant 0 : index
    %get3A_3 = vector.load %arg1[%get3A, %get3A_2] : memref<1024x384xi32, #tpu.memory_space<vmem>>, vector<1024x384xi32>
    %shift_left3A = arith.constant 16 : i32
    %shift_left3A_4 = vector.broadcast %shift_left3A : i32 to vector<1024x384xi32>
    %shift_left3A_5 = arith.shli %get3A_3, %shift_left3A_4 : vector<1024x384xi32>
    %bitcast_convert_type3A = tpu.bitcast %shift_left3A_5 : vector<1024x384xi32> -> vector<1024x384xf32>
    %and3A = arith.constant -65536 : i32
    %and3A_6 = vector.broadcast %and3A : i32 to vector<1024x384xi32>
    %and3A_7 = arith.andi %get3A_3, %and3A_6 : vector<1024x384xi32>
    %bitcast_convert_type3A_8 = tpu.bitcast %and3A_7 : vector<1024x384xi32> -> vector<1024x384xf32>
    %get3A_9 = arith.constant 0 : index
    %get3A_10 = arith.constant 0 : index
    %get3A_11 = vector.load %arg4[%get3A_9, %get3A_10] : memref<1024x256xf32, #tpu.memory_space<vmem>>, vector<1024x256xf32>
    %get3A_12 = arith.constant 0 : index
    %get3A_13 = arith.constant 0 : index
    %get3A_14 = vector.load %arg2[%get3A_12, %get3A_13] : memref<768x256xf32, #tpu.memory_space<vmem>>, vector<384x256xf32>
    %dot_general3A = arith.constant dense<0.000000e+00> : vector<1024x256xf32>
    %dot_general3A_15 = tpu.matmul %bitcast_convert_type3A, %get3A_14, %dot_general3A {dimension_numbers = #tpu.dot_dimension_numbers<[1], [0], [0], [1], [0, 0, 1, 1], [], []>, transpose_lhs_hint = false} : vector<1024x384xf32>, vector<384x256xf32>, vector<1024x256xf32> -> vector<1024x256xf32>
    %add3A = arith.addf %get3A_11, %dot_general3A_15 : vector<1024x256xf32>
    %swap3A = arith.constant 0 : index
    %swap3A_16 = arith.constant 0 : index
    %swap3A_17 = vector.load %arg4[%swap3A, %swap3A_16] : memref<1024x256xf32, #tpu.memory_space<vmem>>, vector<1024x256xf32>
    tpu.vector_store %arg4[%swap3A, %swap3A_16], %add3A {strides = array<i32>} : memref<1024x256xf32, #tpu.memory_space<vmem>>, vector<1024x256xf32>,
    %get3A_18 = arith.constant 0 : index
    %get3A_19 = arith.constant 0 : index
    %get3A_20 = vector.load %arg4[%get3A_18, %get3A_19] : memref<1024x256xf32, #tpu.memory_space<vmem>>, vector<1024x256xf32>
    %get3A_21 = arith.constant 384 : index
    %get3A_22 = arith.constant 0 : index
    %get3A_23 = vector.load %arg2[%get3A_21, %get3A_22] : memref<768x256xf32, #tpu.memory_space<vmem>>, vector<384x256xf32>
    %dot_general3A_24 = arith.constant dense<0.000000e+00> : vector<1024x256xf32>
    %dot_general3A_25 = tpu.matmul %bitcast_convert_type3A_8, %get3A_23, %dot_general3A_24 {dimension_numbers = #tpu.dot_dimension_numbers<[1], [0], [0], [1], [0, 0, 1, 1], [], []>, transpose_lhs_hint = false} : vector<1024x384xf32>, vector<384x256xf32>, vector<1024x256xf32> -> vector<1024x256xf32>
    %add3A_26 = arith.addf %get3A_20, %dot_general3A_25 : vector<1024x256xf32>
    %swap3A_27 = arith.constant 0 : index
    %swap3A_28 = arith.constant 0 : index
    %swap3A_29 = vector.load %arg4[%swap3A_27, %swap3A_28] : memref<1024x256xf32, #tpu.memory_space<vmem>>, vector<1024x256xf32>
    tpu.vector_store %arg4[%swap3A_27, %swap3A_28], %add3A_26 {strides = array<i32>} : memref<1024x256xf32, #tpu.memory_space<vmem>>, vector<1024x256xf32>,
    return
  }
  func.func @transform_0(%arg0: i32) -> (i32, i32) {
    %c0_i32 = arith.constant 0 : i32
    %c0_i32_0 = arith.constant 0 : i32
    return %arg0, %c0_i32 : i32, i32
  }
  func.func @transform_1(%arg0: i32) -> (i32, i32) {
    %add3A = arith.constant 96 : i32
    %add3A_0 = arith.addi %add3A, %arg0 : i32
    %c0_i32 = arith.constant 0 : i32
    %c0_i32_1 = arith.constant 0 : i32
    return %add3A_0, %c0_i32 : i32, i32
  }
  func.func @transform_2(%arg0: i32) -> (i32, i32) {
    %c0_i32 = arith.constant 0 : i32
    %c0_i32_0 = arith.constant 0 : i32
    %c0_i32_1 = arith.constant 0 : i32
    return %c0_i32, %c0_i32_0 : i32, i32
  }
  func.func @transform_3(%arg0: i32) -> (i32, i32) {
    %c0_i32 = arith.constant 0 : i32
    %c0_i32_0 = arith.constant 0 : i32
    %c0_i32_1 = arith.constant 0 : i32
    return %c0_i32, %c0_i32_0 : i32, i32
  }
}

</mosaic_0001>

<sc_bundles>
// kernel: kernel.10.cloned.1.call-start
scs
__scs_entry_jumppad:
0x0: {  	(pc) =	sbr.rel $0x88, $3  }
0x1: {  	(tag) =	ssettag $0x0;
	lr =	simm.s32 $0x1  }
0x2: {  	[smem:$0x3F9D] =	sst lr;
	_ =	strace $0xD0000000  }
0x3: {  	_ = 	snop  }
0x4: {  	_ = 	snop  }
0x5: {  	_ = 	snop  }
0x6: {  	_ = 	snop  }
0x7: {  	_ = 	snop  }
__scs_overlays_trampoline_lowered:
0x8: {  	[smem:$0x3FAC] =	sst s0  }
0x9: {  	[smem:$0x3FAD] =	sst s1  }
0xa: {  	[smem:$0x3FAE] =	sst s2  }
0xb: {  	[smem:$0x3FAF] =	sst s3  }
0xc: {  	[smem:$0x3FB0] =	sst s4  }
0xd: {  	[smem:$0x3FB1] =	sst s5  }
0xe: {  	[smem:$0x3FB2] =	sst s6  }
0xf: {  	[smem:$0x3FB3] =	sst s7  }
0x10: {  	[smem:$0x3FB4] =	sst s8  }
0x11: {  	[smem:$0x3FB5] =	sst s9;
	s0 =	simm.s32 @!p0 $0x0  }
0x12: {  	s1 =	sld [smem:$0x3F9B];
	s0 =	simm.s32 @p0 $0x1  }
0x13: {  	[smem:$0x3FB6] =	sst s0;
	s0 =	simm.s32 @!p1 $0x0  }
0x14: {  	s2 =	sld [smem:$0x3F9A];
	s0 =	simm.s32 @p1 $0x1  }
0x15: {  	[smem:$0x3FB7] =	sst s0;
	s0 =	simm.s32 @!p2 $0x0  }
0x16: {  	s3 =	sld [smem:$0x3FDB];
	s0 =	simm.s32 @p2 $0x1  }
0x17: {  	s4 =	simm.s32 $0x1BF5;
	[smem:$0x3FB9] =	sst s0  }
0x18: {  	s0 =	sld [smem:$0x3F9C];
	_ =	swait.ge [sflag:s4], $0x0  }
0x19: {  	s7 =	sld [smem:$0x3F9D]  }
0x1a: {  	s8 =	sadd.s32 $0xFFFFE003, lr  }
0x1b: {  	s9 =	sadd.s32 $0xFFFFFEF7, lr;
	s5 =	simm.s32 $0xFFFFFFFF;
	p2 =	slt.u32 s8, $0xFFFFF086  }
0x1c: {  	p1 =	slt.u32 s9, $0xF7A;
	s5 =	simm.s32 @!p2 $0x0  }
0x1d: {  	s5 =	simm.s32 @p1 $0x1;
	p0 =	seq.s32 s7, s2  }
0x1e: {  	s7 =	smul.u32 @!p0 $0xF7A, s2;
	p2 =	seq.s32 @!p0 s5, $0x0  }
0x1f: {  	s9 =	smul.u32 $0xF7A, s1;
	s8 =	simm.s32 @!p0 $0x1BF5;
	p2 =	por !p2, p0  }
0x20: {  	[sflag:s8] =	ssyncset.s32 @!p0 $0xFFFFF086;
	s6 =	sadd.s32 @!p0 s3, s7;
	s7 =	simm.s32 @!p0 $0x108  }
0x21: {  	s3 =	sadd.s32 s3, s9;
	s6 =	sadd.s32 @!p0 $0x88, s6;
	s7 =	simm.s32 @p2 $0x1082  }
0x22: {  	[simem:s7], [sflag:s8] =	dma.local @!p0 [hbm:s6], $0xF7A  }
0x23: {  	s9 =	sor.u32 $0xD0000000, s2;
	s6 =	simm.s32 $0x108;
	_ =	swait.ge @!p0 [sflag:s8], $0x0  }
0x24: {  	s3 =	sadd.s32 $0x88, s3;
	s6 =	simm.s32 @!p1 $0x1082;
	[sflag:s4] =	ssyncset.s32 $0xFFFFF086  }
0x25: {  	[simem:s6], [sflag:s4] =	dma.local [hbm:s3], $0xF7A  }
0x26: {  	[smem:$0x3F9D] =	sst s1;
	(tag) =	ssettag s2;
	_ =	strace s9  }
0x27: {  	s1 =	sld [smem:$0x3FAD]  }
0x28: {  	s2 =	sld [smem:$0x3FAE]  }
0x29: {  	s4 =	sld [smem:$0x3FB0]  }
0x2a: {  	p0 =	seq.s32 s5, $0x0;
	s5 =	sld [smem:$0x3FB1]  }
0x2b: {  	s6 =	sld [smem:$0x3FB2]  }
0x2c: {  	s7 =	sld [smem:$0x3FB3]  }
0x2d: {  	s3 =	simm.s32 $0x108;
	s8 =	sld [smem:$0x3FB4]  }
0x2e: {  	s3 =	simm.s32 @!p0 $0x1082;
	s9 =	sld [smem:$0x3FB5]  }
0x2f: {  	lr =	sadd.s32 s0, s3;
	s0 =	sld [smem:$0x3FAC]  }
0x30: {  	s3 =	sld [smem:$0x3FAF]  }
0x31: {  	[smem:$0x3FB8] =	sst s10  }
0x32: {  	s10 =	sld [smem:$0x3FB6];
	_ =	sdelay $0x3  }
0x33: {  	p0 =	seq.s32 s10, $0x1;
	s10 =	sld [smem:$0x3FB8];
	_ =	sdelay $0x3  }
0x34: {  	[smem:$0x3FB8] =	sst s10  }
0x35: {  	s10 =	sld [smem:$0x3FB7];
	_ =	sdelay $0x3  }
0x36: {  	p1 =	seq.s32 s10, $0x1;
	s10 =	sld [smem:$0x3FB8];
	_ =	sdelay $0x3  }
0x37: {  	[smem:$0x3FB8] =	sst s10  }
0x38: {  	s10 =	sld [smem:$0x3FB9]  }
0x39: {  	_ = 	snop;
	(pc) =	sbr.ind lr, $3  }
0x3a: {  	_ = 	snop  }
0x3b: {  	_ = 	snop  }
0x3c: {  	p2 =	seq.s32 s10, $0x1;
	s10 =	sld [smem:$0x3FB8]  }
0x3d: {  	_ =	shalt  }
0x3e: {  	_ =	shalt  }
0x3f: {  	_ =	shalt  }
0x40: {  	_ =	shalt  }
0x41: {  	_ =	shalt  }
0x42: {  	_ =	shalt  }
0x43: {  	_ =	shalt  }
0x44: {  	_ =	shalt  }
0x45: {  	_ =	shalt  }
0x46: {  	_ =	shalt  }
0x47: {  	_ =	shalt  }
0x48: {  	_ =	shalt  }
0x49: {  	_ =	shalt  }
0x4a: {  	_ =	shalt  }
0x4b: {  	_ =	shalt  }
0x4c: {  	_ =	shalt  }
0x4d: {  	_ =	shalt  }
0x4e: {  	_ =	shalt  }
0x4f: {  	_ =	shalt  }
0x50: {  	_ =	shalt  }
0x51: {  	_ =	shalt  }
0x52: {  	_ =	shalt  }
0x53: {  	_ =	shalt  }
0x54: {  	_ =	shalt  }
0x55: {  	_ =	shalt  }
0x56: {  	_ =	shalt  }
0x57: {  	_ =	shalt  }
0x58: {  	_ =	shalt  }
0x59: {  	_ =	shalt  }
0x5a: {  	_ =	shalt  }
0x5b: {  	_ =	shalt  }
0x5c: {  	_ =	shalt  }
0x5d: {  	_ =	shalt  }
0x5e: {  	_ =	shalt  }
0x5f: {  	_ =	shalt  }
0x60: {  	_ =	shalt  }
0x61: {  	_ =	shalt  }
0x62: {  	_ =	shalt  }
0x63: {  	_ =	shalt  }
0x64: {  	_ =	shalt  }
0x65: {  	_ =	shalt  }
0x66: {  	_ =	shalt  }
0x67: {  	_ =	shalt  }
0x68: {  	_ =	shalt  }
0x69: {  	_ =	shalt  }
0x6a: {  	_ =	shalt  }
0x6b: {  	_ =	shalt  }
0x6c: {  	_ =	shalt  }
0x6d: {  	_ =	shalt  }
0x6e: {  	_ =	shalt  }
0x6f: {  	_ =	shalt  }
0x70: {  	_ =	shalt  }
0x71: {  	_ =	shalt  }
0x72: {  	_ =	shalt  }
0x73: {  	_ =	shalt  }
0x74: {  	_ =	shalt  }
0x75: {  	_ =	shalt  }
0x76: {  	_ =	shalt  }
0x77: {  	_ =	shalt  }
0x78: {  	_ =	shalt  }
0x79: {  	_ =	shalt  }
0x7a: {  	_ =	shalt  }
0x7b: {  	_ =	shalt  }
0x7c: {  	_ =	shalt  }
0x7d: {  	_ =	shalt  }
0x7e: {  	_ =	shalt  }
0x7f: {  	_ =	shalt  }
0x80: {  	_ =	shalt  }
0x81: {  	_ =	shalt  }
0x82: {  	_ =	shalt  }
0x83: {  	_ =	shalt  }
0x84: {  	_ =	shalt  }
0x85: {  	_ =	shalt  }
0x86: {  	_ =	shalt  }
0x87: {  	_ =	shalt  }
.Lfunc_end0:
.L_simem_size_0:
called_computation_lowered:
.L_overlay_start_0:
0x88: {  	s2 =	sld [smem:$0x3FD9]  }
0x89: {  	s3 =	sld [smem:$0x3FFE];
	_ =	sdelay $0x1  }
0x8a: {  	s1 =	srdreg.scid  }
0x8b: {  	s0 =	sand.u32 $0x1, s1  }
0x8c: {  	s16 =	sshll.u32 s0, $0xA;
	s2 =	sadd.s32 s3, s2  }
0x8d: {  	s2 =	sadd.s32 s2, s16  }
0x8e: {  	[smem:$0x3FC4] =	sst s2  }
0x8f: {  	_ = 	snop  }
0x90: {  	(tm) =	ssettm $0x1  }
0x91: {  	s17 =	sld [smem:$0x3FFB];
	_ =	sdelay $0x3  }
0x92: {  	_ =	strace s17  }
0x93: {  	s2 =	sld [smem:$0x3FFC];
	_ =	sdelay $0x3  }
0x94: {  	_ =	strace s2  }
0x95: {  	s2 =	sld [smem:$0x3FFD];
	_ =	sdelay $0x3  }
0x96: {  	_ =	strace s2  }
0x97: {  	_ =	strace $0x8FFFFFFF  }
0x98: {  	s18 =	sld [smem:$0x3FDB];
	_ =	sdelay $0x1  }
0x99: {  	s19 =	simm.s32 $_scs_section_size  }
0x9a: {  	s4 =	simm.s32 $_size__tile_overlayer_lowered;
	s5 =	simm.s32 $_tile_overlayer_lowered  }
0x9b: {  	s22 =	simm.s32 $0x1BFF;
	s21 =	sshll.u32 s5, $0x1;
	s2 =	sadd.s32 s19, s18  }
0x9c: {  	s6 =	simm.s32 $0x0;
	s20 =	sshll.u32 s4, $0x1;
	s4 =	sadd.s32 s21, s2  }
0x9d: {  	[timem:s6], [sflag:s22] =	dma.local [hbm:s4], s20  }
0x9e: {  	_ =	swait.ge [sflag:s22], s20  }
0x9f: {  	s3 =	ssub.s32 $0x0, s20;
	[sflag:s22] =	ssyncset.done $0x0  }
0xa0: {  	[sflag:s22] =	ssyncadd.s32 s3;
	_ =	sdelay $0x1  }
0xa1: {  	s23 =	simm.s32 $0x1B8B  }
0xa2: {  	_ =	swait.ge [sflag:s23], $0x1  }
0xa3: {  	[sflag:s23] =	ssyncset.done $0x0  }
0xa4: {  	s25 =	simm.s32 $0x1B8E;
	s24 =	sld [smem:$0x3FFE];
	[sflag:s23] =	ssyncadd.s32 $0xFFFFFFFF  }
0xa5: {  	s26 =	simm.s32 $execute0_lowered;
	[smem:$0x3FD2] =	sst s25  }
0xa6: {  	s4 =	sshll.u32 s26, $0x1;
	_ =	strace $0x80000046;
	[dreg:$0x1] =	wrdreg $0xFFFFFFFF  }
0xa7: {  	s28 =	simm.s32 $_size_execute0_lowered;
	s2 =	sadd.s32 s2, s4;
	[dreg:$0x0] =	wrdreg $0x0  }
0xa8: {  	s4 =	sshll.u32 s28, $0x1;
	[dreg:$0x2] =	wrdreg s2  }
0xa9: {  	[dreg:$0x3] =	wrdreg s4  }
0xaa: {  	[dreg:$0x4] =	wrdreg $0xC0  }
0xab: {  	_ =	task [dreg:s6], $0x5FFFF  }
0xac: {  	[dreg:$0x1] =	wrdreg $0xFFFFFFFF  }
0xad: {  	[dreg:$0x0] =	wrdreg $0x60  }
0xae: {  	[dreg:$0x2] =	wrdreg s24  }
0xaf: {  	[dreg:$0x3] =	wrdreg $0x9  }
0xb0: {  	_ =	task.clear_ibuf [dreg:s6], $0x4FFFF;
	_ =	strace $0x90000046  }
0xb1: {  	s29 =	simm.s32 $0x9;
	_ =	strace $0x80000048  }
0xb2: {  	_ =	swait.ge [sflag:s29], $0x1  }
0xb3: {  	[sflag:s29] =	ssyncadd.s32 $0xFFFFFFFF  }
0xb4: {  	_ =	strace $0x90000048  }
0xb5: {  	_ =	sfence  }
0xb6: {  	s30 =	sld [smem:$0x0];
	_ =	sdelay $0x2  }
0xb7: {  	s31 =	sshll.u32 s1, $0xD;
	s1 =	sshrl.u32 s1, $0x2  }
0xb8: {  	s3 =	sand.u32 $0x4000, s31;
	s1 =	sadd.s32 s1, s30  }
0xb9: {  	s0 =	sor.u32 s3, s0;
	s1 =	sshll.u32 s1, $0x11  }
0xba: {  	s0 =	sor.u32 s1, s0  }
0xbb: {  	s0 =	sadd.s32 $0x8F2B, s0  }
0xbc: {  	[sflag:s0] =	ssyncadd.remote.s32 $0x1  }
0xbd: {  	_ =	sfence.sel $0xFFFF  }
0xbe: {  	[dreg:$0x0] =	wrdreg $0xFFFFFFFF;
	(pc) =	sbr.abs _section_cstart, $3  }
0xbf: {  	[dreg:$0x1] =	wrdreg $0xFFFFFFFF  }
0xc0: {  	_ =	task.clear_ibuf [dreg:s6], $0x2FFFF;
	_ =	strace $0x9FFFFFFF  }
0xc1: {  	(tm) =	ssettm $0x7FFFFFFF  }
tec
execute0_lowered:
.L_overlay_start_1:
0x0: {  	(tag) =	ssettag $0x1  }
0x1: {  	s0 =	srdreg.scid;
	s2 =	stileid.u32  }
0x2: {  	s1 =	rddreg [dreg:$0x0];
	s10 =	simm.s32 $0x400;
	s17 =	simm.s32 $0x1  }
0x3: {  	s18 =	simm.s32 $0xC400;
	s19 =	simm.s32 $0x11800;
	s20 =	simm.s32 $0x12400  }
0x4: {  	s21 =	simm.s32 $0x13000;
	s22 =	simm.s32 $0x13C00;
	s23 =	simm.s32 $0x14800  }
0x5: {  	s11 =	simm.s32 $0x15000;
	s24 =	simm.s32 $0x15400;
	s12 =	simm.s32 $0x15C00  }
0x6: {  	s25 =	simm.s32 $0x16000;
	s13 =	simm.s32 $0x16800;
	s26 =	simm.s32 $0x16C00  }
0x7: {  	s14 =	simm.s32 $0x17400;
	s28 =	simm.s32 $0x17800;
	s15 =	simm.s32 $0x18000  }
0x8: {  	s29 =	simm.s32 $0x2;
	s16 =	simm.s32 $0x3;
	s31 =	simm.s32 $0x0  }
0x9: {  	s0 =	sand.u32 $0x1, s0;
	s3 =	sshll.u32 s2, $0xB;
	s2 =	simm.s32 $0x0  }
0xa: {  	s9 =	sadd.s32 $0x2D6000, s1;
	s4 =	sshll.u32 s0, $0xA;
	[smem:$0x7FF] =	sst s2  }
0xb: {  	s0 =	ssub.s32 $0x2, s0;
	s4 =	sor.u32 s4, s3;
	_ =	strace $0x80000047  }
0xc: {  	s3 =	sadd.s32 $0x170400, s1;
	s7 =	sshrl.u32 s0, $0x1;
	s5 =	sshrl.u32 s4, $0x3  }
0xd: {  	s4 =	sor.u32 $0x80, s4;
	s0 =	ssub.s32 s0, s7;
	s8 =	smul.u32 $0x180, s5  }
.Ltmp0:
0xe: {  	s6 =	sadd.s32 s5, s1;
	s4 =	sshrl.u32 s4, $0x3;
	(pc) =	sbr.rel .LBB2_1-.Ltmp0, $4  }
0xf: {  	s5 =	sadd.s32 $0x170500, s1;
	s0 =	smax.u32 s0, $0x1;
	s4 =	smul.u32 $0x180, s4  }
0x10: {  	v2 =	vlaneseq.u32;
	s30 =	sadd.s32 $0x9800, s6;
	[dreg:$0x3] =	wrdreg s0;
	s0 =	simm.s32 $0x12000  }
0x11: {  	vm0 =	vmmov $0xffff;
	vm1 =	vmmov $0xff;
	v1 =	vshrl.u32 v2, $0x3;
	s6 =	simm.s32 $0x13800;
	[dreg:$0x2] =	wrdreg s30;
	s7 =	sadd.s32 s8, s9  }
0x12: {  	v0 =	vand.u32 $0x7, v2;
	v2 =	vor.u32 $0x8, v2;
	v1 =	vmul.u32 $0x8, v1;
	s8 =	sadd.s32 s4, s9;
	s4 =	simm.s32 $0x12C00;
	s9 =	simm.s32 $0x14400  }
.LBB2_4:
0x13: {  	s30 =	simm.s32 $0x4  }
0x14: {  	_ =	swait.ge [sflag:s30], $0xC000  }
0x15: {  	s31 =	rddreg [dreg:$0x4]  }
0x16: {  	s1 =	rddreg [dreg:$0x3];
	s31 =	sadd.s32 $0x1, s31  }
0x17: {  	p0 =	sne.s32 s31, s1  }
.Ltmp1:
0x18: {  	_ = 	snop;
	(pc) =	sbr.rel @!p0 .LBB2_5-.Ltmp1, $3  }
0x19: {  	_ =	sdelay $0x1  }
0x1a: {  	[sflag:s30] =	ssyncset.done $0x0  }
0x1b: {  	[sflag:s30] =	ssyncadd.s32 $0xFFFF4000  }
.LBB2_1:
0x1c: {  	s1 =	rddreg [dreg:$0x2]  }
0x1d: {  	[tilespmem:s2], [sflag:$0x5] =	stream.linear.gather [hbm4b:s1+s2], $0x400, $0x38;
	[tilespmem:$0x18400] =	vst v63  }
0x1e: {  	[dreg:$0x4] =	wrdreg s31;
	s1 =	simm.s32 $0x5  }
0x1f: {  	_ =	swait.ge [sflag:s1], $0x400  }
0x20: {  	[sflag:s1] =	ssyncset.done $0x0  }
0x21: {  	[sflag:s1] =	ssyncadd.s32 $0xFFFFFC00  }
0x22: {  	v3 =	vld [tilespmem:$0x0];
	_ =	sdelay $0x4  }
0x23: {  	v4 =	vshrl.u32 v3, $0x3  }
0x24: {  	v4 =	vmul.u32 $0x18, v4  }
0x25: {  	v3 =	vand.u32 $0x7, v3  }
0x26: {  	v3 =	vor.u32 v3, v4  }
0x27: {  	v4 =	vperm.xlane v3, v0;
	_ =	sdelay $0x1  }
0x28: {  	v4 =	vadd.s32 v1, v4;
	_ =	sdelay $0x1  }
0x29: {  	v3 =	vperm.xlane v3, v2;
	_ =	sdelay $0x1  }
0x2a: {  	v3 =	vadd.s32 v1, v3  }
0x2b: {  	[tilespmem:s10], [sflag:$0x1] =	stream.indirect_vreg.gather [hbm4b:s3+s2], $0x80, v4, vm0, $0xb8;
	[tilespmem:$0x18400] =	vst v63  }
0x2c: {  	s1 =	simm.s32 $0xC00  }
0x2d: {  	[tilespmem:s1], [sflag:$0x1] =	stream.indirect_vreg.gather [hbm4b:s5+s2], $0x80, v4, vm1, $0xb8;
	[tilespmem:$0x18400] =	vst v63  }
0x2e: {  	s1 =	simm.s32 $0x1000  }
0x2f: {  	[tilespmem:s1], [sflag:$0x1] =	stream.indirect_vreg.gather [hbm4b:s3+s2], $0x80, v3, vm0, $0xb8;
	[tilespmem:$0x18400] =	vst v63  }
0x30: {  	s1 =	simm.s32 $0x1800  }
0x31: {  	[tilespmem:s1], [sflag:$0x1] =	stream.indirect_vreg.gather [hbm4b:s5+s2], $0x80, v3, vm1, $0xb8;
	[tilespmem:$0x18400] =	vst v63  }
0x32: {  	v3 =	vld [tilespmem:$0x10];
	_ =	sdelay $0x4  }
0x33: {  	v57 =	vshrl.u32 v3, $0x3  }
0x34: {  	v4 =	vmul.u32 $0x18, v57  }
0x35: {  	v3 =	vand.u32 $0x7, v3  }
0x36: {  	v3 =	vor.u32 v3, v4  }
0x37: {  	v4 =	vperm.xlane v3, v0;
	_ =	sdelay $0x1  }
0x38: {  	v4 =	vadd.s32 v1, v4;
	_ =	sdelay $0x1  }
0x39: {  	v3 =	vperm.xlane v3, v2;
	_ =	sdelay $0x1  }
0x3a: {  	s1 =	simm.s32 $0x1C00;
	v3 =	vadd.s32 v1, v3  }
0x3b: {  	[tilespmem:s1], [sflag:$0x1] =	stream.indirect_vreg.gather [hbm4b:s3+s2], $0x80, v4, vm0, $0xb8;
	[tilespmem:$0x18400] =	vst v63  }
0x3c: {  	s1 =	simm.s32 $0x2400  }
0x3d: {  	[tilespmem:s1], [sflag:$0x1] =	stream.indirect_vreg.gather [hbm4b:s5+s2], $0x80, v4, vm1, $0xb8;
	[tilespmem:$0x18400] =	vst v63  }
0x3e: {  	s1 =	simm.s32 $0x2800  }
0x3f: {  	[tilespmem:s1], [sflag:$0x1] =	stream.indirect_vreg.gather [hbm4b:s3+s2], $0x80, v3, vm0, $0xb8;
	[tilespmem:$0x18400] =	vst v63  }
0x40: {  	s1 =	simm.s32 $0x3000  }
0x41: {  	[tilespmem:s1], [sflag:$0x1] =	stream.indirect_vreg.gather [hbm4b:s5+s2], $0x80, v3, vm1, $0xb8;
	[tilespmem:$0x18400] =	vst v63  }
0x42: {  	v3 =	vld [tilespmem:$0x20];
	_ =	sdelay $0x4  }
0x43: {  	v58 =	vshrl.u32 v3, $0x3  }
0x44: {  	v4 =	vmul.u32 $0x18, v58  }
0x45: {  	v3 =	vand.u32 $0x7, v3  }
0x46: {  	v3 =	vor.u32 v3, v4  }
0x47: {  	v4 =	vperm.xlane v3, v0;
	_ =	sdelay $0x1  }
0x48: {  	v4 =	vadd.s32 v1, v4;
	_ =	sdelay $0x1  }
0x49: {  	v3 =	vperm.xlane v3, v2;
	_ =	sdelay $0x1  }
0x4a: {  	s1 =	simm.s32 $0x3400;
	v3 =	vadd.s32 v1, v3  }
0x4b: {  	[tilespmem:s1], [sflag:$0x1] =	stream.indirect_vreg.gather [hbm4b:s3+s2], $0x80, v4, vm0, $0xb8;
	[tilespmem:$0x18400] =	vst v63  }
0x4c: {  	s1 =	simm.s32 $0x3C00  }
0x4d: {  	[tilespmem:s1], [sflag:$0x1] =	stream.indirect_vreg.gather [hbm4b:s5+s2], $0x80, v4, vm1, $0xb8;
	[tilespmem:$0x18400] =	vst v63  }
0x4e: {  	s1 =	simm.s32 $0x4000  }
0x4f: {  	[tilespmem:s1], [sflag:$0x1] =	stream.indirect_vreg.gather [hbm4b:s3+s2], $0x80, v3, vm0, $0xb8;
	[tilespmem:$0x18400] =	vst v63  }
0x50: {  	s1 =	simm.s32 $0x4800  }
0x51: {  	[tilespmem:s1], [sflag:$0x1] =	stream.indirect_vreg.gather [hbm4b:s5+s2], $0x80, v3, vm1, $0xb8;
	[tilespmem:$0x18400] =	vst v63  }
0x52: {  	v3 =	vld [tilespmem:$0x30];
	_ =	sdelay $0x4  }
0x53: {  	v59 =	vshrl.u32 v3, $0x3  }
0x54: {  	v4 =	vmul.u32 $0x18, v59  }
0x55: {  	v3 =	vand.u32 $0x7, v3  }
0x56: {  	v3 =	vor.u32 v3, v4  }
0x57: {  	v4 =	vperm.xlane v3, v0;
	_ =	sdelay $0x1  }
0x58: {  	v4 =	vadd.s32 v1, v4;
	_ =	sdelay $0x1  }
0x59: {  	v3 =	vperm.xlane v3, v2;
	_ =	sdelay $0x1  }
0x5a: {  	s1 =	simm.s32 $0x4C00;
	v3 =	vadd.s32 v1, v3  }
0x5b: {  	[tilespmem:s1], [sflag:$0x1] =	stream.indirect_vreg.gather [hbm4b:s3+s2], $0x80, v4, vm0, $0xb8;
	[tilespmem:$0x18400] =	vst v63  }
0x5c: {  	s1 =	simm.s32 $0x5400  }
0x5d: {  	[tilespmem:s1], [sflag:$0x1] =	stream.indirect_vreg.gather [hbm4b:s5+s2], $0x80, v4, vm1, $0xb8;
	[tilespmem:$0x18400] =	vst v63  }
0x5e: {  	s1 =	simm.s32 $0x5800  }
0x5f: {  	[tilespmem:s1], [sflag:$0x1] =	stream.indirect_vreg.gather [hbm4b:s3+s2], $0x80, v3, vm0, $0xb8;
	[tilespmem:$0x18400] =	vst v63  }
0x60: {  	s1 =	simm.s32 $0x6000  }
0x61: {  	[tilespmem:s1], [sflag:$0x1] =	stream.indirect_vreg.gather [hbm4b:s5+s2], $0x80, v3, vm1, $0xb8;
	[tilespmem:$0x18400] =	vst v63  }
0x62: {  	v3 =	vld [tilespmem:$0x40];
	_ =	sdelay $0x4  }
0x63: {  	v60 =	vshrl.u32 v3, $0x3  }
0x64: {  	v4 =	vmul.u32 $0x18, v60  }
0x65: {  	v3 =	vand.u32 $0x7, v3  }
0x66: {  	v3 =	vor.u32 v3, v4  }
0x67: {  	v4 =	vperm.xlane v3, v0;
	_ =	sdelay $0x1  }
0x68: {  	v4 =	vadd.s32 v1, v4;
	_ =	sdelay $0x1  }
0x69: {  	v3 =	vperm.xlane v3, v2;
	_ =	sdelay $0x1  }
0x6a: {  	s1 =	simm.s32 $0x6400;
	v3 =	vadd.s32 v1, v3  }
0x6b: {  	[tilespmem:s1], [sflag:$0x1] =	stream.indirect_vreg.gather [hbm4b:s3+s2], $0x80, v4, vm0, $0xb8;
	[tilespmem:$0x18400] =	vst v63  }
0x6c: {  	s1 =	simm.s32 $0x6C00  }
0x6d: {  	[tilespmem:s1], [sflag:$0x1] =	stream.indirect_vreg.gather [hbm4b:s5+s2], $0x80, v4, vm1, $0xb8;
	[tilespmem:$0x18400] =	vst v63  }
0x6e: {  	s1 =	simm.s32 $0x7000  }
0x6f: {  	[tilespmem:s1], [sflag:$0x1] =	stream.indirect_vreg.gather [hbm4b:s3+s2], $0x80, v3, vm0, $0xb8;
	[tilespmem:$0x18400] =	vst v63  }
0x70: {  	s1 =	simm.s32 $0x7800  }
0x71: {  	[tilespmem:s1], [sflag:$0x1] =	stream.indirect_vreg.gather [hbm4b:s5+s2], $0x80, v3, vm1, $0xb8;
	[tilespmem:$0x18400] =	vst v63  }
0x72: {  	v3 =	vld [tilespmem:$0x50];
	_ =	sdelay $0x4  }
0x73: {  	v61 =	vshrl.u32 v3, $0x3  }
0x74: {  	v4 =	vmul.u32 $0x18, v61  }
0x75: {  	v3 =	vand.u32 $0x7, v3  }
0x76: {  	v3 =	vor.u32 v3, v4  }
0x77: {  	v4 =	vperm.xlane v3, v0;
	_ =	sdelay $0x1  }
0x78: {  	v4 =	vadd.s32 v1, v4;
	_ =	sdelay $0x1  }
0x79: {  	v3 =	vperm.xlane v3, v2;
	_ =	sdelay $0x1  }
0x7a: {  	s1 =	simm.s32 $0x7C00;
	v3 =	vadd.s32 v1, v3  }
0x7b: {  	[tilespmem:s1], [sflag:$0x1] =	stream.indirect_vreg.gather [hbm4b:s3+s2], $0x80, v4, vm0, $0xb8;
	[tilespmem:$0x18400] =	vst v63  }
0x7c: {  	s1 =	simm.s32 $0x8400  }
0x7d: {  	[tilespmem:s1], [sflag:$0x1] =	stream.indirect_vreg.gather [hbm4b:s5+s2], $0x80, v4, vm1, $0xb8;
	[tilespmem:$0x18400] =	vst v63  }
0x7e: {  	s1 =	simm.s32 $0x8800  }
0x7f: {  	[tilespmem:s1], [sflag:$0x1] =	stream.indirect_vreg.gather [hbm4b:s3+s2], $0x80, v3, vm0, $0xb8;
	[tilespmem:$0x18400] =	vst v63  }
0x80: {  	s1 =	simm.s32 $0x9000  }
0x81: {  	[tilespmem:s1], [sflag:$0x1] =	stream.indirect_vreg.gather [hbm4b:s5+s2], $0x80, v3, vm1, $0xb8;
	[tilespmem:$0x18400] =	vst v63  }
0x82: {  	v3 =	vld [tilespmem:$0x60];
	_ =	sdelay $0x4  }
0x83: {  	v62 =	vshrl.u32 v3, $0x3  }
0x84: {  	v4 =	vmul.u32 $0x18, v62  }
0x85: {  	v3 =	vand.u32 $0x7, v3  }
0x86: {  	v3 =	vor.u32 v3, v4  }
0x87: {  	v4 =	vperm.xlane v3, v0;
	_ =	sdelay $0x1  }
0x88: {  	v4 =	vadd.s32 v1, v4;
	_ =	sdelay $0x1  }
0x89: {  	v3 =	vperm.xlane v3, v2;
	_ =	sdelay $0x1  }
0x8a: {  	s1 =	simm.s32 $0x9400;
	v3 =	vadd.s32 v1, v3  }
0x8b: {  	[tilespmem:s1], [sflag:$0x1] =	stream.indirect_vreg.gather [hbm4b:s3+s2], $0x80, v4, vm0, $0xb8;
	[tilespmem:$0x18400] =	vst v63  }
0x8c: {  	s1 =	simm.s32 $0x9C00  }
0x8d: {  	[tilespmem:s1], [sflag:$0x1] =	stream.indirect_vreg.gather [hbm4b:s5+s2], $0x80, v4, vm1, $0xb8;
	[tilespmem:$0x18400] =	vst v63  }
0x8e: {  	s1 =	simm.s32 $0xA000  }
0x8f: {  	[tilespmem:s1], [sflag:$0x1] =	stream.indirect_vreg.gather [hbm4b:s3+s2], $0x80, v3, vm0, $0xb8;
	[tilespmem:$0x18400] =	vst v63  }
0x90: {  	s1 =	simm.s32 $0xA800  }
0x91: {  	[tilespmem:s1], [sflag:$0x1] =	stream.indirect_vreg.gather [hbm4b:s5+s2], $0x80, v3, vm1, $0xb8;
	[tilespmem:$0x18400] =	vst v63  }
0x92: {  	v3 =	vld [tilespmem:$0x70];
	_ =	sdelay $0x4  }
0x93: {  	v63 =	vshrl.u32 v3, $0x3  }
0x94: {  	v4 =	vmul.u32 $0x18, v63  }
0x95: {  	v3 =	vand.u32 $0x7, v3  }
0x96: {  	v3 =	vor.u32 v3, v4  }
0x97: {  	v4 =	vperm.xlane v3, v0;
	_ =	sdelay $0x1  }
0x98: {  	v4 =	vadd.s32 v1, v4;
	_ =	sdelay $0x1  }
0x99: {  	v3 =	vperm.xlane v3, v2;
	_ =	sdelay $0x1  }
0x9a: {  	s1 =	simm.s32 $0xAC00;
	v3 =	vadd.s32 v1, v3  }
0x9b: {  	[tilespmem:s1], [sflag:$0x1] =	stream.indirect_vreg.gather [hbm4b:s3+s2], $0x80, v4, vm0, $0xb8;
	[tilespmem:$0x18400] =	vst v63  }
0x9c: {  	s1 =	simm.s32 $0xB400  }
0x9d: {  	[tilespmem:s1], [sflag:$0x1] =	stream.indirect_vreg.gather [hbm4b:s5+s2], $0x80, v4, vm1, $0xb8;
	[tilespmem:$0x18400] =	vst v63  }
0x9e: {  	s1 =	simm.s32 $0xB800  }
0x9f: {  	[tilespmem:s1], [sflag:$0x1] =	stream.indirect_vreg.gather [hbm4b:s3+s2], $0x80, v3, vm0, $0xb8;
	[tilespmem:$0x18400] =	vst v63  }
0xa0: {  	s30 =	simm.s32 $0xC0;
	s31 =	simm.s32 $0x0;
	s1 =	simm.s32 $0xC000  }
0xa1: {  	[tilespmem:s1], [sflag:$0x1] =	stream.indirect_vreg.gather [hbm4b:s5+s2], $0x80, v3, vm1, $0xb8;
	[tilespmem:$0x18400] =	vst v63  }
.LBB2_2:
0xa2: {  	_ =	swait.ge [sflag:s17], $0xC000  }
0xa3: {  	[sflag:s17] =	ssyncset.done $0x0  }
0xa4: {  	s1 =	sadd.s32 s31, s7;
	p0 =	seq.s32 s31, $0x0;
	[sflag:s17] =	ssyncadd.s32 $0xFFFF4000  }
0xa5: {  	[hbm4b:s1+s2] =	stream.linear.scatter [tilespmem:s10], [sflag:$0x3], $0xC000, $0x38;
	[tilespmem:$0x18400] =	vst v63  }
0xa6: {  	s1 =	simm.s32 @!p0 $0x4  }
0xa7: {  	_ =	swait.ge @!p0 [sflag:s1], $0xC000  }
0xa8: {  	[sflag:s1] =	ssyncset.done @!p0 $0x0  }
0xa9: {  	[sflag:s1] =	ssyncadd.s32 @!p0 $0xFFFF4000  }
0xaa: {  	v3 =	vld [tilespmem:s30+$0xFFFFFFC0];
	_ =	sdelay $0x4  }
0xab: {  	v4 =	vshrl.u32 v3, $0x3  }
0xac: {  	v4 =	vmul.u32 $0x18, v4  }
0xad: {  	v3 =	vand.u32 $0x7, v3  }
0xae: {  	v3 =	vor.u32 v3, v4  }
0xaf: {  	v4 =	vperm.xlane v3, v0;
	_ =	sdelay $0x1  }
0xb0: {  	v4 =	vadd.s32 v1, v4;
	_ =	sdelay $0x1  }
0xb1: {  	v3 =	vperm.xlane v3, v2;
	_ =	sdelay $0x1  }
0xb2: {  	v3 =	vadd.s32 v1, v3  }
0xb3: {  	[tilespmem:s18], [sflag:$0x2] =	stream.indirect_vreg.gather [hbm4b:s3+s2], $0x80, v4, vm0, $0xb8;
	[tilespmem:$0x18400] =	vst v63  }
0xb4: {  	s1 =	simm.s32 $0xCC00  }
0xb5: {  	[tilespmem:s1], [sflag:$0x2] =	stream.indirect_vreg.gather [hbm4b:s5+s2], $0x80, v4, vm1, $0xb8;
	[tilespmem:$0x18400] =	vst v63  }
0xb6: {  	s1 =	simm.s32 $0xD000  }
0xb7: {  	[tilespmem:s1], [sflag:$0x2] =	stream.indirect_vreg.gather [hbm4b:s3+s2], $0x80, v3, vm0, $0xb8;
	[tilespmem:$0x18400] =	vst v63  }
0xb8: {  	s1 =	simm.s32 $0xD800  }
0xb9: {  	[tilespmem:s1], [sflag:$0x2] =	stream.indirect_vreg.gather [hbm4b:s5+s2], $0x80, v3, vm1, $0xb8;
	[tilespmem:$0x18400] =	vst v63  }
0xba: {  	v3 =	vld [tilespmem:s30+$0xFFFFFFD0];
	_ =	sdelay $0x4  }
0xbb: {  	v57 =	vshrl.u32 v3, $0x3  }
0xbc: {  	v4 =	vmul.u32 $0x18, v57  }
0xbd: {  	v3 =	vand.u32 $0x7, v3  }
0xbe: {  	v3 =	vor.u32 v3, v4  }
0xbf: {  	v4 =	vperm.xlane v3, v0;
	_ =	sdelay $0x1  }
0xc0: {  	v4 =	vadd.s32 v1, v4;
	_ =	sdelay $0x1  }
0xc1: {  	v3 =	vperm.xlane v3, v2;
	_ =	sdelay $0x1  }
0xc2: {  	s1 =	simm.s32 $0xDC00;
	v3 =	vadd.s32 v1, v3  }
0xc3: {  	[tilespmem:s1], [sflag:$0x2] =	stream.indirect_vreg.gather [hbm4b:s3+s2], $0x80, v4, vm0, $0xb8;
	[tilespmem:$0x18400] =	vst v63  }
0xc4: {  	s1 =	simm.s32 $0xE400  }
0xc5: {  	[tilespmem:s1], [sflag:$0x2] =	stream.indirect_vreg.gather [hbm4b:s5+s2], $0x80, v4, vm1, $0xb8;
	[tilespmem:$0x18400] =	vst v63  }
0xc6: {  	s1 =	simm.s32 $0xE800  }
0xc7: {  	[tilespmem:s1], [sflag:$0x2] =	stream.indirect_vreg.gather [hbm4b:s3+s2], $0x80, v3, vm0, $0xb8;
	[tilespmem:$0x18400] =	vst v63  }
0xc8: {  	s1 =	simm.s32 $0xF000  }
0xc9: {  	[tilespmem:s1], [sflag:$0x2] =	stream.indirect_vreg.gather [hbm4b:s5+s2], $0x80, v3, vm1, $0xb8;
	[tilespmem:$0x18400] =	vst v63  }
0xca: {  	v3 =	vld [tilespmem:s30+$0xFFFFFFE0];
	_ =	sdelay $0x4  }
0xcb: {  	v58 =	vshrl.u32 v3, $0x3  }
0xcc: {  	v4 =	vmul.u32 $0x18, v58  }
0xcd: {  	v3 =	vand.u32 $0x7, v3  }
0xce: {  	v3 =	vor.u32 v3, v4  }
0xcf: {  	v4 =	vperm.xlane v3, v0;
	_ =	sdelay $0x1  }
0xd0: {  	v4 =	vadd.s32 v1, v4;
	_ =	sdelay $0x1  }
0xd1: {  	v3 =	vperm.xlane v3, v2;
	_ =	sdelay $0x1  }
0xd2: {  	s1 =	simm.s32 $0xF400;
	v3 =	vadd.s32 v1, v3  }
0xd3: {  	[tilespmem:s1], [sflag:$0x2] =	stream.indirect_vreg.gather [hbm4b:s3+s2], $0x80, v4, vm0, $0xb8;
	[tilespmem:$0x18400] =	vst v63  }
0xd4: {  	s1 =	simm.s32 $0xFC00  }
0xd5: {  	[tilespmem:s1], [sflag:$0x2] =	stream.indirect_vreg.gather [hbm4b:s5+s2], $0x80, v4, vm1, $0xb8;
	[tilespmem:$0x18400] =	vst v63  }
0xd6: {  	s1 =	simm.s32 $0x10000  }
0xd7: {  	[tilespmem:s1], [sflag:$0x2] =	stream.indirect_vreg.gather [hbm4b:s3+s2], $0x80, v3, vm0, $0xb8;
	[tilespmem:$0x18400] =	vst v63  }
0xd8: {  	s1 =	simm.s32 $0x10800  }
0xd9: {  	[tilespmem:s1], [sflag:$0x2] =	stream.indirect_vreg.gather [hbm4b:s5+s2], $0x80, v3, vm1, $0xb8;
	[tilespmem:$0x18400] =	vst v63  }
0xda: {  	v3 =	vld [tilespmem:s30+$0xFFFFFFF0];
	_ =	sdelay $0x4  }
0xdb: {  	v59 =	vshrl.u32 v3, $0x3  }
0xdc: {  	v4 =	vmul.u32 $0x18, v59  }
0xdd: {  	v3 =	vand.u32 $0x7, v3  }
0xde: {  	v3 =	vor.u32 v3, v4  }
0xdf: {  	v4 =	vperm.xlane v3, v0;
	_ =	sdelay $0x1  }
0xe0: {  	v4 =	vadd.s32 v1, v4;
	_ =	sdelay $0x1  }
0xe1: {  	v3 =	vperm.xlane v3, v2;
	_ =	sdelay $0x1  }
0xe2: {  	s1 =	simm.s32 $0x10C00;
	v3 =	vadd.s32 v1, v3  }
0xe3: {  	[tilespmem:s1], [sflag:$0x2] =	stream.indirect_vreg.gather [hbm4b:s3+s2], $0x80, v4, vm0, $0xb8;
	[tilespmem:$0x18400] =	vst v63  }
0xe4: {  	s1 =	simm.s32 $0x11400  }
0xe5: {  	[tilespmem:s1], [sflag:$0x2] =	stream.indirect_vreg.gather [hbm4b:s5+s2], $0x80, v4, vm1, $0xb8;
	[tilespmem:$0x18400] =	vst v63  }
0xe6: {  	_ = 	snop  }
0xe7: {  	[tilespmem:s19], [sflag:$0x2] =	stream.indirect_vreg.gather [hbm4b:s3+s2], $0x80, v3, vm0, $0xb8;
	[tilespmem:$0x18400] =	vst v63  }
0xe8: {  	_ = 	snop  }
0xe9: {  	[tilespmem:s0], [sflag:$0x2] =	stream.indirect_vreg.gather [hbm4b:s5+s2], $0x80, v3, vm1, $0xb8;
	[tilespmem:$0x18400] =	vst v63  }
0xea: {  	v3 =	vld [tilespmem:s30+$0x0];
	_ =	sdelay $0x4  }
0xeb: {  	v60 =	vshrl.u32 v3, $0x3  }
0xec: {  	v4 =	vmul.u32 $0x18, v60  }
0xed: {  	v3 =	vand.u32 $0x7, v3  }
0xee: {  	v3 =	vor.u32 v3, v4  }
0xef: {  	v4 =	vperm.xlane v3, v0;
	_ =	sdelay $0x1  }
0xf0: {  	v4 =	vadd.s32 v1, v4;
	_ =	sdelay $0x1  }
0xf1: {  	v3 =	vperm.xlane v3, v2;
	_ =	sdelay $0x1  }
0xf2: {  	v3 =	vadd.s32 v1, v3  }
0xf3: {  	[tilespmem:s20], [sflag:$0x2] =	stream.indirect_vreg.gather [hbm4b:s3+s2], $0x80, v4, vm0, $0xb8;
	[tilespmem:$0x18400] =	vst v63  }
0xf4: {  	_ = 	snop  }
0xf5: {  	[tilespmem:s4], [sflag:$0x2] =	stream.indirect_vreg.gather [hbm4b:s5+s2], $0x80, v4, vm1, $0xb8;
	[tilespmem:$0x18400] =	vst v63  }
0xf6: {  	_ = 	snop  }
0xf7: {  	[tilespmem:s21], [sflag:$0x2] =	stream.indirect_vreg.gather [hbm4b:s3+s2], $0x80, v3, vm0, $0xb8;
	[tilespmem:$0x18400] =	vst v63  }
0xf8: {  	_ = 	snop  }
0xf9: {  	[tilespmem:s6], [sflag:$0x2] =	stream.indirect_vreg.gather [hbm4b:s5+s2], $0x80, v3, vm1, $0xb8;
	[tilespmem:$0x18400] =	vst v63  }
0xfa: {  	v3 =	vld [tilespmem:s30+$0x10];
	_ =	sdelay $0x4  }
0xfb: {  	v61 =	vshrl.u32 v3, $0x3  }
0xfc: {  	v4 =	vmul.u32 $0x18, v61  }
0xfd: {  	v3 =	vand.u32 $0x7, v3  }
0xfe: {  	v3 =	vor.u32 v3, v4  }
0xff: {  	v4 =	vperm.xlane v3, v0;
	_ =	sdelay $0x1  }
0x100: {  	v4 =	vadd.s32 v1, v4;
	_ =	sdelay $0x1  }
0x101: {  	v3 =	vperm.xlane v3, v2;
	_ =	sdelay $0x1  }
0x102: {  	v3 =	vadd.s32 v1, v3  }
0x103: {  	[tilespmem:s22], [sflag:$0x2] =	stream.indirect_vreg.gather [hbm4b:s3+s2], $0x80, v4, vm0, $0xb8;
	[tilespmem:$0x18400] =	vst v63  }
0x104: {  	_ = 	snop  }
0x105: {  	[tilespmem:s9], [sflag:$0x2] =	stream.indirect_vreg.gather [hbm4b:s5+s2], $0x80, v4, vm1, $0xb8;
	[tilespmem:$0x18400] =	vst v63  }
0x106: {  	_ = 	snop  }
0x107: {  	[tilespmem:s23], [sflag:$0x2] =	stream.indirect_vreg.gather [hbm4b:s3+s2], $0x80, v3, vm0, $0xb8;
	[tilespmem:$0x18400] =	vst v63  }
0x108: {  	_ = 	snop  }
0x109: {  	[tilespmem:s11], [sflag:$0x2] =	stream.indirect_vreg.gather [hbm4b:s5+s2], $0x80, v3, vm1, $0xb8;
	[tilespmem:$0x18400] =	vst v63  }
0x10a: {  	v3 =	vld [tilespmem:s30+$0x20];
	_ =	sdelay $0x4  }
0x10b: {  	v62 =	vshrl.u32 v3, $0x3  }
0x10c: {  	v4 =	vmul.u32 $0x18, v62  }
0x10d: {  	v3 =	vand.u32 $0x7, v3  }
0x10e: {  	v3 =	vor.u32 v3, v4  }
0x10f: {  	v4 =	vperm.xlane v3, v0;
	_ =	sdelay $0x1  }
0x110: {  	v4 =	vadd.s32 v1, v4;
	_ =	sdelay $0x1  }
0x111: {  	v3 =	vperm.xlane v3, v2;
	_ =	sdelay $0x1  }
0x112: {  	v3 =	vadd.s32 v1, v3  }
0x113: {  	[tilespmem:s24], [sflag:$0x2] =	stream.indirect_vreg.gather [hbm4b:s3+s2], $0x80, v4, vm0, $0xb8;
	[tilespmem:$0x18400] =	vst v63  }
0x114: {  	_ = 	snop  }
0x115: {  	[tilespmem:s12], [sflag:$0x2] =	stream.indirect_vreg.gather [hbm4b:s5+s2], $0x80, v4, vm1, $0xb8;
	[tilespmem:$0x18400] =	vst v63  }
0x116: {  	_ = 	snop  }
0x117: {  	[tilespmem:s25], [sflag:$0x2] =	stream.indirect_vreg.gather [hbm4b:s3+s2], $0x80, v3, vm0, $0xb8;
	[tilespmem:$0x18400] =	vst v63  }
0x118: {  	_ = 	snop  }
0x119: {  	[tilespmem:s13], [sflag:$0x2] =	stream.indirect_vreg.gather [hbm4b:s5+s2], $0x80, v3, vm1, $0xb8;
	[tilespmem:$0x18400] =	vst v63  }
0x11a: {  	v3 =	vld [tilespmem:s30+$0x30];
	_ =	sdelay $0x4  }
0x11b: {  	v63 =	vshrl.u32 v3, $0x3  }
0x11c: {  	v4 =	vmul.u32 $0x18, v63  }
0x11d: {  	v3 =	vand.u32 $0x7, v3  }
0x11e: {  	v3 =	vor.u32 v3, v4  }
0x11f: {  	v4 =	vperm.xlane v3, v0;
	_ =	sdelay $0x1  }
0x120: {  	v4 =	vadd.s32 v1, v4;
	_ =	sdelay $0x1  }
0x121: {  	v3 =	vperm.xlane v3, v2;
	_ =	sdelay $0x1  }
0x122: {  	v3 =	vadd.s32 v1, v3  }
0x123: {  	[tilespmem:s26], [sflag:$0x2] =	stream.indirect_vreg.gather [hbm4b:s3+s2], $0x80, v4, vm0, $0xb8;
	[tilespmem:$0x18400] =	vst v63  }
0x124: {  	_ = 	snop  }
0x125: {  	[tilespmem:s14], [sflag:$0x2] =	stream.indirect_vreg.gather [hbm4b:s5+s2], $0x80, v4, vm1, $0xb8;
	[tilespmem:$0x18400] =	vst v63  }
0x126: {  	_ = 	snop  }
0x127: {  	[tilespmem:s28], [sflag:$0x2] =	stream.indirect_vreg.gather [hbm4b:s3+s2], $0x80, v3, vm0, $0xb8;
	[tilespmem:$0x18400] =	vst v63  }
0x128: {  	_ = 	snop  }
0x129: {  	[tilespmem:s15], [sflag:$0x2] =	stream.indirect_vreg.gather [hbm4b:s5+s2], $0x80, v3, vm1, $0xb8;
	[tilespmem:$0x18400] =	vst v63  }
0x12a: {  	_ =	swait.ge [sflag:s29], $0xC000  }
0x12b: {  	p0 =	seq.s32 s31, $0x9000;
	[sflag:s29] =	ssyncset.done $0x0  }
.Ltmp2:
0x12c: {  	s1 =	sadd.s32 s31, s8;
	[sflag:s29] =	ssyncadd.s32 $0xFFFF4000;
	(pc) =	sbr.rel @p0 .LBB2_4-.Ltmp2, $4  }
0x12d: {  	[hbm4b:s1+s2] =	stream.linear.scatter [tilespmem:s18], [sflag:$0x4], $0xC000, $0x38;
	[tilespmem:$0x18400] =	vst v63  }
0x12e: {  	_ =	swait.ge [sflag:s16], $0xC000  }
0x12f: {  	[sflag:s16] =	ssyncset.done $0x0  }
0x130: {  	[sflag:s16] =	ssyncadd.s32 $0xFFFF4000  }
0x131: {  	v3 =	vld [tilespmem:s30+$0x40];
	_ =	sdelay $0x4  }
0x132: {  	v4 =	vshrl.u32 v3, $0x3  }
0x133: {  	v4 =	vmul.u32 $0x18, v4  }
0x134: {  	v3 =	vand.u32 $0x7, v3  }
0x135: {  	v3 =	vor.u32 v3, v4  }
0x136: {  	v4 =	vperm.xlane v3, v0;
	_ =	sdelay $0x1  }
0x137: {  	v4 =	vadd.s32 v1, v4;
	_ =	sdelay $0x1  }
0x138: {  	v3 =	vperm.xlane v3, v2;
	_ =	sdelay $0x1  }
0x139: {  	v3 =	vadd.s32 v1, v3  }
0x13a: {  	[tilespmem:s10], [sflag:$0x1] =	stream.indirect_vreg.gather [hbm4b:s3+s2], $0x80, v4, vm0, $0xb8;
	[tilespmem:$0x18400] =	vst v63  }
0x13b: {  	s1 =	simm.s32 $0xC00  }
0x13c: {  	[tilespmem:s1], [sflag:$0x1] =	stream.indirect_vreg.gather [hbm4b:s5+s2], $0x80, v4, vm1, $0xb8;
	[tilespmem:$0x18400] =	vst v63  }
0x13d: {  	s1 =	simm.s32 $0x1000  }
0x13e: {  	[tilespmem:s1], [sflag:$0x1] =	stream.indirect_vreg.gather [hbm4b:s3+s2], $0x80, v3, vm0, $0xb8;
	[tilespmem:$0x18400] =	vst v63  }
0x13f: {  	s1 =	simm.s32 $0x1800  }
0x140: {  	[tilespmem:s1], [sflag:$0x1] =	stream.indirect_vreg.gather [hbm4b:s5+s2], $0x80, v3, vm1, $0xb8;
	[tilespmem:$0x18400] =	vst v63  }
0x141: {  	v3 =	vld [tilespmem:s30+$0x50];
	_ =	sdelay $0x4  }
0x142: {  	v57 =	vshrl.u32 v3, $0x3  }
0x143: {  	v4 =	vmul.u32 $0x18, v57  }
0x144: {  	v3 =	vand.u32 $0x7, v3  }
0x145: {  	v3 =	vor.u32 v3, v4  }
0x146: {  	v4 =	vperm.xlane v3, v0;
	_ =	sdelay $0x1  }
0x147: {  	v4 =	vadd.s32 v1, v4;
	_ =	sdelay $0x1  }
0x148: {  	v3 =	vperm.xlane v3, v2;
	_ =	sdelay $0x1  }
0x149: {  	s1 =	simm.s32 $0x1C00;
	v3 =	vadd.s32 v1, v3  }
0x14a: {  	[tilespmem:s1], [sflag:$0x1] =	stream.indirect_vreg.gather [hbm4b:s3+s2], $0x80, v4, vm0, $0xb8;
	[tilespmem:$0x18400] =	vst v63  }
0x14b: {  	s1 =	simm.s32 $0x2400  }
0x14c: {  	[tilespmem:s1], [sflag:$0x1] =	stream.indirect_vreg.gather [hbm4b:s5+s2], $0x80, v4, vm1, $0xb8;
	[tilespmem:$0x18400] =	vst v63  }
0x14d: {  	s1 =	simm.s32 $0x2800  }
0x14e: {  	[tilespmem:s1], [sflag:$0x1] =	stream.indirect_vreg.gather [hbm4b:s3+s2], $0x80, v3, vm0, $0xb8;
	[tilespmem:$0x18400] =	vst v63  }
0x14f: {  	s1 =	simm.s32 $0x3000  }
0x150: {  	[tilespmem:s1], [sflag:$0x1] =	stream.indirect_vreg.gather [hbm4b:s5+s2], $0x80, v3, vm1, $0xb8;
	[tilespmem:$0x18400] =	vst v63  }
0x151: {  	v3 =	vld [tilespmem:s30+$0x60];
	_ =	sdelay $0x4  }
0x152: {  	v58 =	vshrl.u32 v3, $0x3  }
0x153: {  	v4 =	vmul.u32 $0x18, v58  }
0x154: {  	v3 =	vand.u32 $0x7, v3  }
0x155: {  	v3 =	vor.u32 v3, v4  }
0x156: {  	v4 =	vperm.xlane v3, v0;
	_ =	sdelay $0x1  }
0x157: {  	v4 =	vadd.s32 v1, v4;
	_ =	sdelay $0x1  }
0x158: {  	v3 =	vperm.xlane v3, v2;
	_ =	sdelay $0x1  }
0x159: {  	s1 =	simm.s32 $0x3400;
	v3 =	vadd.s32 v1, v3  }
0x15a: {  	[tilespmem:s1], [sflag:$0x1] =	stream.indirect_vreg.gather [hbm4b:s3+s2], $0x80, v4, vm0, $0xb8;
	[tilespmem:$0x18400] =	vst v63  }
0x15b: {  	s1 =	simm.s32 $0x3C00  }
0x15c: {  	[tilespmem:s1], [sflag:$0x1] =	stream.indirect_vreg.gather [hbm4b:s5+s2], $0x80, v4, vm1, $0xb8;
	[tilespmem:$0x18400] =	vst v63  }
0x15d: {  	s1 =	simm.s32 $0x4000  }
0x15e: {  	[tilespmem:s1], [sflag:$0x1] =	stream.indirect_vreg.gather [hbm4b:s3+s2], $0x80, v3, vm0, $0xb8;
	[tilespmem:$0x18400] =	vst v63  }
0x15f: {  	s1 =	simm.s32 $0x4800  }
0x160: {  	[tilespmem:s1], [sflag:$0x1] =	stream.indirect_vreg.gather [hbm4b:s5+s2], $0x80, v3, vm1, $0xb8;
	[tilespmem:$0x18400] =	vst v63  }
0x161: {  	v3 =	vld [tilespmem:s30+$0x70];
	_ =	sdelay $0x4  }
0x162: {  	v59 =	vshrl.u32 v3, $0x3  }
0x163: {  	v4 =	vmul.u32 $0x18, v59  }
0x164: {  	v3 =	vand.u32 $0x7, v3  }
0x165: {  	v3 =	vor.u32 v3, v4  }
0x166: {  	v4 =	vperm.xlane v3, v0;
	_ =	sdelay $0x1  }
0x167: {  	v4 =	vadd.s32 v1, v4;
	_ =	sdelay $0x1  }
0x168: {  	v3 =	vperm.xlane v3, v2;
	_ =	sdelay $0x1  }
0x169: {  	s1 =	simm.s32 $0x4C00;
	v3 =	vadd.s32 v1, v3  }
0x16a: {  	[tilespmem:s1], [sflag:$0x1] =	stream.indirect_vreg.gather [hbm4b:s3+s2], $0x80, v4, vm0, $0xb8;
	[tilespmem:$0x18400] =	vst v63  }
0x16b: {  	s1 =	simm.s32 $0x5400  }
0x16c: {  	[tilespmem:s1], [sflag:$0x1] =	stream.indirect_vreg.gather [hbm4b:s5+s2], $0x80, v4, vm1, $0xb8;
	[tilespmem:$0x18400] =	vst v63  }
0x16d: {  	s1 =	simm.s32 $0x5800  }
0x16e: {  	[tilespmem:s1], [sflag:$0x1] =	stream.indirect_vreg.gather [hbm4b:s3+s2], $0x80, v3, vm0, $0xb8;
	[tilespmem:$0x18400] =	vst v63  }
0x16f: {  	s1 =	simm.s32 $0x6000  }
0x170: {  	[tilespmem:s1], [sflag:$0x1] =	stream.indirect_vreg.gather [hbm4b:s5+s2], $0x80, v3, vm1, $0xb8;
	[tilespmem:$0x18400] =	vst v63  }
0x171: {  	v3 =	vld [tilespmem:s30+$0x80];
	_ =	sdelay $0x4  }
0x172: {  	v60 =	vshrl.u32 v3, $0x3  }
0x173: {  	v4 =	vmul.u32 $0x18, v60  }
0x174: {  	v3 =	vand.u32 $0x7, v3  }
0x175: {  	v3 =	vor.u32 v3, v4  }
0x176: {  	v4 =	vperm.xlane v3, v0;
	_ =	sdelay $0x1  }
0x177: {  	v4 =	vadd.s32 v1, v4;
	_ =	sdelay $0x1  }
0x178: {  	v3 =	vperm.xlane v3, v2;
	_ =	sdelay $0x1  }
0x179: {  	s1 =	simm.s32 $0x6400;
	v3 =	vadd.s32 v1, v3  }
0x17a: {  	[tilespmem:s1], [sflag:$0x1] =	stream.indirect_vreg.gather [hbm4b:s3+s2], $0x80, v4, vm0, $0xb8;
	[tilespmem:$0x18400] =	vst v63  }
0x17b: {  	s1 =	simm.s32 $0x6C00  }
0x17c: {  	[tilespmem:s1], [sflag:$0x1] =	stream.indirect_vreg.gather [hbm4b:s5+s2], $0x80, v4, vm1, $0xb8;
	[tilespmem:$0x18400] =	vst v63  }
0x17d: {  	s1 =	simm.s32 $0x7000  }
0x17e: {  	[tilespmem:s1], [sflag:$0x1] =	stream.indirect_vreg.gather [hbm4b:s3+s2], $0x80, v3, vm0, $0xb8;
	[tilespmem:$0x18400] =	vst v63  }
0x17f: {  	s1 =	simm.s32 $0x7800  }
0x180: {  	[tilespmem:s1], [sflag:$0x1] =	stream.indirect_vreg.gather [hbm4b:s5+s2], $0x80, v3, vm1, $0xb8;
	[tilespmem:$0x18400] =	vst v63  }
0x181: {  	v3 =	vld [tilespmem:s30+$0x90];
	_ =	sdelay $0x4  }
0x182: {  	v61 =	vshrl.u32 v3, $0x3  }
0x183: {  	v4 =	vmul.u32 $0x18, v61  }
0x184: {  	v3 =	vand.u32 $0x7, v3  }
0x185: {  	v3 =	vor.u32 v3, v4  }
0x186: {  	v4 =	vperm.xlane v3, v0;
	_ =	sdelay $0x1  }
0x187: {  	v4 =	vadd.s32 v1, v4;
	_ =	sdelay $0x1  }
0x188: {  	v3 =	vperm.xlane v3, v2;
	_ =	sdelay $0x1  }
0x189: {  	s1 =	simm.s32 $0x7C00;
	v3 =	vadd.s32 v1, v3  }
0x18a: {  	[tilespmem:s1], [sflag:$0x1] =	stream.indirect_vreg.gather [hbm4b:s3+s2], $0x80, v4, vm0, $0xb8;
	[tilespmem:$0x18400] =	vst v63  }
0x18b: {  	s1 =	simm.s32 $0x8400  }
0x18c: {  	[tilespmem:s1], [sflag:$0x1] =	stream.indirect_vreg.gather [hbm4b:s5+s2], $0x80, v4, vm1, $0xb8;
	[tilespmem:$0x18400] =	vst v63  }
0x18d: {  	s1 =	simm.s32 $0x8800  }
0x18e: {  	[tilespmem:s1], [sflag:$0x1] =	stream.indirect_vreg.gather [hbm4b:s3+s2], $0x80, v3, vm0, $0xb8;
	[tilespmem:$0x18400] =	vst v63  }
0x18f: {  	s1 =	simm.s32 $0x9000  }
0x190: {  	[tilespmem:s1], [sflag:$0x1] =	stream.indirect_vreg.gather [hbm4b:s5+s2], $0x80, v3, vm1, $0xb8;
	[tilespmem:$0x18400] =	vst v63  }
0x191: {  	v3 =	vld [tilespmem:s30+$0xA0];
	_ =	sdelay $0x4  }
0x192: {  	v62 =	vshrl.u32 v3, $0x3  }
0x193: {  	v4 =	vmul.u32 $0x18, v62  }
0x194: {  	v3 =	vand.u32 $0x7, v3  }
0x195: {  	v3 =	vor.u32 v3, v4  }
0x196: {  	v4 =	vperm.xlane v3, v0;
	_ =	sdelay $0x1  }
0x197: {  	v4 =	vadd.s32 v1, v4;
	_ =	sdelay $0x1  }
0x198: {  	v3 =	vperm.xlane v3, v2;
	_ =	sdelay $0x1  }
0x199: {  	s1 =	simm.s32 $0x9400;
	v3 =	vadd.s32 v1, v3  }
0x19a: {  	[tilespmem:s1], [sflag:$0x1] =	stream.indirect_vreg.gather [hbm4b:s3+s2], $0x80, v4, vm0, $0xb8;
	[tilespmem:$0x18400] =	vst v63  }
0x19b: {  	s1 =	simm.s32 $0x9C00  }
0x19c: {  	[tilespmem:s1], [sflag:$0x1] =	stream.indirect_vreg.gather [hbm4b:s5+s2], $0x80, v4, vm1, $0xb8;
	[tilespmem:$0x18400] =	vst v63  }
0x19d: {  	s1 =	simm.s32 $0xA000  }
0x19e: {  	[tilespmem:s1], [sflag:$0x1] =	stream.indirect_vreg.gather [hbm4b:s3+s2], $0x80, v3, vm0, $0xb8;
	[tilespmem:$0x18400] =	vst v63  }
0x19f: {  	s1 =	simm.s32 $0xA800  }
0x1a0: {  	[tilespmem:s1], [sflag:$0x1] =	stream.indirect_vreg.gather [hbm4b:s5+s2], $0x80, v3, vm1, $0xb8;
	[tilespmem:$0x18400] =	vst v63  }
0x1a1: {  	v3 =	vld [tilespmem:s30+$0xB0];
	_ =	sdelay $0x4  }
0x1a2: {  	v63 =	vshrl.u32 v3, $0x3  }
0x1a3: {  	v4 =	vmul.u32 $0x18, v63  }
0x1a4: {  	v3 =	vand.u32 $0x7, v3  }
0x1a5: {  	v3 =	vor.u32 v3, v4  }
0x1a6: {  	v4 =	vperm.xlane v3, v0;
	_ =	sdelay $0x1  }
0x1a7: {  	v4 =	vadd.s32 v1, v4;
	_ =	sdelay $0x2  }
0x1a8: {  	v3 =	vperm.xlane v3, v2  }
0x1a9: {  	s31 =	sadd.s32 $0x3000, s31;
	s1 =	simm.s32 $0xAC00  }
0x1aa: {  	v3 =	vadd.s32 v1, v3;
	[tilespmem:s1], [sflag:$0x1] =	stream.indirect_vreg.gather [hbm4b:s3+s2], $0x80, v4, vm0, $0xb8;
	[tilespmem:$0x18400] =	vst v63  }
0x1ab: {  	p0 =	sne.s32 s31, $0xC000;
	s1 =	simm.s32 $0xB400  }
0x1ac: {  	[tilespmem:s1], [sflag:$0x1] =	stream.indirect_vreg.gather [hbm4b:s5+s2], $0x80, v4, vm1, $0xb8;
	[tilespmem:$0x18400] =	vst v63  }
.Ltmp3:
0x1ad: {  	_ = 	snop;
	(pc) =	sbr.rel @p0 .LBB2_2-.Ltmp3, $4  }
.Ltmp4:
0x1ae: {  	s1 =	simm.s32 $0xB800;
	(pc) =	sbr.rel @!p0 .LBB2_4-.Ltmp4, $4  }
0x1af: {  	[tilespmem:s1], [sflag:$0x1] =	stream.indirect_vreg.gather [hbm4b:s3+s2], $0x80, v3, vm0, $0xb8;
	[tilespmem:$0x18400] =	vst v63  }
0x1b0: {  	s30 =	sadd.s32 $0x100, s30;
	s1 =	simm.s32 $0xC000  }
0x1b1: {  	[tilespmem:s1], [sflag:$0x1] =	stream.indirect_vreg.gather [hbm4b:s5+s2], $0x80, v3, vm1, $0xb8;
	[tilespmem:$0x18400] =	vst v63  }
0x1b2: {  	_ = 	snop  }
.LBB2_5:
0x1b3: {  	_ =	sfence.sel $0x180000  }
0x1b4: {  	[bflag:$0x0] =	sbarrier.arrive $0xFFFF  }
0x1b5: {  	_ =	strace $0x90000047  }
0x1b6: {  	s0 =	stileid.u32;
	[bflag:$0x2] =	sbarrier.arrive $0xFFFF  }
0x1b7: {  	p0 =	sne.s32 s0, $0x0;
	s0 =	rddreg [dreg:$0x1]  }
0x1b8: {  	s0 =	sadd.s32 @!p0 $0x100000, s0  }
0x1b9: {  	[sflag:s0] =	ssyncadd.tile.s32 @!p0 $0x1;
	_ =	shalt  }
.Lfunc_end2:
_tile_overlayer_lowered:
.L_overlay_start_2:
0x1ba: {  	(tag) =	ssettag $0x2  }
0x1bb: {  	s0 =	rddreg [dreg:$0x0];
	s2 =	stileid.u32  }
0x1bc: {  	s1 =	rddreg [dreg:$0x1];
	p0 =	sne.s32 s2, $0x0  }
0x1bd: {  	s3 =	rddreg [dreg:$0x2];
	[bflag:$0x3] =	sbarrier.arrive $0xFFFF;
	s2 =	simm.s32 @!p0 $0x1C05  }
0x1be: {  	[timem:s3], [sflag:s2] =	dma.local @!p0 [hbm:s0], s1  }
0x1bf: {  	s0 =	simm.s32 @!p0 $0x5  }
0x1c0: {  	_ =	swait.ge @!p0 [sflag:s0], s1  }
0x1c1: {  	s1 =	ssub.s32 @!p0 $0x0, s1;
	[sflag:s0] =	ssyncset.done @!p0 $0x0  }
0x1c2: {  	[sflag:s0] =	ssyncadd.s32 @!p0 s1  }
0x1c3: {  	[bflag:$0x3] =	sbarrier.arrive $0xFFFF  }
0x1c4: {  	_ =	shalt  }

// kernel: kernel.13.cloned.1.call-start
scs
__scs_entry_jumppad:
0x0: {  	(pc) =	sbr.rel $0x88, $3  }
0x1: {  	(tag) =	ssettag $0x0;
	lr =	simm.s32 $0x1  }
0x2: {  	[smem:$0x3F9D] =	sst lr;
	_ =	strace $0xD0000000  }
0x3: {  	_ = 	snop  }
0x4: {  	_ = 	snop  }
0x5: {  	_ = 	snop  }
0x6: {  	_ = 	snop  }
0x7: {  	_ = 	snop  }
__scs_overlays_trampoline_lowered:
0x8: {  	[smem:$0x3FAC] =	sst s0  }
0x9: {  	[smem:$0x3FAD] =	sst s1  }
0xa: {  	[smem:$0x3FAE] =	sst s2  }
0xb: {  	[smem:$0x3FAF] =	sst s3  }
0xc: {  	[smem:$0x3FB0] =	sst s4  }
0xd: {  	[smem:$0x3FB1] =	sst s5  }
0xe: {  	[smem:$0x3FB2] =	sst s6  }
0xf: {  	[smem:$0x3FB3] =	sst s7  }
0x10: {  	[smem:$0x3FB4] =	sst s8  }
0x11: {  	[smem:$0x3FB5] =	sst s9;
	s0 =	simm.s32 @!p0 $0x0  }
0x12: {  	s1 =	sld [smem:$0x3F9B];
	s0 =	simm.s32 @p0 $0x1  }
0x13: {  	[smem:$0x3FB6] =	sst s0;
	s0 =	simm.s32 @!p1 $0x0  }
0x14: {  	s2 =	sld [smem:$0x3F9A];
	s0 =	simm.s32 @p1 $0x1  }
0x15: {  	[smem:$0x3FB7] =	sst s0;
	s0 =	simm.s32 @!p2 $0x0  }
0x16: {  	s3 =	sld [smem:$0x3FDB];
	s0 =	simm.s32 @p2 $0x1  }
0x17: {  	s4 =	simm.s32 $0x1BF5;
	[smem:$0x3FB9] =	sst s0  }
0x18: {  	s0 =	sld [smem:$0x3F9C];
	_ =	swait.ge [sflag:s4], $0x0  }
0x19: {  	s7 =	sld [smem:$0x3F9D]  }
0x1a: {  	s8 =	sadd.s32 $0xFFFFE003, lr  }
0x1b: {  	s9 =	sadd.s32 $0xFFFFFEF7, lr;
	s5 =	simm.s32 $0xFFFFFFFF;
	p2 =	slt.u32 s8, $0xFFFFF086  }
0x1c: {  	p1 =	slt.u32 s9, $0xF7A;
	s5 =	simm.s32 @!p2 $0x0  }
0x1d: {  	s5 =	simm.s32 @p1 $0x1;
	p0 =	seq.s32 s7, s2  }
0x1e: {  	s7 =	smul.u32 @!p0 $0xF7A, s2;
	p2 =	seq.s32 @!p0 s5, $0x0  }
0x1f: {  	s9 =	smul.u32 $0xF7A, s1;
	s8 =	simm.s32 @!p0 $0x1BF5;
	p2 =	por !p2, p0  }
0x20: {  	[sflag:s8] =	ssyncset.s32 @!p0 $0xFFFFF086;
	s6 =	sadd.s32 @!p0 s3, s7;
	s7 =	simm.s32 @!p0 $0x108  }
0x21: {  	s3 =	sadd.s32 s3, s9;
	s6 =	sadd.s32 @!p0 $0x88, s6;
	s7 =	simm.s32 @p2 $0x1082  }
0x22: {  	[simem:s7], [sflag:s8] =	dma.local @!p0 [hbm:s6], $0xF7A  }
0x23: {  	s9 =	sor.u32 $0xD0000000, s2;
	s6 =	simm.s32 $0x108;
	_ =	swait.ge @!p0 [sflag:s8], $0x0  }
0x24: {  	s3 =	sadd.s32 $0x88, s3;
	s6 =	simm.s32 @!p1 $0x1082;
	[sflag:s4] =	ssyncset.s32 $0xFFFFF086  }
0x25: {  	[simem:s6], [sflag:s4] =	dma.local [hbm:s3], $0xF7A  }
0x26: {  	[smem:$0x3F9D] =	sst s1;
	(tag) =	ssettag s2;
	_ =	strace s9  }
0x27: {  	s1 =	sld [smem:$0x3FAD]  }
0x28: {  	s2 =	sld [smem:$0x3FAE]  }
0x29: {  	s4 =	sld [smem:$0x3FB0]  }
0x2a: {  	p0 =	seq.s32 s5, $0x0;
	s5 =	sld [smem:$0x3FB1]  }
0x2b: {  	s6 =	sld [smem:$0x3FB2]  }
0x2c: {  	s7 =	sld [smem:$0x3FB3]  }
0x2d: {  	s3 =	simm.s32 $0x108;
	s8 =	sld [smem:$0x3FB4]  }
0x2e: {  	s3 =	simm.s32 @!p0 $0x1082;
	s9 =	sld [smem:$0x3FB5]  }
0x2f: {  	lr =	sadd.s32 s0, s3;
	s0 =	sld [smem:$0x3FAC]  }
0x30: {  	s3 =	sld [smem:$0x3FAF]  }
0x31: {  	[smem:$0x3FB8] =	sst s10  }
0x32: {  	s10 =	sld [smem:$0x3FB6];
	_ =	sdelay $0x3  }
0x33: {  	p0 =	seq.s32 s10, $0x1;
	s10 =	sld [smem:$0x3FB8];
	_ =	sdelay $0x3  }
0x34: {  	[smem:$0x3FB8] =	sst s10  }
0x35: {  	s10 =	sld [smem:$0x3FB7];
	_ =	sdelay $0x3  }
0x36: {  	p1 =	seq.s32 s10, $0x1;
	s10 =	sld [smem:$0x3FB8];
	_ =	sdelay $0x3  }
0x37: {  	[smem:$0x3FB8] =	sst s10  }
0x38: {  	s10 =	sld [smem:$0x3FB9]  }
0x39: {  	_ = 	snop;
	(pc) =	sbr.ind lr, $3  }
0x3a: {  	_ = 	snop  }
0x3b: {  	_ = 	snop  }
0x3c: {  	p2 =	seq.s32 s10, $0x1;
	s10 =	sld [smem:$0x3FB8]  }
0x3d: {  	_ =	shalt  }
0x3e: {  	_ =	shalt  }
0x3f: {  	_ =	shalt  }
0x40: {  	_ =	shalt  }
0x41: {  	_ =	shalt  }
0x42: {  	_ =	shalt  }
0x43: {  	_ =	shalt  }
0x44: {  	_ =	shalt  }
0x45: {  	_ =	shalt  }
0x46: {  	_ =	shalt  }
0x47: {  	_ =	shalt  }
0x48: {  	_ =	shalt  }
0x49: {  	_ =	shalt  }
0x4a: {  	_ =	shalt  }
0x4b: {  	_ =	shalt  }
0x4c: {  	_ =	shalt  }
0x4d: {  	_ =	shalt  }
0x4e: {  	_ =	shalt  }
0x4f: {  	_ =	shalt  }
0x50: {  	_ =	shalt  }
0x51: {  	_ =	shalt  }
0x52: {  	_ =	shalt  }
0x53: {  	_ =	shalt  }
0x54: {  	_ =	shalt  }
0x55: {  	_ =	shalt  }
0x56: {  	_ =	shalt  }
0x57: {  	_ =	shalt  }
0x58: {  	_ =	shalt  }
0x59: {  	_ =	shalt  }
0x5a: {  	_ =	shalt  }
0x5b: {  	_ =	shalt  }
0x5c: {  	_ =	shalt  }
0x5d: {  	_ =	shalt  }
0x5e: {  	_ =	shalt  }
0x5f: {  	_ =	shalt  }
0x60: {  	_ =	shalt  }
0x61: {  	_ =	shalt  }
0x62: {  	_ =	shalt  }
0x63: {  	_ =	shalt  }
0x64: {  	_ =	shalt  }
0x65: {  	_ =	shalt  }
0x66: {  	_ =	shalt  }
0x67: {  	_ =	shalt  }
0x68: {  	_ =	shalt  }
0x69: {  	_ =	shalt  }
0x6a: {  	_ =	shalt  }
0x6b: {  	_ =	shalt  }
0x6c: {  	_ =	shalt  }
0x6d: {  	_ =	shalt  }
0x6e: {  	_ =	shalt  }
0x6f: {  	_ =	shalt  }
0x70: {  	_ =	shalt  }
0x71: {  	_ =	shalt  }
0x72: {  	_ =	shalt  }
0x73: {  	_ =	shalt  }
0x74: {  	_ =	shalt  }
0x75: {  	_ =	shalt  }
0x76: {  	_ =	shalt  }
0x77: {  	_ =	shalt  }
0x78: {  	_ =	shalt  }
0x79: {  	_ =	shalt  }
0x7a: {  	_ =	shalt  }
0x7b: {  	_ =	shalt  }
0x7c: {  	_ =	shalt  }
0x7d: {  	_ =	shalt  }
0x7e: {  	_ =	shalt  }
0x7f: {  	_ =	shalt  }
0x80: {  	_ =	shalt  }
0x81: {  	_ =	shalt  }
0x82: {  	_ =	shalt  }
0x83: {  	_ =	shalt  }
0x84: {  	_ =	shalt  }
0x85: {  	_ =	shalt  }
0x86: {  	_ =	shalt  }
0x87: {  	_ =	shalt  }
.Lfunc_end0:
.L_simem_size_0:
called_computation.1_lowered:
.L_overlay_start_0:
0x88: {  	s2 =	sld [smem:$0x3FD9]  }
0x89: {  	s3 =	sld [smem:$0x3FFE];
	_ =	sdelay $0x1  }
0x8a: {  	s1 =	srdreg.scid  }
0x8b: {  	s0 =	sand.u32 $0x1, s1  }
0x8c: {  	s17 =	sshll.u32 s0, $0xA;
	s2 =	sadd.s32 s3, s2  }
0x8d: {  	s2 =	sadd.s32 s2, s17  }
0x8e: {  	[smem:$0x3FC4] =	sst s2  }
0x8f: {  	_ = 	snop  }
0x90: {  	(tm) =	ssettm $0x1  }
0x91: {  	s18 =	sld [smem:$0x3FFB];
	_ =	sdelay $0x3  }
0x92: {  	_ =	strace s18  }
0x93: {  	s2 =	sld [smem:$0x3FFC];
	_ =	sdelay $0x3  }
0x94: {  	_ =	strace s2  }
0x95: {  	s2 =	sld [smem:$0x3FFD];
	_ =	sdelay $0x3  }
0x96: {  	_ =	strace s2  }
0x97: {  	_ =	strace $0x8FFFFFFF  }
0x98: {  	s19 =	sld [smem:$0x3FDB];
	_ =	sdelay $0x1  }
0x99: {  	s20 =	simm.s32 $_scs_section_size  }
0x9a: {  	s4 =	simm.s32 $_size__tile_overlayer_lowered;
	s5 =	simm.s32 $_tile_overlayer_lowered  }
0x9b: {  	s6 =	simm.s32 $0x1BFF;
	s21 =	sshll.u32 s5, $0x1;
	s3 =	sadd.s32 s20, s19  }
0x9c: {  	s22 =	simm.s32 $0x0;
	s4 =	sshll.u32 s4, $0x1;
	s5 =	sadd.s32 s21, s3  }
0x9d: {  	[timem:s22], [sflag:s6] =	dma.local [hbm:s5], s4  }
0x9e: {  	_ =	swait.ge [sflag:s6], s4  }
0x9f: {  	s4 =	ssub.s32 $0x0, s4;
	[sflag:s6] =	ssyncset.done $0x0  }
0xa0: {  	[sflag:s6] =	ssyncadd.s32 s4;
	_ =	sdelay $0x1  }
0xa1: {  	s23 =	simm.s32 $0x1B8B  }
0xa2: {  	_ =	swait.ge [sflag:s23], $0x1  }
0xa3: {  	[sflag:s23] =	ssyncset.done $0x0  }
0xa4: {  	[sflag:s23] =	ssyncadd.s32 $0xFFFFFFFF  }
0xa5: {  	s4 =	sld [smem:$0x0]  }
0xa6: {  	s5 =	sand.u32 $0xFFFFFFFE, s1  }
0xa7: {  	p0 =	sne.s32 s1, s5  }
0xa8: {  	s5 =	sshll.u32 @p0 s5, $0xE  }
0xa9: {  	s5 =	sadd.s32 @p0 $0x11B8D, s5;
	s6 =	sshll.u32 @p0 s4, $0x11  }
0xaa: {  	s5 =	sor.u32 @p0 s6, s5  }
0xab: {  	[sflag:s5] =	ssyncadd.remote.s32 @p0 $0x1;
	_ =	sdelay $0x1  }
0xac: {  	s5 =	simm.s32 @p0 $0x1B8D  }
0xad: {  	_ =	swait.eq @p0 [sflag:s5], $0x1  }
0xae: {  	[sflag:s5] =	ssyncadd.s32 @p0 $0xFFFFFFFF  }
0xaf: {  	s6 =	sshll.u32 @!p0 s1, $0xE  }
0xb0: {  	s6 =	sor.u32 @!p0 $0x4000, s6;
	s5 =	simm.s32 @!p0 $0x1B8D  }
0xb1: {  	s4 =	sshll.u32 @!p0 s4, $0x11;
	s6 =	sadd.s32 @!p0 $0x11B8D, s6;
	_ =	swait.eq @!p0 [sflag:s5], $0x1  }
0xb2: {  	s4 =	sor.u32 @!p0 s4, s6;
	[sflag:s5] =	ssyncadd.s32 @!p0 $0xFFFFFFFF  }
0xb3: {  	s25 =	simm.s32 $0x1B8E;
	s24 =	sld [smem:$0x3FFE];
	[sflag:s4] =	ssyncadd.remote.s32 @!p0 $0x1  }
0xb4: {  	s26 =	simm.s32 $execute0_lowered;
	[smem:$0x3FD2] =	sst s25  }
0xb5: {  	s5 =	sshll.u32 s26, $0x1;
	_ =	strace $0x80000049;
	[dreg:$0x1] =	wrdreg $0xFFFFFFFF  }
0xb6: {  	s28 =	simm.s32 $_size_execute0_lowered;
	s3 =	sadd.s32 s3, s5;
	[dreg:$0x0] =	wrdreg $0x0  }
0xb7: {  	s5 =	sshll.u32 s28, $0x1;
	[dreg:$0x2] =	wrdreg s3  }
0xb8: {  	[dreg:$0x3] =	wrdreg s5  }
0xb9: {  	[dreg:$0x4] =	wrdreg $0xC0  }
0xba: {  	_ =	task [dreg:s22], $0x5FFFF  }
0xbb: {  	[dreg:$0x1] =	wrdreg $0xFFFFFFFF  }
0xbc: {  	[dreg:$0x0] =	wrdreg $0x60  }
0xbd: {  	[dreg:$0x2] =	wrdreg s24  }
0xbe: {  	[dreg:$0x3] =	wrdreg $0xA  }
0xbf: {  	_ =	task.clear_ibuf [dreg:s22], $0x4FFFF;
	_ =	strace $0x90000049  }
0xc0: {  	s29 =	simm.s32 $0xA;
	_ =	strace $0x8000004B  }
0xc1: {  	_ =	swait.ge [sflag:s29], $0x1  }
0xc2: {  	[sflag:s29] =	ssyncadd.s32 $0xFFFFFFFF  }
0xc3: {  	_ =	strace $0x9000004B  }
0xc4: {  	_ =	sfence  }
0xc5: {  	s30 =	sld [smem:$0x0];
	_ =	sdelay $0x2  }
0xc6: {  	s31 =	sshll.u32 s1, $0xD;
	s1 =	sshrl.u32 s1, $0x2  }
0xc7: {  	s4 =	sand.u32 $0x4000, s31;
	s1 =	sadd.s32 s1, s30  }
0xc8: {  	s0 =	sor.u32 s4, s0;
	s1 =	sshll.u32 s1, $0x11  }
0xc9: {  	s0 =	sor.u32 s1, s0  }
0xca: {  	s0 =	sadd.s32 $0x8F2B, s0  }
0xcb: {  	[sflag:s0] =	ssyncadd.remote.s32 $0x1  }
0xcc: {  	_ =	sfence.sel $0xFFFF  }
0xcd: {  	[dreg:$0x0] =	wrdreg $0xFFFFFFFF;
	(pc) =	sbr.abs _section_cstart, $3  }
0xce: {  	[dreg:$0x1] =	wrdreg $0xFFFFFFFF  }
0xcf: {  	_ =	task.clear_ibuf [dreg:s22], $0x2FFFF;
	_ =	strace $0x9FFFFFFF  }
0xd0: {  	(tm) =	ssettm $0x7FFFFFFF  }
0xd1: {  	_ =	shalt  }
tec
execute0_lowered:
.L_overlay_start_1:
0x0: {  	(tag) =	ssettag $0x1  }
0x1: {  	s0 =	srdreg.scid;
	s2 =	stileid.u32  }
0x2: {  	s1 =	rddreg [dreg:$0x0];
	s10 =	simm.s32 $0x400;
	s17 =	simm.s32 $0x1  }
0x3: {  	s18 =	simm.s32 $0xC400;
	s19 =	simm.s32 $0x11800;
	s20 =	simm.s32 $0x12400  }
0x4: {  	s21 =	simm.s32 $0x13000;
	s22 =	simm.s32 $0x13C00;
	s23 =	simm.s32 $0x14800  }
0x5: {  	s11 =	simm.s32 $0x15000;
	s24 =	simm.s32 $0x15400;
	s12 =	simm.s32 $0x15C00  }
0x6: {  	s25 =	simm.s32 $0x16000;
	s13 =	simm.s32 $0x16800;
	s26 =	simm.s32 $0x16C00  }
0x7: {  	s14 =	simm.s32 $0x17400;
	s28 =	simm.s32 $0x17800;
	s15 =	simm.s32 $0x18000  }
0x8: {  	s29 =	simm.s32 $0x2;
	s16 =	simm.s32 $0x3;
	s31 =	simm.s32 $0x0  }
0x9: {  	s0 =	sand.u32 $0x1, s0;
	s3 =	sshll.u32 s2, $0xB;
	s2 =	simm.s32 $0x0  }
0xa: {  	s9 =	sadd.s32 $0x456000, s1;
	s4 =	sshll.u32 s0, $0xA;
	[smem:$0x7FF] =	sst s2  }
0xb: {  	s0 =	ssub.s32 $0x2, s0;
	s4 =	sor.u32 s4, s3;
	_ =	strace $0x8000004A  }
0xc: {  	s3 =	sadd.s32 $0x170400, s1;
	s7 =	sshrl.u32 s0, $0x1;
	s5 =	sshrl.u32 s4, $0x3  }
0xd: {  	s4 =	sor.u32 $0x80, s4;
	s0 =	ssub.s32 s0, s7;
	s8 =	smul.u32 $0x180, s5  }
.Ltmp0:
0xe: {  	s6 =	sadd.s32 s5, s1;
	s4 =	sshrl.u32 s4, $0x3;
	(pc) =	sbr.rel .LBB2_1-.Ltmp0, $4  }
0xf: {  	s5 =	sadd.s32 $0x170500, s1;
	s0 =	smax.u32 s0, $0x1;
	s4 =	smul.u32 $0x180, s4  }
0x10: {  	v2 =	vlaneseq.u32;
	s30 =	sadd.s32 $0xA800, s6;
	[dreg:$0x3] =	wrdreg s0;
	s0 =	simm.s32 $0x12000  }
0x11: {  	vm0 =	vmmov $0xffff;
	vm1 =	vmmov $0xff;
	v1 =	vshrl.u32 v2, $0x3;
	s6 =	simm.s32 $0x13800;
	[dreg:$0x2] =	wrdreg s30;
	s7 =	sadd.s32 s8, s9  }
0x12: {  	v0 =	vand.u32 $0x7, v2;
	v2 =	vor.u32 $0x8, v2;
	v1 =	vmul.u32 $0x8, v1;
	s8 =	sadd.s32 s4, s9;
	s4 =	simm.s32 $0x12C00;
	s9 =	simm.s32 $0x14400  }
.LBB2_4:
0x13: {  	s30 =	simm.s32 $0x4  }
0x14: {  	_ =	swait.ge [sflag:s30], $0xC000  }
0x15: {  	s31 =	rddreg [dreg:$0x4]  }
0x16: {  	s1 =	rddreg [dreg:$0x3];
	s31 =	sadd.s32 $0x1, s31  }
0x17: {  	p0 =	sne.s32 s31, s1  }
.Ltmp1:
0x18: {  	_ = 	snop;
	(pc) =	sbr.rel @!p0 .LBB2_5-.Ltmp1, $3  }
0x19: {  	_ =	sdelay $0x1  }
0x1a: {  	[sflag:s30] =	ssyncset.done $0x0  }
0x1b: {  	[sflag:s30] =	ssyncadd.s32 $0xFFFF4000  }
.LBB2_1:
0x1c: {  	s1 =	rddreg [dreg:$0x2]  }
0x1d: {  	[tilespmem:s2], [sflag:$0x5] =	stream.linear.gather [hbm4b:s1+s2], $0x400, $0x38;
	[tilespmem:$0x18400] =	vst v63  }
0x1e: {  	[dreg:$0x4] =	wrdreg s31;
	s1 =	simm.s32 $0x5  }
0x1f: {  	_ =	swait.ge [sflag:s1], $0x400  }
0x20: {  	[sflag:s1] =	ssyncset.done $0x0  }
0x21: {  	[sflag:s1] =	ssyncadd.s32 $0xFFFFFC00  }
0x22: {  	v3 =	vld [tilespmem:$0x0];
	_ =	sdelay $0x4  }
0x23: {  	v4 =	vshrl.u32 v3, $0x3  }
0x24: {  	v4 =	vmul.u32 $0x18, v4  }
0x25: {  	v3 =	vand.u32 $0x7, v3  }
0x26: {  	v3 =	vor.u32 v3, v4  }
0x27: {  	v4 =	vperm.xlane v3, v0;
	_ =	sdelay $0x1  }
0x28: {  	v4 =	vadd.s32 v1, v4;
	_ =	sdelay $0x1  }
0x29: {  	v3 =	vperm.xlane v3, v2;
	_ =	sdelay $0x1  }
0x2a: {  	v3 =	vadd.s32 v1, v3  }
0x2b: {  	[tilespmem:s10], [sflag:$0x1] =	stream.indirect_vreg.gather [hbm4b:s3+s2], $0x80, v4, vm0, $0xb8;
	[tilespmem:$0x18400] =	vst v63  }
0x2c: {  	s1 =	simm.s32 $0xC00  }
0x2d: {  	[tilespmem:s1], [sflag:$0x1] =	stream.indirect_vreg.gather [hbm4b:s5+s2], $0x80, v4, vm1, $0xb8;
	[tilespmem:$0x18400] =	vst v63  }
0x2e: {  	s1 =	simm.s32 $0x1000  }
0x2f: {  	[tilespmem:s1], [sflag:$0x1] =	stream.indirect_vreg.gather [hbm4b:s3+s2], $0x80, v3, vm0, $0xb8;
	[tilespmem:$0x18400] =	vst v63  }
0x30: {  	s1 =	simm.s32 $0x1800  }
0x31: {  	[tilespmem:s1], [sflag:$0x1] =	stream.indirect_vreg.gather [hbm4b:s5+s2], $0x80, v3, vm1, $0xb8;
	[tilespmem:$0x18400] =	vst v63  }
0x32: {  	v3 =	vld [tilespmem:$0x10];
	_ =	sdelay $0x4  }
0x33: {  	v57 =	vshrl.u32 v3, $0x3  }
0x34: {  	v4 =	vmul.u32 $0x18, v57  }
0x35: {  	v3 =	vand.u32 $0x7, v3  }
0x36: {  	v3 =	vor.u32 v3, v4  }
0x37: {  	v4 =	vperm.xlane v3, v0;
	_ =	sdelay $0x1  }
0x38: {  	v4 =	vadd.s32 v1, v4;
	_ =	sdelay $0x1  }
0x39: {  	v3 =	vperm.xlane v3, v2;
	_ =	sdelay $0x1  }
0x3a: {  	s1 =	simm.s32 $0x1C00;
	v3 =	vadd.s32 v1, v3  }
0x3b: {  	[tilespmem:s1], [sflag:$0x1] =	stream.indirect_vreg.gather [hbm4b:s3+s2], $0x80, v4, vm0, $0xb8;
	[tilespmem:$0x18400] =	vst v63  }
0x3c: {  	s1 =	simm.s32 $0x2400  }
0x3d: {  	[tilespmem:s1], [sflag:$0x1] =	stream.indirect_vreg.gather [hbm4b:s5+s2], $0x80, v4, vm1, $0xb8;
	[tilespmem:$0x18400] =	vst v63  }
0x3e: {  	s1 =	simm.s32 $0x2800  }
0x3f: {  	[tilespmem:s1], [sflag:$0x1] =	stream.indirect_vreg.gather [hbm4b:s3+s2], $0x80, v3, vm0, $0xb8;
	[tilespmem:$0x18400] =	vst v63  }
0x40: {  	s1 =	simm.s32 $0x3000  }
0x41: {  	[tilespmem:s1], [sflag:$0x1] =	stream.indirect_vreg.gather [hbm4b:s5+s2], $0x80, v3, vm1, $0xb8;
	[tilespmem:$0x18400] =	vst v63  }
0x42: {  	v3 =	vld [tilespmem:$0x20];
	_ =	sdelay $0x4  }
0x43: {  	v58 =	vshrl.u32 v3, $0x3  }
0x44: {  	v4 =	vmul.u32 $0x18, v58  }
0x45: {  	v3 =	vand.u32 $0x7, v3  }
0x46: {  	v3 =	vor.u32 v3, v4  }
0x47: {  	v4 =	vperm.xlane v3, v0;
	_ =	sdelay $0x1  }
0x48: {  	v4 =	vadd.s32 v1, v4;
	_ =	sdelay $0x1  }
0x49: {  	v3 =	vperm.xlane v3, v2;
	_ =	sdelay $0x1  }
0x4a: {  	s1 =	simm.s32 $0x3400;
	v3 =	vadd.s32 v1, v3  }
0x4b: {  	[tilespmem:s1], [sflag:$0x1] =	stream.indirect_vreg.gather [hbm4b:s3+s2], $0x80, v4, vm0, $0xb8;
	[tilespmem:$0x18400] =	vst v63  }
0x4c: {  	s1 =	simm.s32 $0x3C00  }
0x4d: {  	[tilespmem:s1], [sflag:$0x1] =	stream.indirect_vreg.gather [hbm4b:s5+s2], $0x80, v4, vm1, $0xb8;
	[tilespmem:$0x18400] =	vst v63  }
0x4e: {  	s1 =	simm.s32 $0x4000  }
0x4f: {  	[tilespmem:s1], [sflag:$0x1] =	stream.indirect_vreg.gather [hbm4b:s3+s2], $0x80, v3, vm0, $0xb8;
	[tilespmem:$0x18400] =	vst v63  }
0x50: {  	s1 =	simm.s32 $0x4800  }
0x51: {  	[tilespmem:s1], [sflag:$0x1] =	stream.indirect_vreg.gather [hbm4b:s5+s2], $0x80, v3, vm1, $0xb8;
	[tilespmem:$0x18400] =	vst v63  }
0x52: {  	v3 =	vld [tilespmem:$0x30];
	_ =	sdelay $0x4  }
0x53: {  	v59 =	vshrl.u32 v3, $0x3  }
0x54: {  	v4 =	vmul.u32 $0x18, v59  }
0x55: {  	v3 =	vand.u32 $0x7, v3  }
0x56: {  	v3 =	vor.u32 v3, v4  }
0x57: {  	v4 =	vperm.xlane v3, v0;
	_ =	sdelay $0x1  }
0x58: {  	v4 =	vadd.s32 v1, v4;
	_ =	sdelay $0x1  }
0x59: {  	v3 =	vperm.xlane v3, v2;
	_ =	sdelay $0x1  }
0x5a: {  	s1 =	simm.s32 $0x4C00;
	v3 =	vadd.s32 v1, v3  }
0x5b: {  	[tilespmem:s1], [sflag:$0x1] =	stream.indirect_vreg.gather [hbm4b:s3+s2], $0x80, v4, vm0, $0xb8;
	[tilespmem:$0x18400] =	vst v63  }
0x5c: {  	s1 =	simm.s32 $0x5400  }
0x5d: {  	[tilespmem:s1], [sflag:$0x1] =	stream.indirect_vreg.gather [hbm4b:s5+s2], $0x80, v4, vm1, $0xb8;
	[tilespmem:$0x18400] =	vst v63  }
0x5e: {  	s1 =	simm.s32 $0x5800  }
0x5f: {  	[tilespmem:s1], [sflag:$0x1] =	stream.indirect_vreg.gather [hbm4b:s3+s2], $0x80, v3, vm0, $0xb8;
	[tilespmem:$0x18400] =	vst v63  }
0x60: {  	s1 =	simm.s32 $0x6000  }
0x61: {  	[tilespmem:s1], [sflag:$0x1] =	stream.indirect_vreg.gather [hbm4b:s5+s2], $0x80, v3, vm1, $0xb8;
	[tilespmem:$0x18400] =	vst v63  }
0x62: {  	v3 =	vld [tilespmem:$0x40];
	_ =	sdelay $0x4  }
0x63: {  	v60 =	vshrl.u32 v3, $0x3  }
0x64: {  	v4 =	vmul.u32 $0x18, v60  }
0x65: {  	v3 =	vand.u32 $0x7, v3  }
0x66: {  	v3 =	vor.u32 v3, v4  }
0x67: {  	v4 =	vperm.xlane v3, v0;
	_ =	sdelay $0x1  }
0x68: {  	v4 =	vadd.s32 v1, v4;
	_ =	sdelay $0x1  }
0x69: {  	v3 =	vperm.xlane v3, v2;
	_ =	sdelay $0x1  }
0x6a: {  	s1 =	simm.s32 $0x6400;
	v3 =	vadd.s32 v1, v3  }
0x6b: {  	[tilespmem:s1], [sflag:$0x1] =	stream.indirect_vreg.gather [hbm4b:s3+s2], $0x80, v4, vm0, $0xb8;
	[tilespmem:$0x18400] =	vst v63  }
0x6c: {  	s1 =	simm.s32 $0x6C00  }
0x6d: {  	[tilespmem:s1], [sflag:$0x1] =	stream.indirect_vreg.gather [hbm4b:s5+s2], $0x80, v4, vm1, $0xb8;
	[tilespmem:$0x18400] =	vst v63  }
0x6e: {  	s1 =	simm.s32 $0x7000  }
0x6f: {  	[tilespmem:s1], [sflag:$0x1] =	stream.indirect_vreg.gather [hbm4b:s3+s2], $0x80, v3, vm0, $0xb8;
	[tilespmem:$0x18400] =	vst v63  }
0x70: {  	s1 =	simm.s32 $0x7800  }
0x71: {  	[tilespmem:s1], [sflag:$0x1] =	stream.indirect_vreg.gather [hbm4b:s5+s2], $0x80, v3, vm1, $0xb8;
	[tilespmem:$0x18400] =	vst v63  }
0x72: {  	v3 =	vld [tilespmem:$0x50];
	_ =	sdelay $0x4  }
0x73: {  	v61 =	vshrl.u32 v3, $0x3  }
0x74: {  	v4 =	vmul.u32 $0x18, v61  }
0x75: {  	v3 =	vand.u32 $0x7, v3  }
0x76: {  	v3 =	vor.u32 v3, v4  }
0x77: {  	v4 =	vperm.xlane v3, v0;
	_ =	sdelay $0x1  }
0x78: {  	v4 =	vadd.s32 v1, v4;
	_ =	sdelay $0x1  }
0x79: {  	v3 =	vperm.xlane v3, v2;
	_ =	sdelay $0x1  }
0x7a: {  	s1 =	simm.s32 $0x7C00;
	v3 =	vadd.s32 v1, v3  }
0x7b: {  	[tilespmem:s1], [sflag:$0x1] =	stream.indirect_vreg.gather [hbm4b:s3+s2], $0x80, v4, vm0, $0xb8;
	[tilespmem:$0x18400] =	vst v63  }
0x7c: {  	s1 =	simm.s32 $0x8400  }
0x7d: {  	[tilespmem:s1], [sflag:$0x1] =	stream.indirect_vreg.gather [hbm4b:s5+s2], $0x80, v4, vm1, $0xb8;
	[tilespmem:$0x18400] =	vst v63  }
0x7e: {  	s1 =	simm.s32 $0x8800  }
0x7f: {  	[tilespmem:s1], [sflag:$0x1] =	stream.indirect_vreg.gather [hbm4b:s3+s2], $0x80, v3, vm0, $0xb8;
	[tilespmem:$0x18400] =	vst v63  }
0x80: {  	s1 =	simm.s32 $0x9000  }
0x81: {  	[tilespmem:s1], [sflag:$0x1] =	stream.indirect_vreg.gather [hbm4b:s5+s2], $0x80, v3, vm1, $0xb8;
	[tilespmem:$0x18400] =	vst v63  }
0x82: {  	v3 =	vld [tilespmem:$0x60];
	_ =	sdelay $0x4  }
0x83: {  	v62 =	vshrl.u32 v3, $0x3  }
0x84: {  	v4 =	vmul.u32 $0x18, v62  }
0x85: {  	v3 =	vand.u32 $0x7, v3  }
0x86: {  	v3 =	vor.u32 v3, v4  }
0x87: {  	v4 =	vperm.xlane v3, v0;
	_ =	sdelay $0x1  }
0x88: {  	v4 =	vadd.s32 v1, v4;
	_ =	sdelay $0x1  }
0x89: {  	v3 =	vperm.xlane v3, v2;
	_ =	sdelay $0x1  }
0x8a: {  	s1 =	simm.s32 $0x9400;
	v3 =	vadd.s32 v1, v3  }
0x8b: {  	[tilespmem:s1], [sflag:$0x1] =	stream.indirect_vreg.gather [hbm4b:s3+s2], $0x80, v4, vm0, $0xb8;
	[tilespmem:$0x18400] =	vst v63  }
0x8c: {  	s1 =	simm.s32 $0x9C00  }
0x8d: {  	[tilespmem:s1], [sflag:$0x1] =	stream.indirect_vreg.gather [hbm4b:s5+s2], $0x80, v4, vm1, $0xb8;
	[tilespmem:$0x18400] =	vst v63  }
0x8e: {  	s1 =	simm.s32 $0xA000  }
0x8f: {  	[tilespmem:s1], [sflag:$0x1] =	stream.indirect_vreg.gather [hbm4b:s3+s2], $0x80, v3, vm0, $0xb8;
	[tilespmem:$0x18400] =	vst v63  }
0x90: {  	s1 =	simm.s32 $0xA800  }
0x91: {  	[tilespmem:s1], [sflag:$0x1] =	stream.indirect_vreg.gather [hbm4b:s5+s2], $0x80, v3, vm1, $0xb8;
	[tilespmem:$0x18400] =	vst v63  }
0x92: {  	v3 =	vld [tilespmem:$0x70];
	_ =	sdelay $0x4  }
0x93: {  	v63 =	vshrl.u32 v3, $0x3  }
0x94: {  	v4 =	vmul.u32 $0x18, v63  }
0x95: {  	v3 =	vand.u32 $0x7, v3  }
0x96: {  	v3 =	vor.u32 v3, v4  }
0x97: {  	v4 =	vperm.xlane v3, v0;
	_ =	sdelay $0x1  }
0x98: {  	v4 =	vadd.s32 v1, v4;
	_ =	sdelay $0x1  }
0x99: {  	v3 =	vperm.xlane v3, v2;
	_ =	sdelay $0x1  }
0x9a: {  	s1 =	simm.s32 $0xAC00;
	v3 =	vadd.s32 v1, v3  }
0x9b: {  	[tilespmem:s1], [sflag:$0x1] =	stream.indirect_vreg.gather [hbm4b:s3+s2], $0x80, v4, vm0, $0xb8;
	[tilespmem:$0x18400] =	vst v63  }
0x9c: {  	s1 =	simm.s32 $0xB400  }
0x9d: {  	[tilespmem:s1], [sflag:$0x1] =	stream.indirect_vreg.gather [hbm4b:s5+s2], $0x80, v4, vm1, $0xb8;
	[tilespmem:$0x18400] =	vst v63  }
0x9e: {  	s1 =	simm.s32 $0xB800  }
0x9f: {  	[tilespmem:s1], [sflag:$0x1] =	stream.indirect_vreg.gather [hbm4b:s3+s2], $0x80, v3, vm0, $0xb8;
	[tilespmem:$0x18400] =	vst v63  }
0xa0: {  	s30 =	simm.s32 $0xC0;
	s31 =	simm.s32 $0x0;
	s1 =	simm.s32 $0xC000  }
0xa1: {  	[tilespmem:s1], [sflag:$0x1] =	stream.indirect_vreg.gather [hbm4b:s5+s2], $0x80, v3, vm1, $0xb8;
	[tilespmem:$0x18400] =	vst v63  }
.LBB2_2:
0xa2: {  	_ =	swait.ge [sflag:s17], $0xC000  }
0xa3: {  	[sflag:s17] =	ssyncset.done $0x0  }
0xa4: {  	s1 =	sadd.s32 s31, s7;
	p0 =	seq.s32 s31, $0x0;
	[sflag:s17] =	ssyncadd.s32 $0xFFFF4000  }
0xa5: {  	[hbm4b:s1+s2] =	stream.linear.scatter [tilespmem:s10], [sflag:$0x3], $0xC000, $0x38;
	[tilespmem:$0x18400] =	vst v63  }
0xa6: {  	s1 =	simm.s32 @!p0 $0x4  }
0xa7: {  	_ =	swait.ge @!p0 [sflag:s1], $0xC000  }
0xa8: {  	[sflag:s1] =	ssyncset.done @!p0 $0x0  }
0xa9: {  	[sflag:s1] =	ssyncadd.s32 @!p0 $0xFFFF4000  }
0xaa: {  	v3 =	vld [tilespmem:s30+$0xFFFFFFC0];
	_ =	sdelay $0x4  }
0xab: {  	v4 =	vshrl.u32 v3, $0x3  }
0xac: {  	v4 =	vmul.u32 $0x18, v4  }
0xad: {  	v3 =	vand.u32 $0x7, v3  }
0xae: {  	v3 =	vor.u32 v3, v4  }
0xaf: {  	v4 =	vperm.xlane v3, v0;
	_ =	sdelay $0x1  }
0xb0: {  	v4 =	vadd.s32 v1, v4;
	_ =	sdelay $0x1  }
0xb1: {  	v3 =	vperm.xlane v3, v2;
	_ =	sdelay $0x1  }
0xb2: {  	v3 =	vadd.s32 v1, v3  }
0xb3: {  	[tilespmem:s18], [sflag:$0x2] =	stream.indirect_vreg.gather [hbm4b:s3+s2], $0x80, v4, vm0, $0xb8;
	[tilespmem:$0x18400] =	vst v63  }
0xb4: {  	s1 =	simm.s32 $0xCC00  }
0xb5: {  	[tilespmem:s1], [sflag:$0x2] =	stream.indirect_vreg.gather [hbm4b:s5+s2], $0x80, v4, vm1, $0xb8;
	[tilespmem:$0x18400] =	vst v63  }
0xb6: {  	s1 =	simm.s32 $0xD000  }
0xb7: {  	[tilespmem:s1], [sflag:$0x2] =	stream.indirect_vreg.gather [hbm4b:s3+s2], $0x80, v3, vm0, $0xb8;
	[tilespmem:$0x18400] =	vst v63  }
0xb8: {  	s1 =	simm.s32 $0xD800  }
0xb9: {  	[tilespmem:s1], [sflag:$0x2] =	stream.indirect_vreg.gather [hbm4b:s5+s2], $0x80, v3, vm1, $0xb8;
	[tilespmem:$0x18400] =	vst v63  }
0xba: {  	v3 =	vld [tilespmem:s30+$0xFFFFFFD0];
	_ =	sdelay $0x4  }
0xbb: {  	v57 =	vshrl.u32 v3, $0x3  }
0xbc: {  	v4 =	vmul.u32 $0x18, v57  }
0xbd: {  	v3 =	vand.u32 $0x7, v3  }
0xbe: {  	v3 =	vor.u32 v3, v4  }
0xbf: {  	v4 =	vperm.xlane v3, v0;
	_ =	sdelay $0x1  }
0xc0: {  	v4 =	vadd.s32 v1, v4;
	_ =	sdelay $0x1  }
0xc1: {  	v3 =	vperm.xlane v3, v2;
	_ =	sdelay $0x1  }
0xc2: {  	s1 =	simm.s32 $0xDC00;
	v3 =	vadd.s32 v1, v3  }
0xc3: {  	[tilespmem:s1], [sflag:$0x2] =	stream.indirect_vreg.gather [hbm4b:s3+s2], $0x80, v4, vm0, $0xb8;
	[tilespmem:$0x18400] =	vst v63  }
0xc4: {  	s1 =	simm.s32 $0xE400  }
0xc5: {  	[tilespmem:s1], [sflag:$0x2] =	stream.indirect_vreg.gather [hbm4b:s5+s2], $0x80, v4, vm1, $0xb8;
	[tilespmem:$0x18400] =	vst v63  }
0xc6: {  	s1 =	simm.s32 $0xE800  }
0xc7: {  	[tilespmem:s1], [sflag:$0x2] =	stream.indirect_vreg.gather [hbm4b:s3+s2], $0x80, v3, vm0, $0xb8;
	[tilespmem:$0x18400] =	vst v63  }
0xc8: {  	s1 =	simm.s32 $0xF000  }
0xc9: {  	[tilespmem:s1], [sflag:$0x2] =	stream.indirect_vreg.gather [hbm4b:s5+s2], $0x80, v3, vm1, $0xb8;
	[tilespmem:$0x18400] =	vst v63  }
0xca: {  	v3 =	vld [tilespmem:s30+$0xFFFFFFE0];
	_ =	sdelay $0x4  }
0xcb: {  	v58 =	vshrl.u32 v3, $0x3  }
0xcc: {  	v4 =	vmul.u32 $0x18, v58  }
0xcd: {  	v3 =	vand.u32 $0x7, v3  }
0xce: {  	v3 =	vor.u32 v3, v4  }
0xcf: {  	v4 =	vperm.xlane v3, v0;
	_ =	sdelay $0x1  }
0xd0: {  	v4 =	vadd.s32 v1, v4;
	_ =	sdelay $0x1  }
0xd1: {  	v3 =	vperm.xlane v3, v2;
	_ =	sdelay $0x1  }
0xd2: {  	s1 =	simm.s32 $0xF400;
	v3 =	vadd.s32 v1, v3  }
0xd3: {  	[tilespmem:s1], [sflag:$0x2] =	stream.indirect_vreg.gather [hbm4b:s3+s2], $0x80, v4, vm0, $0xb8;
	[tilespmem:$0x18400] =	vst v63  }
0xd4: {  	s1 =	simm.s32 $0xFC00  }
0xd5: {  	[tilespmem:s1], [sflag:$0x2] =	stream.indirect_vreg.gather [hbm4b:s5+s2], $0x80, v4, vm1, $0xb8;
	[tilespmem:$0x18400] =	vst v63  }
0xd6: {  	s1 =	simm.s32 $0x10000  }
0xd7: {  	[tilespmem:s1], [sflag:$0x2] =	stream.indirect_vreg.gather [hbm4b:s3+s2], $0x80, v3, vm0, $0xb8;
	[tilespmem:$0x18400] =	vst v63  }
0xd8: {  	s1 =	simm.s32 $0x10800  }
0xd9: {  	[tilespmem:s1], [sflag:$0x2] =	stream.indirect_vreg.gather [hbm4b:s5+s2], $0x80, v3, vm1, $0xb8;
	[tilespmem:$0x18400] =	vst v63  }
0xda: {  	v3 =	vld [tilespmem:s30+$0xFFFFFFF0];
	_ =	sdelay $0x4  }
0xdb: {  	v59 =	vshrl.u32 v3, $0x3  }
0xdc: {  	v4 =	vmul.u32 $0x18, v59  }
0xdd: {  	v3 =	vand.u32 $0x7, v3  }
0xde: {  	v3 =	vor.u32 v3, v4  }
0xdf: {  	v4 =	vperm.xlane v3, v0;
	_ =	sdelay $0x1  }
0xe0: {  	v4 =	vadd.s32 v1, v4;
	_ =	sdelay $0x1  }
0xe1: {  	v3 =	vperm.xlane v3, v2;
	_ =	sdelay $0x1  }
0xe2: {  	s1 =	simm.s32 $0x10C00;
	v3 =	vadd.s32 v1, v3  }
0xe3: {  	[tilespmem:s1], [sflag:$0x2] =	stream.indirect_vreg.gather [hbm4b:s3+s2], $0x80, v4, vm0, $0xb8;
	[tilespmem:$0x18400] =	vst v63  }
0xe4: {  	s1 =	simm.s32 $0x11400  }
0xe5: {  	[tilespmem:s1], [sflag:$0x2] =	stream.indirect_vreg.gather [hbm4b:s5+s2], $0x80, v4, vm1, $0xb8;
	[tilespmem:$0x18400] =	vst v63  }
0xe6: {  	_ = 	snop  }
0xe7: {  	[tilespmem:s19], [sflag:$0x2] =	stream.indirect_vreg.gather [hbm4b:s3+s2], $0x80, v3, vm0, $0xb8;
	[tilespmem:$0x18400] =	vst v63  }
0xe8: {  	_ = 	snop  }
0xe9: {  	[tilespmem:s0], [sflag:$0x2] =	stream.indirect_vreg.gather [hbm4b:s5+s2], $0x80, v3, vm1, $0xb8;
	[tilespmem:$0x18400] =	vst v63  }
0xea: {  	v3 =	vld [tilespmem:s30+$0x0];
	_ =	sdelay $0x4  }
0xeb: {  	v60 =	vshrl.u32 v3, $0x3  }
0xec: {  	v4 =	vmul.u32 $0x18, v60  }
0xed: {  	v3 =	vand.u32 $0x7, v3  }
0xee: {  	v3 =	vor.u32 v3, v4  }
0xef: {  	v4 =	vperm.xlane v3, v0;
	_ =	sdelay $0x1  }
0xf0: {  	v4 =	vadd.s32 v1, v4;
	_ =	sdelay $0x1  }
0xf1: {  	v3 =	vperm.xlane v3, v2;
	_ =	sdelay $0x1  }
0xf2: {  	v3 =	vadd.s32 v1, v3  }
0xf3: {  	[tilespmem:s20], [sflag:$0x2] =	stream.indirect_vreg.gather [hbm4b:s3+s2], $0x80, v4, vm0, $0xb8;
	[tilespmem:$0x18400] =	vst v63  }
0xf4: {  	_ = 	snop  }
0xf5: {  	[tilespmem:s4], [sflag:$0x2] =	stream.indirect_vreg.gather [hbm4b:s5+s2], $0x80, v4, vm1, $0xb8;
	[tilespmem:$0x18400] =	vst v63  }
0xf6: {  	_ = 	snop  }
0xf7: {  	[tilespmem:s21], [sflag:$0x2] =	stream.indirect_vreg.gather [hbm4b:s3+s2], $0x80, v3, vm0, $0xb8;
	[tilespmem:$0x18400] =	vst v63  }
0xf8: {  	_ = 	snop  }
0xf9: {  	[tilespmem:s6], [sflag:$0x2] =	stream.indirect_vreg.gather [hbm4b:s5+s2], $0x80, v3, vm1, $0xb8;
	[tilespmem:$0x18400] =	vst v63  }
0xfa: {  	v3 =	vld [tilespmem:s30+$0x10];
	_ =	sdelay $0x4  }
0xfb: {  	v61 =	vshrl.u32 v3, $0x3  }
0xfc: {  	v4 =	vmul.u32 $0x18, v61  }
0xfd: {  	v3 =	vand.u32 $0x7, v3  }
0xfe: {  	v3 =	vor.u32 v3, v4  }
0xff: {  	v4 =	vperm.xlane v3, v0;
	_ =	sdelay $0x1  }
0x100: {  	v4 =	vadd.s32 v1, v4;
	_ =	sdelay $0x1  }
0x101: {  	v3 =	vperm.xlane v3, v2;
	_ =	sdelay $0x1  }
0x102: {  	v3 =	vadd.s32 v1, v3  }
0x103: {  	[tilespmem:s22], [sflag:$0x2] =	stream.indirect_vreg.gather [hbm4b:s3+s2], $0x80, v4, vm0, $0xb8;
	[tilespmem:$0x18400] =	vst v63  }
0x104: {  	_ = 	snop  }
0x105: {  	[tilespmem:s9], [sflag:$0x2] =	stream.indirect_vreg.gather [hbm4b:s5+s2], $0x80, v4, vm1, $0xb8;
	[tilespmem:$0x18400] =	vst v63  }
0x106: {  	_ = 	snop  }
0x107: {  	[tilespmem:s23], [sflag:$0x2] =	stream.indirect_vreg.gather [hbm4b:s3+s2], $0x80, v3, vm0, $0xb8;
	[tilespmem:$0x18400] =	vst v63  }
0x108: {  	_ = 	snop  }
0x109: {  	[tilespmem:s11], [sflag:$0x2] =	stream.indirect_vreg.gather [hbm4b:s5+s2], $0x80, v3, vm1, $0xb8;
	[tilespmem:$0x18400] =	vst v63  }
0x10a: {  	v3 =	vld [tilespmem:s30+$0x20];
	_ =	sdelay $0x4  }
0x10b: {  	v62 =	vshrl.u32 v3, $0x3  }
0x10c: {  	v4 =	vmul.u32 $0x18, v62  }
0x10d: {  	v3 =	vand.u32 $0x7, v3  }
0x10e: {  	v3 =	vor.u32 v3, v4  }
0x10f: {  	v4 =	vperm.xlane v3, v0;
	_ =	sdelay $0x1  }
0x110: {  	v4 =	vadd.s32 v1, v4;
	_ =	sdelay $0x1  }
0x111: {  	v3 =	vperm.xlane v3, v2;
	_ =	sdelay $0x1  }
0x112: {  	v3 =	vadd.s32 v1, v3  }
0x113: {  	[tilespmem:s24], [sflag:$0x2] =	stream.indirect_vreg.gather [hbm4b:s3+s2], $0x80, v4, vm0, $0xb8;
	[tilespmem:$0x18400] =	vst v63  }
0x114: {  	_ = 	snop  }
0x115: {  	[tilespmem:s12], [sflag:$0x2] =	stream.indirect_vreg.gather [hbm4b:s5+s2], $0x80, v4, vm1, $0xb8;
	[tilespmem:$0x18400] =	vst v63  }
0x116: {  	_ = 	snop  }
0x117: {  	[tilespmem:s25], [sflag:$0x2] =	stream.indirect_vreg.gather [hbm4b:s3+s2], $0x80, v3, vm0, $0xb8;
	[tilespmem:$0x18400] =	vst v63  }
0x118: {  	_ = 	snop  }
0x119: {  	[tilespmem:s13], [sflag:$0x2] =	stream.indirect_vreg.gather [hbm4b:s5+s2], $0x80, v3, vm1, $0xb8;
	[tilespmem:$0x18400] =	vst v63  }
0x11a: {  	v3 =	vld [tilespmem:s30+$0x30];
	_ =	sdelay $0x4  }
0x11b: {  	v63 =	vshrl.u32 v3, $0x3  }
0x11c: {  	v4 =	vmul.u32 $0x18, v63  }
0x11d: {  	v3 =	vand.u32 $0x7, v3  }
0x11e: {  	v3 =	vor.u32 v3, v4  }
0x11f: {  	v4 =	vperm.xlane v3, v0;
	_ =	sdelay $0x1  }
0x120: {  	v4 =	vadd.s32 v1, v4;
	_ =	sdelay $0x1  }
0x121: {  	v3 =	vperm.xlane v3, v2;
	_ =	sdelay $0x1  }
0x122: {  	v3 =	vadd.s32 v1, v3  }
0x123: {  	[tilespmem:s26], [sflag:$0x2] =	stream.indirect_vreg.gather [hbm4b:s3+s2], $0x80, v4, vm0, $0xb8;
	[tilespmem:$0x18400] =	vst v63  }
0x124: {  	_ = 	snop  }
0x125: {  	[tilespmem:s14], [sflag:$0x2] =	stream.indirect_vreg.gather [hbm4b:s5+s2], $0x80, v4, vm1, $0xb8;
	[tilespmem:$0x18400] =	vst v63  }
0x126: {  	_ = 	snop  }
0x127: {  	[tilespmem:s28], [sflag:$0x2] =	stream.indirect_vreg.gather [hbm4b:s3+s2], $0x80, v3, vm0, $0xb8;
	[tilespmem:$0x18400] =	vst v63  }
0x128: {  	_ = 	snop  }
0x129: {  	[tilespmem:s15], [sflag:$0x2] =	stream.indirect_vreg.gather [hbm4b:s5+s2], $0x80, v3, vm1, $0xb8;
	[tilespmem:$0x18400] =	vst v63  }
0x12a: {  	_ =	swait.ge [sflag:s29], $0xC000  }
0x12b: {  	p0 =	seq.s32 s31, $0x9000;
	[sflag:s29] =	ssyncset.done $0x0  }
.Ltmp2:
0x12c: {  	s1 =	sadd.s32 s31, s8;
	[sflag:s29] =	ssyncadd.s32 $0xFFFF4000;
	(pc) =	sbr.rel @p0 .LBB2_4-.Ltmp2, $4  }
0x12d: {  	[hbm4b:s1+s2] =	stream.linear.scatter [tilespmem:s18], [sflag:$0x4], $0xC000, $0x38;
	[tilespmem:$0x18400] =	vst v63  }
0x12e: {  	_ =	swait.ge [sflag:s16], $0xC000  }
0x12f: {  	[sflag:s16] =	ssyncset.done $0x0  }
0x130: {  	[sflag:s16] =	ssyncadd.s32 $0xFFFF4000  }
0x131: {  	v3 =	vld [tilespmem:s30+$0x40];
	_ =	sdelay $0x4  }
0x132: {  	v4 =	vshrl.u32 v3, $0x3  }
0x133: {  	v4 =	vmul.u32 $0x18, v4  }
0x134: {  	v3 =	vand.u32 $0x7, v3  }
0x135: {  	v3 =	vor.u32 v3, v4  }
0x136: {  	v4 =	vperm.xlane v3, v0;
	_ =	sdelay $0x1  }
0x137: {  	v4 =	vadd.s32 v1, v4;
	_ =	sdelay $0x1  }
0x138: {  	v3 =	vperm.xlane v3, v2;
	_ =	sdelay $0x1  }
0x139: {  	v3 =	vadd.s32 v1, v3  }
0x13a: {  	[tilespmem:s10], [sflag:$0x1] =	stream.indirect_vreg.gather [hbm4b:s3+s2], $0x80, v4, vm0, $0xb8;
	[tilespmem:$0x18400] =	vst v63  }
0x13b: {  	s1 =	simm.s32 $0xC00  }
0x13c: {  	[tilespmem:s1], [sflag:$0x1] =	stream.indirect_vreg.gather [hbm4b:s5+s2], $0x80, v4, vm1, $0xb8;
	[tilespmem:$0x18400] =	vst v63  }
0x13d: {  	s1 =	simm.s32 $0x1000  }
0x13e: {  	[tilespmem:s1], [sflag:$0x1] =	stream.indirect_vreg.gather [hbm4b:s3+s2], $0x80, v3, vm0, $0xb8;
	[tilespmem:$0x18400] =	vst v63  }
0x13f: {  	s1 =	simm.s32 $0x1800  }
0x140: {  	[tilespmem:s1], [sflag:$0x1] =	stream.indirect_vreg.gather [hbm4b:s5+s2], $0x80, v3, vm1, $0xb8;
	[tilespmem:$0x18400] =	vst v63  }
0x141: {  	v3 =	vld [tilespmem:s30+$0x50];
	_ =	sdelay $0x4  }
0x142: {  	v57 =	vshrl.u32 v3, $0x3  }
0x143: {  	v4 =	vmul.u32 $0x18, v57  }
0x144: {  	v3 =	vand.u32 $0x7, v3  }
0x145: {  	v3 =	vor.u32 v3, v4  }
0x146: {  	v4 =	vperm.xlane v3, v0;
	_ =	sdelay $0x1  }
0x147: {  	v4 =	vadd.s32 v1, v4;
	_ =	sdelay $0x1  }
0x148: {  	v3 =	vperm.xlane v3, v2;
	_ =	sdelay $0x1  }
0x149: {  	s1 =	simm.s32 $0x1C00;
	v3 =	vadd.s32 v1, v3  }
0x14a: {  	[tilespmem:s1], [sflag:$0x1] =	stream.indirect_vreg.gather [hbm4b:s3+s2], $0x80, v4, vm0, $0xb8;
	[tilespmem:$0x18400] =	vst v63  }
0x14b: {  	s1 =	simm.s32 $0x2400  }
0x14c: {  	[tilespmem:s1], [sflag:$0x1] =	stream.indirect_vreg.gather [hbm4b:s5+s2], $0x80, v4, vm1, $0xb8;
	[tilespmem:$0x18400] =	vst v63  }
0x14d: {  	s1 =	simm.s32 $0x2800  }
0x14e: {  	[tilespmem:s1], [sflag:$0x1] =	stream.indirect_vreg.gather [hbm4b:s3+s2], $0x80, v3, vm0, $0xb8;
	[tilespmem:$0x18400] =	vst v63  }
0x14f: {  	s1 =	simm.s32 $0x3000  }
0x150: {  	[tilespmem:s1], [sflag:$0x1] =	stream.indirect_vreg.gather [hbm4b:s5+s2], $0x80, v3, vm1, $0xb8;
	[tilespmem:$0x18400] =	vst v63  }
0x151: {  	v3 =	vld [tilespmem:s30+$0x60];
	_ =	sdelay $0x4  }
0x152: {  	v58 =	vshrl.u32 v3, $0x3  }
0x153: {  	v4 =	vmul.u32 $0x18, v58  }
0x154: {  	v3 =	vand.u32 $0x7, v3  }
0x155: {  	v3 =	vor.u32 v3, v4  }
0x156: {  	v4 =	vperm.xlane v3, v0;
	_ =	sdelay $0x1  }
0x157: {  	v4 =	vadd.s32 v1, v4;
	_ =	sdelay $0x1  }
0x158: {  	v3 =	vperm.xlane v3, v2;
	_ =	sdelay $0x1  }
0x159: {  	s1 =	simm.s32 $0x3400;
	v3 =	vadd.s32 v1, v3  }
0x15a: {  	[tilespmem:s1], [sflag:$0x1] =	stream.indirect_vreg.gather [hbm4b:s3+s2], $0x80, v4, vm0, $0xb8;
	[tilespmem:$0x18400] =	vst v63  }
0x15b: {  	s1 =	simm.s32 $0x3C00  }
0x15c: {  	[tilespmem:s1], [sflag:$0x1] =	stream.indirect_vreg.gather [hbm4b:s5+s2], $0x80, v4, vm1, $0xb8;
	[tilespmem:$0x18400] =	vst v63  }
0x15d: {  	s1 =	simm.s32 $0x4000  }
0x15e: {  	[tilespmem:s1], [sflag:$0x1] =	stream.indirect_vreg.gather [hbm4b:s3+s2], $0x80, v3, vm0, $0xb8;
	[tilespmem:$0x18400] =	vst v63  }
0x15f: {  	s1 =	simm.s32 $0x4800  }
0x160: {  	[tilespmem:s1], [sflag:$0x1] =	stream.indirect_vreg.gather [hbm4b:s5+s2], $0x80, v3, vm1, $0xb8;
	[tilespmem:$0x18400] =	vst v63  }
0x161: {  	v3 =	vld [tilespmem:s30+$0x70];
	_ =	sdelay $0x4  }
0x162: {  	v59 =	vshrl.u32 v3, $0x3  }
0x163: {  	v4 =	vmul.u32 $0x18, v59  }
0x164: {  	v3 =	vand.u32 $0x7, v3  }
0x165: {  	v3 =	vor.u32 v3, v4  }
0x166: {  	v4 =	vperm.xlane v3, v0;
	_ =	sdelay $0x1  }
0x167: {  	v4 =	vadd.s32 v1, v4;
	_ =	sdelay $0x1  }
0x168: {  	v3 =	vperm.xlane v3, v2;
	_ =	sdelay $0x1  }
0x169: {  	s1 =	simm.s32 $0x4C00;
	v3 =	vadd.s32 v1, v3  }
0x16a: {  	[tilespmem:s1], [sflag:$0x1] =	stream.indirect_vreg.gather [hbm4b:s3+s2], $0x80, v4, vm0, $0xb8;
	[tilespmem:$0x18400] =	vst v63  }
0x16b: {  	s1 =	simm.s32 $0x5400  }
0x16c: {  	[tilespmem:s1], [sflag:$0x1] =	stream.indirect_vreg.gather [hbm4b:s5+s2], $0x80, v4, vm1, $0xb8;
	[tilespmem:$0x18400] =	vst v63  }
0x16d: {  	s1 =	simm.s32 $0x5800  }
0x16e: {  	[tilespmem:s1], [sflag:$0x1] =	stream.indirect_vreg.gather [hbm4b:s3+s2], $0x80, v3, vm0, $0xb8;
	[tilespmem:$0x18400] =	vst v63  }
0x16f: {  	s1 =	simm.s32 $0x6000  }
0x170: {  	[tilespmem:s1], [sflag:$0x1] =	stream.indirect_vreg.gather [hbm4b:s5+s2], $0x80, v3, vm1, $0xb8;
	[tilespmem:$0x18400] =	vst v63  }
0x171: {  	v3 =	vld [tilespmem:s30+$0x80];
	_ =	sdelay $0x4  }
0x172: {  	v60 =	vshrl.u32 v3, $0x3  }
0x173: {  	v4 =	vmul.u32 $0x18, v60  }
0x174: {  	v3 =	vand.u32 $0x7, v3  }
0x175: {  	v3 =	vor.u32 v3, v4  }
0x176: {  	v4 =	vperm.xlane v3, v0;
	_ =	sdelay $0x1  }
0x177: {  	v4 =	vadd.s32 v1, v4;
	_ =	sdelay $0x1  }
0x178: {  	v3 =	vperm.xlane v3, v2;
	_ =	sdelay $0x1  }
0x179: {  	s1 =	simm.s32 $0x6400;
	v3 =	vadd.s32 v1, v3  }
0x17a: {  	[tilespmem:s1], [sflag:$0x1] =	stream.indirect_vreg.gather [hbm4b:s3+s2], $0x80, v4, vm0, $0xb8;
	[tilespmem:$0x18400] =	vst v63  }
0x17b: {  	s1 =	simm.s32 $0x6C00  }
0x17c: {  	[tilespmem:s1], [sflag:$0x1] =	stream.indirect_vreg.gather [hbm4b:s5+s2], $0x80, v4, vm1, $0xb8;
	[tilespmem:$0x18400] =	vst v63  }
0x17d: {  	s1 =	simm.s32 $0x7000  }
0x17e: {  	[tilespmem:s1], [sflag:$0x1] =	stream.indirect_vreg.gather [hbm4b:s3+s2], $0x80, v3, vm0, $0xb8;
	[tilespmem:$0x18400] =	vst v63  }
0x17f: {  	s1 =	simm.s32 $0x7800  }
0x180: {  	[tilespmem:s1], [sflag:$0x1] =	stream.indirect_vreg.gather [hbm4b:s5+s2], $0x80, v3, vm1, $0xb8;
	[tilespmem:$0x18400] =	vst v63  }
0x181: {  	v3 =	vld [tilespmem:s30+$0x90];
	_ =	sdelay $0x4  }
0x182: {  	v61 =	vshrl.u32 v3, $0x3  }
0x183: {  	v4 =	vmul.u32 $0x18, v61  }
0x184: {  	v3 =	vand.u32 $0x7, v3  }
0x185: {  	v3 =	vor.u32 v3, v4  }
0x186: {  	v4 =	vperm.xlane v3, v0;
	_ =	sdelay $0x1  }
0x187: {  	v4 =	vadd.s32 v1, v4;
	_ =	sdelay $0x1  }
0x188: {  	v3 =	vperm.xlane v3, v2;
	_ =	sdelay $0x1  }
0x189: {  	s1 =	simm.s32 $0x7C00;
	v3 =	vadd.s32 v1, v3  }
0x18a: {  	[tilespmem:s1], [sflag:$0x1] =	stream.indirect_vreg.gather [hbm4b:s3+s2], $0x80, v4, vm0, $0xb8;
	[tilespmem:$0x18400] =	vst v63  }
0x18b: {  	s1 =	simm.s32 $0x8400  }
0x18c: {  	[tilespmem:s1], [sflag:$0x1] =	stream.indirect_vreg.gather [hbm4b:s5+s2], $0x80, v4, vm1, $0xb8;
	[tilespmem:$0x18400] =	vst v63  }
0x18d: {  	s1 =	simm.s32 $0x8800  }
0x18e: {  	[tilespmem:s1], [sflag:$0x1] =	stream.indirect_vreg.gather [hbm4b:s3+s2], $0x80, v3, vm0, $0xb8;
	[tilespmem:$0x18400] =	vst v63  }
0x18f: {  	s1 =	simm.s32 $0x9000  }
0x190: {  	[tilespmem:s1], [sflag:$0x1] =	stream.indirect_vreg.gather [hbm4b:s5+s2], $0x80, v3, vm1, $0xb8;
	[tilespmem:$0x18400] =	vst v63  }
0x191: {  	v3 =	vld [tilespmem:s30+$0xA0];
	_ =	sdelay $0x4  }
0x192: {  	v62 =	vshrl.u32 v3, $0x3  }
0x193: {  	v4 =	vmul.u32 $0x18, v62  }
0x194: {  	v3 =	vand.u32 $0x7, v3  }
0x195: {  	v3 =	vor.u32 v3, v4  }
0x196: {  	v4 =	vperm.xlane v3, v0;
	_ =	sdelay $0x1  }
0x197: {  	v4 =	vadd.s32 v1, v4;
	_ =	sdelay $0x1  }
0x198: {  	v3 =	vperm.xlane v3, v2;
	_ =	sdelay $0x1  }
0x199: {  	s1 =	simm.s32 $0x9400;
	v3 =	vadd.s32 v1, v3  }
0x19a: {  	[tilespmem:s1], [sflag:$0x1] =	stream.indirect_vreg.gather [hbm4b:s3+s2], $0x80, v4, vm0, $0xb8;
	[tilespmem:$0x18400] =	vst v63  }
0x19b: {  	s1 =	simm.s32 $0x9C00  }
0x19c: {  	[tilespmem:s1], [sflag:$0x1] =	stream.indirect_vreg.gather [hbm4b:s5+s2], $0x80, v4, vm1, $0xb8;
	[tilespmem:$0x18400] =	vst v63  }
0x19d: {  	s1 =	simm.s32 $0xA000  }
0x19e: {  	[tilespmem:s1], [sflag:$0x1] =	stream.indirect_vreg.gather [hbm4b:s3+s2], $0x80, v3, vm0, $0xb8;
	[tilespmem:$0x18400] =	vst v63  }
0x19f: {  	s1 =	simm.s32 $0xA800  }
0x1a0: {  	[tilespmem:s1], [sflag:$0x1] =	stream.indirect_vreg.gather [hbm4b:s5+s2], $0x80, v3, vm1, $0xb8;
	[tilespmem:$0x18400] =	vst v63  }
0x1a1: {  	v3 =	vld [tilespmem:s30+$0xB0];
	_ =	sdelay $0x4  }
0x1a2: {  	v63 =	vshrl.u32 v3, $0x3  }
0x1a3: {  	v4 =	vmul.u32 $0x18, v63  }
0x1a4: {  	v3 =	vand.u32 $0x7, v3  }
0x1a5: {  	v3 =	vor.u32 v3, v4  }
0x1a6: {  	v4 =	vperm.xlane v3, v0;
	_ =	sdelay $0x1  }
0x1a7: {  	v4 =	vadd.s32 v1, v4;
	_ =	sdelay $0x2  }
0x1a8: {  	v3 =	vperm.xlane v3, v2  }
0x1a9: {  	s31 =	sadd.s32 $0x3000, s31;
	s1 =	simm.s32 $0xAC00  }
0x1aa: {  	v3 =	vadd.s32 v1, v3;
	[tilespmem:s1], [sflag:$0x1] =	stream.indirect_vreg.gather [hbm4b:s3+s2], $0x80, v4, vm0, $0xb8;
	[tilespmem:$0x18400] =	vst v63  }
0x1ab: {  	p0 =	sne.s32 s31, $0xC000;
	s1 =	simm.s32 $0xB400  }
0x1ac: {  	[tilespmem:s1], [sflag:$0x1] =	stream.indirect_vreg.gather [hbm4b:s5+s2], $0x80, v4, vm1, $0xb8;
	[tilespmem:$0x18400] =	vst v63  }
.Ltmp3:
0x1ad: {  	_ = 	snop;
	(pc) =	sbr.rel @p0 .LBB2_2-.Ltmp3, $4  }
.Ltmp4:
0x1ae: {  	s1 =	simm.s32 $0xB800;
	(pc) =	sbr.rel @!p0 .LBB2_4-.Ltmp4, $4  }
0x1af: {  	[tilespmem:s1], [sflag:$0x1] =	stream.indirect_vreg.gather [hbm4b:s3+s2], $0x80, v3, vm0, $0xb8;
	[tilespmem:$0x18400] =	vst v63  }
0x1b0: {  	s30 =	sadd.s32 $0x100, s30;
	s1 =	simm.s32 $0xC000  }
0x1b1: {  	[tilespmem:s1], [sflag:$0x1] =	stream.indirect_vreg.gather [hbm4b:s5+s2], $0x80, v3, vm1, $0xb8;
	[tilespmem:$0x18400] =	vst v63  }
0x1b2: {  	_ = 	snop  }
.LBB2_5:
0x1b3: {  	_ =	sfence.sel $0x180000  }
0x1b4: {  	[bflag:$0x0] =	sbarrier.arrive $0xFFFF  }
0x1b5: {  	_ =	strace $0x9000004A  }
0x1b6: {  	s0 =	stileid.u32;
	[bflag:$0x2] =	sbarrier.arrive $0xFFFF  }
0x1b7: {  	p0 =	sne.s32 s0, $0x0;
	s0 =	rddreg [dreg:$0x1]  }
0x1b8: {  	s0 =	sadd.s32 @!p0 $0x100000, s0  }
0x1b9: {  	[sflag:s0] =	ssyncadd.tile.s32 @!p0 $0x1;
	_ =	shalt  }
.Lfunc_end2:
_tile_overlayer_lowered:
.L_overlay_start_2:
0x1ba: {  	(tag) =	ssettag $0x2  }
0x1bb: {  	s0 =	rddreg [dreg:$0x0];
	s2 =	stileid.u32  }
0x1bc: {  	s1 =	rddreg [dreg:$0x1];
	p0 =	sne.s32 s2, $0x0  }
0x1bd: {  	s3 =	rddreg [dreg:$0x2];
	[bflag:$0x3] =	sbarrier.arrive $0xFFFF;
	s2 =	simm.s32 @!p0 $0x1C05  }
0x1be: {  	[timem:s3], [sflag:s2] =	dma.local @!p0 [hbm:s0], s1  }
0x1bf: {  	s0 =	simm.s32 @!p0 $0x5  }
0x1c0: {  	_ =	swait.ge @!p0 [sflag:s0], s1  }
0x1c1: {  	s1 =	ssub.s32 @!p0 $0x0, s1;
	[sflag:s0] =	ssyncset.done @!p0 $0x0  }
0x1c2: {  	[sflag:s0] =	ssyncadd.s32 @!p0 s1  }
0x1c3: {  	[bflag:$0x3] =	sbarrier.arrive $0xFFFF  }
0x1c4: {  	_ =	shalt  }

// kernel: kernel.16.cloned.1.call-start
scs
__scs_entry_jumppad:
0x0: {  	(pc) =	sbr.rel $0x88, $3  }
0x1: {  	(tag) =	ssettag $0x0;
	lr =	simm.s32 $0x1  }
0x2: {  	[smem:$0x3F9D] =	sst lr;
	_ =	strace $0xD0000000  }
0x3: {  	_ = 	snop  }
0x4: {  	_ = 	snop  }
0x5: {  	_ = 	snop  }
0x6: {  	_ = 	snop  }
0x7: {  	_ = 	snop  }
__scs_overlays_trampoline_lowered:
0x8: {  	[smem:$0x3FAC] =	sst s0  }
0x9: {  	[smem:$0x3FAD] =	sst s1  }
0xa: {  	[smem:$0x3FAE] =	sst s2  }
0xb: {  	[smem:$0x3FAF] =	sst s3  }
0xc: {  	[smem:$0x3FB0] =	sst s4  }
0xd: {  	[smem:$0x3FB1] =	sst s5  }
0xe: {  	[smem:$0x3FB2] =	sst s6  }
0xf: {  	[smem:$0x3FB3] =	sst s7  }
0x10: {  	[smem:$0x3FB4] =	sst s8  }
0x11: {  	[smem:$0x3FB5] =	sst s9;
	s0 =	simm.s32 @!p0 $0x0  }
0x12: {  	s1 =	sld [smem:$0x3F9B];
	s0 =	simm.s32 @p0 $0x1  }
0x13: {  	[smem:$0x3FB6] =	sst s0;
	s0 =	simm.s32 @!p1 $0x0  }
0x14: {  	s2 =	sld [smem:$0x3F9A];
	s0 =	simm.s32 @p1 $0x1  }
0x15: {  	[smem:$0x3FB7] =	sst s0;
	s0 =	simm.s32 @!p2 $0x0  }
0x16: {  	s3 =	sld [smem:$0x3FDB];
	s0 =	simm.s32 @p2 $0x1  }
0x17: {  	s4 =	simm.s32 $0x1BF5;
	[smem:$0x3FB9] =	sst s0  }
0x18: {  	s0 =	sld [smem:$0x3F9C];
	_ =	swait.ge [sflag:s4], $0x0  }
0x19: {  	s7 =	sld [smem:$0x3F9D]  }
0x1a: {  	s8 =	sadd.s32 $0xFFFFE003, lr  }
0x1b: {  	s9 =	sadd.s32 $0xFFFFFEF7, lr;
	s5 =	simm.s32 $0xFFFFFFFF;
	p2 =	slt.u32 s8, $0xFFFFF086  }
0x1c: {  	p1 =	slt.u32 s9, $0xF7A;
	s5 =	simm.s32 @!p2 $0x0  }
0x1d: {  	s5 =	simm.s32 @p1 $0x1;
	p0 =	seq.s32 s7, s2  }
0x1e: {  	s7 =	smul.u32 @!p0 $0xF7A, s2;
	p2 =	seq.s32 @!p0 s5, $0x0  }
0x1f: {  	s9 =	smul.u32 $0xF7A, s1;
	s8 =	simm.s32 @!p0 $0x1BF5;
	p2 =	por !p2, p0  }
0x20: {  	[sflag:s8] =	ssyncset.s32 @!p0 $0xFFFFF086;
	s6 =	sadd.s32 @!p0 s3, s7;
	s7 =	simm.s32 @!p0 $0x108  }
0x21: {  	s3 =	sadd.s32 s3, s9;
	s6 =	sadd.s32 @!p0 $0x88, s6;
	s7 =	simm.s32 @p2 $0x1082  }
0x22: {  	[simem:s7], [sflag:s8] =	dma.local @!p0 [hbm:s6], $0xF7A  }
0x23: {  	s9 =	sor.u32 $0xD0000000, s2;
	s6 =	simm.s32 $0x108;
	_ =	swait.ge @!p0 [sflag:s8], $0x0  }
0x24: {  	s3 =	sadd.s32 $0x88, s3;
	s6 =	simm.s32 @!p1 $0x1082;
	[sflag:s4] =	ssyncset.s32 $0xFFFFF086  }
0x25: {  	[simem:s6], [sflag:s4] =	dma.local [hbm:s3], $0xF7A  }
0x26: {  	[smem:$0x3F9D] =	sst s1;
	(tag) =	ssettag s2;
	_ =	strace s9  }
0x27: {  	s1 =	sld [smem:$0x3FAD]  }
0x28: {  	s2 =	sld [smem:$0x3FAE]  }
0x29: {  	s4 =	sld [smem:$0x3FB0]  }
0x2a: {  	p0 =	seq.s32 s5, $0x0;
	s5 =	sld [smem:$0x3FB1]  }
0x2b: {  	s6 =	sld [smem:$0x3FB2]  }
0x2c: {  	s7 =	sld [smem:$0x3FB3]  }
0x2d: {  	s3 =	simm.s32 $0x108;
	s8 =	sld [smem:$0x3FB4]  }
0x2e: {  	s3 =	simm.s32 @!p0 $0x1082;
	s9 =	sld [smem:$0x3FB5]  }
0x2f: {  	lr =	sadd.s32 s0, s3;
	s0 =	sld [smem:$0x3FAC]  }
0x30: {  	s3 =	sld [smem:$0x3FAF]  }
0x31: {  	[smem:$0x3FB8] =	sst s10  }
0x32: {  	s10 =	sld [smem:$0x3FB6];
	_ =	sdelay $0x3  }
0x33: {  	p0 =	seq.s32 s10, $0x1;
	s10 =	sld [smem:$0x3FB8];
	_ =	sdelay $0x3  }
0x34: {  	[smem:$0x3FB8] =	sst s10  }
0x35: {  	s10 =	sld [smem:$0x3FB7];
	_ =	sdelay $0x3  }
0x36: {  	p1 =	seq.s32 s10, $0x1;
	s10 =	sld [smem:$0x3FB8];
	_ =	sdelay $0x3  }
0x37: {  	[smem:$0x3FB8] =	sst s10  }
0x38: {  	s10 =	sld [smem:$0x3FB9]  }
0x39: {  	_ = 	snop;
	(pc) =	sbr.ind lr, $3  }
0x3a: {  	_ = 	snop  }
0x3b: {  	_ = 	snop  }
0x3c: {  	p2 =	seq.s32 s10, $0x1;
	s10 =	sld [smem:$0x3FB8]  }
0x3d: {  	_ =	shalt  }
0x3e: {  	_ =	shalt  }
0x3f: {  	_ =	shalt  }
0x40: {  	_ =	shalt  }
0x41: {  	_ =	shalt  }
0x42: {  	_ =	shalt  }
0x43: {  	_ =	shalt  }
0x44: {  	_ =	shalt  }
0x45: {  	_ =	shalt  }
0x46: {  	_ =	shalt  }
0x47: {  	_ =	shalt  }
0x48: {  	_ =	shalt  }
0x49: {  	_ =	shalt  }
0x4a: {  	_ =	shalt  }
0x4b: {  	_ =	shalt  }
0x4c: {  	_ =	shalt  }
0x4d: {  	_ =	shalt  }
0x4e: {  	_ =	shalt  }
0x4f: {  	_ =	shalt  }
0x50: {  	_ =	shalt  }
0x51: {  	_ =	shalt  }
0x52: {  	_ =	shalt  }
0x53: {  	_ =	shalt  }
0x54: {  	_ =	shalt  }
0x55: {  	_ =	shalt  }
0x56: {  	_ =	shalt  }
0x57: {  	_ =	shalt  }
0x58: {  	_ =	shalt  }
0x59: {  	_ =	shalt  }
0x5a: {  	_ =	shalt  }
0x5b: {  	_ =	shalt  }
0x5c: {  	_ =	shalt  }
0x5d: {  	_ =	shalt  }
0x5e: {  	_ =	shalt  }
0x5f: {  	_ =	shalt  }
0x60: {  	_ =	shalt  }
0x61: {  	_ =	shalt  }
0x62: {  	_ =	shalt  }
0x63: {  	_ =	shalt  }
0x64: {  	_ =	shalt  }
0x65: {  	_ =	shalt  }
0x66: {  	_ =	shalt  }
0x67: {  	_ =	shalt  }
0x68: {  	_ =	shalt  }
0x69: {  	_ =	shalt  }
0x6a: {  	_ =	shalt  }
0x6b: {  	_ =	shalt  }
0x6c: {  	_ =	shalt  }
0x6d: {  	_ =	shalt  }
0x6e: {  	_ =	shalt  }
0x6f: {  	_ =	shalt  }
0x70: {  	_ =	shalt  }
0x71: {  	_ =	shalt  }
0x72: {  	_ =	shalt  }
0x73: {  	_ =	shalt  }
0x74: {  	_ =	shalt  }
0x75: {  	_ =	shalt  }
0x76: {  	_ =	shalt  }
0x77: {  	_ =	shalt  }
0x78: {  	_ =	shalt  }
0x79: {  	_ =	shalt  }
0x7a: {  	_ =	shalt  }
0x7b: {  	_ =	shalt  }
0x7c: {  	_ =	shalt  }
0x7d: {  	_ =	shalt  }
0x7e: {  	_ =	shalt  }
0x7f: {  	_ =	shalt  }
0x80: {  	_ =	shalt  }
0x81: {  	_ =	shalt  }
0x82: {  	_ =	shalt  }
0x83: {  	_ =	shalt  }
0x84: {  	_ =	shalt  }
0x85: {  	_ =	shalt  }
0x86: {  	_ =	shalt  }
0x87: {  	_ =	shalt  }
.Lfunc_end0:
.L_simem_size_0:
called_computation.2_lowered:
.L_overlay_start_0:
0x88: {  	s2 =	sld [smem:$0x3FD9]  }
0x89: {  	s3 =	sld [smem:$0x3FFE];
	_ =	sdelay $0x1  }
0x8a: {  	s1 =	srdreg.scid  }
0x8b: {  	s0 =	sand.u32 $0x1, s1  }
0x8c: {  	s17 =	sshll.u32 s0, $0xA;
	s2 =	sadd.s32 s3, s2  }
0x8d: {  	s2 =	sadd.s32 s2, s17  }
0x8e: {  	[smem:$0x3FC4] =	sst s2  }
0x8f: {  	_ = 	snop  }
0x90: {  	(tm) =	ssettm $0x1  }
0x91: {  	s18 =	sld [smem:$0x3FFB];
	_ =	sdelay $0x3  }
0x92: {  	_ =	strace s18  }
0x93: {  	s2 =	sld [smem:$0x3FFC];
	_ =	sdelay $0x3  }
0x94: {  	_ =	strace s2  }
0x95: {  	s2 =	sld [smem:$0x3FFD];
	_ =	sdelay $0x3  }
0x96: {  	_ =	strace s2  }
0x97: {  	_ =	strace $0x8FFFFFFF  }
0x98: {  	s19 =	sld [smem:$0x3FDB];
	_ =	sdelay $0x1  }
0x99: {  	s20 =	simm.s32 $_scs_section_size  }
0x9a: {  	s4 =	simm.s32 $_size__tile_overlayer_lowered;
	s5 =	simm.s32 $_tile_overlayer_lowered  }
0x9b: {  	s6 =	simm.s32 $0x1BFF;
	s21 =	sshll.u32 s5, $0x1;
	s3 =	sadd.s32 s20, s19  }
0x9c: {  	s22 =	simm.s32 $0x0;
	s4 =	sshll.u32 s4, $0x1;
	s5 =	sadd.s32 s21, s3  }
0x9d: {  	[timem:s22], [sflag:s6] =	dma.local [hbm:s5], s4  }
0x9e: {  	_ =	swait.ge [sflag:s6], s4  }
0x9f: {  	s4 =	ssub.s32 $0x0, s4;
	[sflag:s6] =	ssyncset.done $0x0  }
0xa0: {  	[sflag:s6] =	ssyncadd.s32 s4;
	_ =	sdelay $0x1  }
0xa1: {  	s23 =	simm.s32 $0x1B8B  }
0xa2: {  	_ =	swait.ge [sflag:s23], $0x1  }
0xa3: {  	[sflag:s23] =	ssyncset.done $0x0  }
0xa4: {  	[sflag:s23] =	ssyncadd.s32 $0xFFFFFFFF  }
0xa5: {  	s4 =	sld [smem:$0x0]  }
0xa6: {  	s5 =	sand.u32 $0xFFFFFFFE, s1  }
0xa7: {  	p0 =	sne.s32 s1, s5  }
0xa8: {  	s5 =	sshll.u32 @p0 s5, $0xE  }
0xa9: {  	s5 =	sadd.s32 @p0 $0x11B8D, s5;
	s6 =	sshll.u32 @p0 s4, $0x11  }
0xaa: {  	s5 =	sor.u32 @p0 s6, s5  }
0xab: {  	[sflag:s5] =	ssyncadd.remote.s32 @p0 $0x1;
	_ =	sdelay $0x1  }
0xac: {  	s5 =	simm.s32 @p0 $0x1B8D  }
0xad: {  	_ =	swait.eq @p0 [sflag:s5], $0x1  }
0xae: {  	[sflag:s5] =	ssyncadd.s32 @p0 $0xFFFFFFFF  }
0xaf: {  	s6 =	sshll.u32 @!p0 s1, $0xE  }
0xb0: {  	s6 =	sor.u32 @!p0 $0x4000, s6;
	s5 =	simm.s32 @!p0 $0x1B8D  }
0xb1: {  	s4 =	sshll.u32 @!p0 s4, $0x11;
	s6 =	sadd.s32 @!p0 $0x11B8D, s6;
	_ =	swait.eq @!p0 [sflag:s5], $0x1  }
0xb2: {  	s4 =	sor.u32 @!p0 s4, s6;
	[sflag:s5] =	ssyncadd.s32 @!p0 $0xFFFFFFFF  }
0xb3: {  	s25 =	simm.s32 $0x1B8E;
	s24 =	sld [smem:$0x3FFE];
	[sflag:s4] =	ssyncadd.remote.s32 @!p0 $0x1  }
0xb4: {  	s26 =	simm.s32 $execute0_lowered;
	[smem:$0x3FD2] =	sst s25  }
0xb5: {  	s5 =	sshll.u32 s26, $0x1;
	_ =	strace $0x8000004C;
	[dreg:$0x1] =	wrdreg $0xFFFFFFFF  }
0xb6: {  	s28 =	simm.s32 $_size_execute0_lowered;
	s3 =	sadd.s32 s3, s5;
	[dreg:$0x0] =	wrdreg $0x0  }
0xb7: {  	s5 =	sshll.u32 s28, $0x1;
	[dreg:$0x2] =	wrdreg s3  }
0xb8: {  	[dreg:$0x3] =	wrdreg s5  }
0xb9: {  	[dreg:$0x4] =	wrdreg $0xC0  }
0xba: {  	_ =	task [dreg:s22], $0x5FFFF  }
0xbb: {  	[dreg:$0x1] =	wrdreg $0xFFFFFFFF  }
0xbc: {  	[dreg:$0x0] =	wrdreg $0x60  }
0xbd: {  	[dreg:$0x2] =	wrdreg s24  }
0xbe: {  	[dreg:$0x3] =	wrdreg $0xB  }
0xbf: {  	_ =	task.clear_ibuf [dreg:s22], $0x4FFFF;
	_ =	strace $0x9000004C  }
0xc0: {  	s29 =	simm.s32 $0xB;
	_ =	strace $0x8000004E  }
0xc1: {  	_ =	swait.ge [sflag:s29], $0x1  }
0xc2: {  	[sflag:s29] =	ssyncadd.s32 $0xFFFFFFFF  }
0xc3: {  	_ =	strace $0x9000004E  }
0xc4: {  	_ =	sfence  }
0xc5: {  	s30 =	sld [smem:$0x0];
	_ =	sdelay $0x2  }
0xc6: {  	s31 =	sshll.u32 s1, $0xD;
	s1 =	sshrl.u32 s1, $0x2  }
0xc7: {  	s4 =	sand.u32 $0x4000, s31;
	s1 =	sadd.s32 s1, s30  }
0xc8: {  	s0 =	sor.u32 s4, s0;
	s1 =	sshll.u32 s1, $0x11  }
0xc9: {  	s0 =	sor.u32 s1, s0  }
0xca: {  	s0 =	sadd.s32 $0x8F2B, s0  }
0xcb: {  	[sflag:s0] =	ssyncadd.remote.s32 $0x1  }
0xcc: {  	_ =	sfence.sel $0xFFFF  }
0xcd: {  	[dreg:$0x0] =	wrdreg $0xFFFFFFFF;
	(pc) =	sbr.abs _section_cstart, $3  }
0xce: {  	[dreg:$0x1] =	wrdreg $0xFFFFFFFF  }
0xcf: {  	_ =	task.clear_ibuf [dreg:s22], $0x2FFFF;
	_ =	strace $0x9FFFFFFF  }
0xd0: {  	(tm) =	ssettm $0x7FFFFFFF  }
0xd1: {  	_ =	shalt  }
tec
execute0_lowered:
.L_overlay_start_1:
0x0: {  	(tag) =	ssettag $0x1  }
0x1: {  	s0 =	srdreg.scid;
	s2 =	stileid.u32  }
0x2: {  	s1 =	rddreg [dreg:$0x0];
	s10 =	simm.s32 $0x400;
	s17 =	simm.s32 $0x1  }
0x3: {  	s18 =	simm.s32 $0xC400;
	s19 =	simm.s32 $0x11800;
	s20 =	simm.s32 $0x12400  }
0x4: {  	s21 =	simm.s32 $0x13000;
	s22 =	simm.s32 $0x13C00;
	s23 =	simm.s32 $0x14800  }
0x5: {  	s11 =	simm.s32 $0x15000;
	s24 =	simm.s32 $0x15400;
	s12 =	simm.s32 $0x15C00  }
0x6: {  	s25 =	simm.s32 $0x16000;
	s13 =	simm.s32 $0x16800;
	s26 =	simm.s32 $0x16C00  }
0x7: {  	s14 =	simm.s32 $0x17400;
	s28 =	simm.s32 $0x17800;
	s15 =	simm.s32 $0x18000  }
0x8: {  	s29 =	simm.s32 $0x2;
	s16 =	simm.s32 $0x3;
	s31 =	simm.s32 $0x0  }
0x9: {  	s0 =	sand.u32 $0x1, s0;
	s3 =	sshll.u32 s2, $0xB;
	s2 =	simm.s32 $0x0  }
0xa: {  	s9 =	sadd.s32 $0x5D6000, s1;
	s4 =	sshll.u32 s0, $0xA;
	[smem:$0x7FF] =	sst s2  }
0xb: {  	s0 =	ssub.s32 $0x2, s0;
	s4 =	sor.u32 s4, s3;
	_ =	strace $0x8000004D  }
0xc: {  	s3 =	sadd.s32 $0x170400, s1;
	s7 =	sshrl.u32 s0, $0x1;
	s5 =	sshrl.u32 s4, $0x3  }
0xd: {  	s4 =	sor.u32 $0x80, s4;
	s0 =	ssub.s32 s0, s7;
	s8 =	smul.u32 $0x180, s5  }
.Ltmp0:
0xe: {  	s6 =	sadd.s32 s5, s1;
	s4 =	sshrl.u32 s4, $0x3;
	(pc) =	sbr.rel .LBB2_1-.Ltmp0, $4  }
0xf: {  	s5 =	sadd.s32 $0x170500, s1;
	s0 =	smax.u32 s0, $0x1;
	s4 =	smul.u32 $0x180, s4  }
0x10: {  	v2 =	vlaneseq.u32;
	s30 =	sadd.s32 $0x1800, s6;
	[dreg:$0x3] =	wrdreg s0;
	s0 =	simm.s32 $0x12000  }
0x11: {  	vm0 =	vmmov $0xffff;
	vm1 =	vmmov $0xff;
	v1 =	vshrl.u32 v2, $0x3;
	s6 =	simm.s32 $0x13800;
	[dreg:$0x2] =	wrdreg s30;
	s7 =	sadd.s32 s8, s9  }
0x12: {  	v0 =	vand.u32 $0x7, v2;
	v2 =	vor.u32 $0x8, v2;
	v1 =	vmul.u32 $0x8, v1;
	s8 =	sadd.s32 s4, s9;
	s4 =	simm.s32 $0x12C00;
	s9 =	simm.s32 $0x14400  }
.LBB2_4:
0x13: {  	s30 =	simm.s32 $0x4  }
0x14: {  	_ =	swait.ge [sflag:s30], $0xC000  }
0x15: {  	s31 =	rddreg [dreg:$0x4]  }
0x16: {  	s1 =	rddreg [dreg:$0x3];
	s31 =	sadd.s32 $0x1, s31  }
0x17: {  	p0 =	sne.s32 s31, s1  }
.Ltmp1:
0x18: {  	_ = 	snop;
	(pc) =	sbr.rel @!p0 .LBB2_5-.Ltmp1, $3  }
0x19: {  	_ =	sdelay $0x1  }
0x1a: {  	[sflag:s30] =	ssyncset.done $0x0  }
0x1b: {  	[sflag:s30] =	ssyncadd.s32 $0xFFFF4000  }
.LBB2_1:
0x1c: {  	s1 =	rddreg [dreg:$0x2]  }
0x1d: {  	[tilespmem:s2], [sflag:$0x5] =	stream.linear.gather [hbm4b:s1+s2], $0x400, $0x38;
	[tilespmem:$0x18400] =	vst v63  }
0x1e: {  	[dreg:$0x4] =	wrdreg s31;
	s1 =	simm.s32 $0x5  }
0x1f: {  	_ =	swait.ge [sflag:s1], $0x400  }
0x20: {  	[sflag:s1] =	ssyncset.done $0x0  }
0x21: {  	[sflag:s1] =	ssyncadd.s32 $0xFFFFFC00  }
0x22: {  	v3 =	vld [tilespmem:$0x0];
	_ =	sdelay $0x4  }
0x23: {  	v4 =	vshrl.u32 v3, $0x3  }
0x24: {  	v4 =	vmul.u32 $0x18, v4  }
0x25: {  	v3 =	vand.u32 $0x7, v3  }
0x26: {  	v3 =	vor.u32 v3, v4  }
0x27: {  	v4 =	vperm.xlane v3, v0;
	_ =	sdelay $0x1  }
0x28: {  	v4 =	vadd.s32 v1, v4;
	_ =	sdelay $0x1  }
0x29: {  	v3 =	vperm.xlane v3, v2;
	_ =	sdelay $0x1  }
0x2a: {  	v3 =	vadd.s32 v1, v3  }
0x2b: {  	[tilespmem:s10], [sflag:$0x1] =	stream.indirect_vreg.gather [hbm4b:s3+s2], $0x80, v4, vm0, $0xb8;
	[tilespmem:$0x18400] =	vst v63  }
0x2c: {  	s1 =	simm.s32 $0xC00  }
0x2d: {  	[tilespmem:s1], [sflag:$0x1] =	stream.indirect_vreg.gather [hbm4b:s5+s2], $0x80, v4, vm1, $0xb8;
	[tilespmem:$0x18400] =	vst v63  }
0x2e: {  	s1 =	simm.s32 $0x1000  }
0x2f: {  	[tilespmem:s1], [sflag:$0x1] =	stream.indirect_vreg.gather [hbm4b:s3+s2], $0x80, v3, vm0, $0xb8;
	[tilespmem:$0x18400] =	vst v63  }
0x30: {  	s1 =	simm.s32 $0x1800  }
0x31: {  	[tilespmem:s1], [sflag:$0x1] =	stream.indirect_vreg.gather [hbm4b:s5+s2], $0x80, v3, vm1, $0xb8;
	[tilespmem:$0x18400] =	vst v63  }
0x32: {  	v3 =	vld [tilespmem:$0x10];
	_ =	sdelay $0x4  }
0x33: {  	v57 =	vshrl.u32 v3, $0x3  }
0x34: {  	v4 =	vmul.u32 $0x18, v57  }
0x35: {  	v3 =	vand.u32 $0x7, v3  }
0x36: {  	v3 =	vor.u32 v3, v4  }
0x37: {  	v4 =	vperm.xlane v3, v0;
	_ =	sdelay $0x1  }
0x38: {  	v4 =	vadd.s32 v1, v4;
	_ =	sdelay $0x1  }
0x39: {  	v3 =	vperm.xlane v3, v2;
	_ =	sdelay $0x1  }
0x3a: {  	s1 =	simm.s32 $0x1C00;
	v3 =	vadd.s32 v1, v3  }
0x3b: {  	[tilespmem:s1], [sflag:$0x1] =	stream.indirect_vreg.gather [hbm4b:s3+s2], $0x80, v4, vm0, $0xb8;
	[tilespmem:$0x18400] =	vst v63  }
0x3c: {  	s1 =	simm.s32 $0x2400  }
0x3d: {  	[tilespmem:s1], [sflag:$0x1] =	stream.indirect_vreg.gather [hbm4b:s5+s2], $0x80, v4, vm1, $0xb8;
	[tilespmem:$0x18400] =	vst v63  }
0x3e: {  	s1 =	simm.s32 $0x2800  }
0x3f: {  	[tilespmem:s1], [sflag:$0x1] =	stream.indirect_vreg.gather [hbm4b:s3+s2], $0x80, v3, vm0, $0xb8;
	[tilespmem:$0x18400] =	vst v63  }
0x40: {  	s1 =	simm.s32 $0x3000  }
0x41: {  	[tilespmem:s1], [sflag:$0x1] =	stream.indirect_vreg.gather [hbm4b:s5+s2], $0x80, v3, vm1, $0xb8;
	[tilespmem:$0x18400] =	vst v63  }
0x42: {  	v3 =	vld [tilespmem:$0x20];
	_ =	sdelay $0x4  }
0x43: {  	v58 =	vshrl.u32 v3, $0x3  }
0x44: {  	v4 =	vmul.u32 $0x18, v58  }
0x45: {  	v3 =	vand.u32 $0x7, v3  }
0x46: {  	v3 =	vor.u32 v3, v4  }
0x47: {  	v4 =	vperm.xlane v3, v0;
	_ =	sdelay $0x1  }
0x48: {  	v4 =	vadd.s32 v1, v4;
	_ =	sdelay $0x1  }
0x49: {  	v3 =	vperm.xlane v3, v2;
	_ =	sdelay $0x1  }
0x4a: {  	s1 =	simm.s32 $0x3400;
	v3 =	vadd.s32 v1, v3  }
0x4b: {  	[tilespmem:s1], [sflag:$0x1] =	stream.indirect_vreg.gather [hbm4b:s3+s2], $0x80, v4, vm0, $0xb8;
	[tilespmem:$0x18400] =	vst v63  }
0x4c: {  	s1 =	simm.s32 $0x3C00  }
0x4d: {  	[tilespmem:s1], [sflag:$0x1] =	stream.indirect_vreg.gather [hbm4b:s5+s2], $0x80, v4, vm1, $0xb8;
	[tilespmem:$0x18400] =	vst v63  }
0x4e: {  	s1 =	simm.s32 $0x4000  }
0x4f: {  	[tilespmem:s1], [sflag:$0x1] =	stream.indirect_vreg.gather [hbm4b:s3+s2], $0x80, v3, vm0, $0xb8;
	[tilespmem:$0x18400] =	vst v63  }
0x50: {  	s1 =	simm.s32 $0x4800  }
0x51: {  	[tilespmem:s1], [sflag:$0x1] =	stream.indirect_vreg.gather [hbm4b:s5+s2], $0x80, v3, vm1, $0xb8;
	[tilespmem:$0x18400] =	vst v63  }
0x52: {  	v3 =	vld [tilespmem:$0x30];
	_ =	sdelay $0x4  }
0x53: {  	v59 =	vshrl.u32 v3, $0x3  }
0x54: {  	v4 =	vmul.u32 $0x18, v59  }
0x55: {  	v3 =	vand.u32 $0x7, v3  }
0x56: {  	v3 =	vor.u32 v3, v4  }
0x57: {  	v4 =	vperm.xlane v3, v0;
	_ =	sdelay $0x1  }
0x58: {  	v4 =	vadd.s32 v1, v4;
	_ =	sdelay $0x1  }
0x59: {  	v3 =	vperm.xlane v3, v2;
	_ =	sdelay $0x1  }
0x5a: {  	s1 =	simm.s32 $0x4C00;
	v3 =	vadd.s32 v1, v3  }
0x5b: {  	[tilespmem:s1], [sflag:$0x1] =	stream.indirect_vreg.gather [hbm4b:s3+s2], $0x80, v4, vm0, $0xb8;
	[tilespmem:$0x18400] =	vst v63  }
0x5c: {  	s1 =	simm.s32 $0x5400  }
0x5d: {  	[tilespmem:s1], [sflag:$0x1] =	stream.indirect_vreg.gather [hbm4b:s5+s2], $0x80, v4, vm1, $0xb8;
	[tilespmem:$0x18400] =	vst v63  }
0x5e: {  	s1 =	simm.s32 $0x5800  }
0x5f: {  	[tilespmem:s1], [sflag:$0x1] =	stream.indirect_vreg.gather [hbm4b:s3+s2], $0x80, v3, vm0, $0xb8;
	[tilespmem:$0x18400] =	vst v63  }
0x60: {  	s1 =	simm.s32 $0x6000  }
0x61: {  	[tilespmem:s1], [sflag:$0x1] =	stream.indirect_vreg.gather [hbm4b:s5+s2], $0x80, v3, vm1, $0xb8;
	[tilespmem:$0x18400] =	vst v63  }
0x62: {  	v3 =	vld [tilespmem:$0x40];
	_ =	sdelay $0x4  }
0x63: {  	v60 =	vshrl.u32 v3, $0x3  }
0x64: {  	v4 =	vmul.u32 $0x18, v60  }
0x65: {  	v3 =	vand.u32 $0x7, v3  }
0x66: {  	v3 =	vor.u32 v3, v4  }
0x67: {  	v4 =	vperm.xlane v3, v0;
	_ =	sdelay $0x1  }
0x68: {  	v4 =	vadd.s32 v1, v4;
	_ =	sdelay $0x1  }
0x69: {  	v3 =	vperm.xlane v3, v2;
	_ =	sdelay $0x1  }
0x6a: {  	s1 =	simm.s32 $0x6400;
	v3 =	vadd.s32 v1, v3  }
0x6b: {  	[tilespmem:s1], [sflag:$0x1] =	stream.indirect_vreg.gather [hbm4b:s3+s2], $0x80, v4, vm0, $0xb8;
	[tilespmem:$0x18400] =	vst v63  }
0x6c: {  	s1 =	simm.s32 $0x6C00  }
0x6d: {  	[tilespmem:s1], [sflag:$0x1] =	stream.indirect_vreg.gather [hbm4b:s5+s2], $0x80, v4, vm1, $0xb8;
	[tilespmem:$0x18400] =	vst v63  }
0x6e: {  	s1 =	simm.s32 $0x7000  }
0x6f: {  	[tilespmem:s1], [sflag:$0x1] =	stream.indirect_vreg.gather [hbm4b:s3+s2], $0x80, v3, vm0, $0xb8;
	[tilespmem:$0x18400] =	vst v63  }
0x70: {  	s1 =	simm.s32 $0x7800  }
0x71: {  	[tilespmem:s1], [sflag:$0x1] =	stream.indirect_vreg.gather [hbm4b:s5+s2], $0x80, v3, vm1, $0xb8;
	[tilespmem:$0x18400] =	vst v63  }
0x72: {  	v3 =	vld [tilespmem:$0x50];
	_ =	sdelay $0x4  }
0x73: {  	v61 =	vshrl.u32 v3, $0x3  }
0x74: {  	v4 =	vmul.u32 $0x18, v61  }
0x75: {  	v3 =	vand.u32 $0x7, v3  }
0x76: {  	v3 =	vor.u32 v3, v4  }
0x77: {  	v4 =	vperm.xlane v3, v0;
	_ =	sdelay $0x1  }
0x78: {  	v4 =	vadd.s32 v1, v4;
	_ =	sdelay $0x1  }
0x79: {  	v3 =	vperm.xlane v3, v2;
	_ =	sdelay $0x1  }
0x7a: {  	s1 =	simm.s32 $0x7C00;
	v3 =	vadd.s32 v1, v3  }
0x7b: {  	[tilespmem:s1], [sflag:$0x1] =	stream.indirect_vreg.gather [hbm4b:s3+s2], $0x80, v4, vm0, $0xb8;
	[tilespmem:$0x18400] =	vst v63  }
0x7c: {  	s1 =	simm.s32 $0x8400  }
0x7d: {  	[tilespmem:s1], [sflag:$0x1] =	stream.indirect_vreg.gather [hbm4b:s5+s2], $0x80, v4, vm1, $0xb8;
	[tilespmem:$0x18400] =	vst v63  }
0x7e: {  	s1 =	simm.s32 $0x8800  }
0x7f: {  	[tilespmem:s1], [sflag:$0x1] =	stream.indirect_vreg.gather [hbm4b:s3+s2], $0x80, v3, vm0, $0xb8;
	[tilespmem:$0x18400] =	vst v63  }
0x80: {  	s1 =	simm.s32 $0x9000  }
0x81: {  	[tilespmem:s1], [sflag:$0x1] =	stream.indirect_vreg.gather [hbm4b:s5+s2], $0x80, v3, vm1, $0xb8;
	[tilespmem:$0x18400] =	vst v63  }
0x82: {  	v3 =	vld [tilespmem:$0x60];
	_ =	sdelay $0x4  }
0x83: {  	v62 =	vshrl.u32 v3, $0x3  }
0x84: {  	v4 =	vmul.u32 $0x18, v62  }
0x85: {  	v3 =	vand.u32 $0x7, v3  }
0x86: {  	v3 =	vor.u32 v3, v4  }
0x87: {  	v4 =	vperm.xlane v3, v0;
	_ =	sdelay $0x1  }
0x88: {  	v4 =	vadd.s32 v1, v4;
	_ =	sdelay $0x1  }
0x89: {  	v3 =	vperm.xlane v3, v2;
	_ =	sdelay $0x1  }
0x8a: {  	s1 =	simm.s32 $0x9400;
	v3 =	vadd.s32 v1, v3  }
0x8b: {  	[tilespmem:s1], [sflag:$0x1] =	stream.indirect_vreg.gather [hbm4b:s3+s2], $0x80, v4, vm0, $0xb8;
	[tilespmem:$0x18400] =	vst v63  }
0x8c: {  	s1 =	simm.s32 $0x9C00  }
0x8d: {  	[tilespmem:s1], [sflag:$0x1] =	stream.indirect_vreg.gather [hbm4b:s5+s2], $0x80, v4, vm1, $0xb8;
	[tilespmem:$0x18400] =	vst v63  }
0x8e: {  	s1 =	simm.s32 $0xA000  }
0x8f: {  	[tilespmem:s1], [sflag:$0x1] =	stream.indirect_vreg.gather [hbm4b:s3+s2], $0x80, v3, vm0, $0xb8;
	[tilespmem:$0x18400] =	vst v63  }
0x90: {  	s1 =	simm.s32 $0xA800  }
0x91: {  	[tilespmem:s1], [sflag:$0x1] =	stream.indirect_vreg.gather [hbm4b:s5+s2], $0x80, v3, vm1, $0xb8;
	[tilespmem:$0x18400] =	vst v63  }
0x92: {  	v3 =	vld [tilespmem:$0x70];
	_ =	sdelay $0x4  }
0x93: {  	v63 =	vshrl.u32 v3, $0x3  }
0x94: {  	v4 =	vmul.u32 $0x18, v63  }
0x95: {  	v3 =	vand.u32 $0x7, v3  }
0x96: {  	v3 =	vor.u32 v3, v4  }
0x97: {  	v4 =	vperm.xlane v3, v0;
	_ =	sdelay $0x1  }
0x98: {  	v4 =	vadd.s32 v1, v4;
	_ =	sdelay $0x1  }
0x99: {  	v3 =	vperm.xlane v3, v2;
	_ =	sdelay $0x1  }
0x9a: {  	s1 =	simm.s32 $0xAC00;
	v3 =	vadd.s32 v1, v3  }
0x9b: {  	[tilespmem:s1], [sflag:$0x1] =	stream.indirect_vreg.gather [hbm4b:s3+s2], $0x80, v4, vm0, $0xb8;
	[tilespmem:$0x18400] =	vst v63  }
0x9c: {  	s1 =	simm.s32 $0xB400  }
0x9d: {  	[tilespmem:s1], [sflag:$0x1] =	stream.indirect_vreg.gather [hbm4b:s5+s2], $0x80, v4, vm1, $0xb8;
	[tilespmem:$0x18400] =	vst v63  }
0x9e: {  	s1 =	simm.s32 $0xB800  }
0x9f: {  	[tilespmem:s1], [sflag:$0x1] =	stream.indirect_vreg.gather [hbm4b:s3+s2], $0x80, v3, vm0, $0xb8;
	[tilespmem:$0x18400] =	vst v63  }
0xa0: {  	s30 =	simm.s32 $0xC0;
	s31 =	simm.s32 $0x0;
	s1 =	simm.s32 $0xC000  }
0xa1: {  	[tilespmem:s1], [sflag:$0x1] =	stream.indirect_vreg.gather [hbm4b:s5+s2], $0x80, v3, vm1, $0xb8;
	[tilespmem:$0x18400] =	vst v63  }
.LBB2_2:
0xa2: {  	_ =	swait.ge [sflag:s17], $0xC000  }
0xa3: {  	[sflag:s17] =	ssyncset.done $0x0  }
0xa4: {  	s1 =	sadd.s32 s31, s7;
	p0 =	seq.s32 s31, $0x0;
	[sflag:s17] =	ssyncadd.s32 $0xFFFF4000  }
0xa5: {  	[hbm4b:s1+s2] =	stream.linear.scatter [tilespmem:s10], [sflag:$0x3], $0xC000, $0x38;
	[tilespmem:$0x18400] =	vst v63  }
0xa6: {  	s1 =	simm.s32 @!p0 $0x4  }
0xa7: {  	_ =	swait.ge @!p0 [sflag:s1], $0xC000  }
0xa8: {  	[sflag:s1] =	ssyncset.done @!p0 $0x0  }
0xa9: {  	[sflag:s1] =	ssyncadd.s32 @!p0 $0xFFFF4000  }
0xaa: {  	v3 =	vld [tilespmem:s30+$0xFFFFFFC0];
	_ =	sdelay $0x4  }
0xab: {  	v4 =	vshrl.u32 v3, $0x3  }
0xac: {  	v4 =	vmul.u32 $0x18, v4  }
0xad: {  	v3 =	vand.u32 $0x7, v3  }
0xae: {  	v3 =	vor.u32 v3, v4  }
0xaf: {  	v4 =	vperm.xlane v3, v0;
	_ =	sdelay $0x1  }
0xb0: {  	v4 =	vadd.s32 v1, v4;
	_ =	sdelay $0x1  }
0xb1: {  	v3 =	vperm.xlane v3, v2;
	_ =	sdelay $0x1  }
0xb2: {  	v3 =	vadd.s32 v1, v3  }
0xb3: {  	[tilespmem:s18], [sflag:$0x2] =	stream.indirect_vreg.gather [hbm4b:s3+s2], $0x80, v4, vm0, $0xb8;
	[tilespmem:$0x18400] =	vst v63  }
0xb4: {  	s1 =	simm.s32 $0xCC00  }
0xb5: {  	[tilespmem:s1], [sflag:$0x2] =	stream.indirect_vreg.gather [hbm4b:s5+s2], $0x80, v4, vm1, $0xb8;
	[tilespmem:$0x18400] =	vst v63  }
0xb6: {  	s1 =	simm.s32 $0xD000  }
0xb7: {  	[tilespmem:s1], [sflag:$0x2] =	stream.indirect_vreg.gather [hbm4b:s3+s2], $0x80, v3, vm0, $0xb8;
	[tilespmem:$0x18400] =	vst v63  }
0xb8: {  	s1 =	simm.s32 $0xD800  }
0xb9: {  	[tilespmem:s1], [sflag:$0x2] =	stream.indirect_vreg.gather [hbm4b:s5+s2], $0x80, v3, vm1, $0xb8;
	[tilespmem:$0x18400] =	vst v63  }
0xba: {  	v3 =	vld [tilespmem:s30+$0xFFFFFFD0];
	_ =	sdelay $0x4  }
0xbb: {  	v57 =	vshrl.u32 v3, $0x3  }
0xbc: {  	v4 =	vmul.u32 $0x18, v57  }
0xbd: {  	v3 =	vand.u32 $0x7, v3  }
0xbe: {  	v3 =	vor.u32 v3, v4  }
0xbf: {  	v4 =	vperm.xlane v3, v0;
	_ =	sdelay $0x1  }
0xc0: {  	v4 =	vadd.s32 v1, v4;
	_ =	sdelay $0x1  }
0xc1: {  	v3 =	vperm.xlane v3, v2;
	_ =	sdelay $0x1  }
0xc2: {  	s1 =	simm.s32 $0xDC00;
	v3 =	vadd.s32 v1, v3  }
0xc3: {  	[tilespmem:s1], [sflag:$0x2] =	stream.indirect_vreg.gather [hbm4b:s3+s2], $0x80, v4, vm0, $0xb8;
	[tilespmem:$0x18400] =	vst v63  }
0xc4: {  	s1 =	simm.s32 $0xE400  }
0xc5: {  	[tilespmem:s1], [sflag:$0x2] =	stream.indirect_vreg.gather [hbm4b:s5+s2], $0x80, v4, vm1, $0xb8;
	[tilespmem:$0x18400] =	vst v63  }
0xc6: {  	s1 =	simm.s32 $0xE800  }
0xc7: {  	[tilespmem:s1], [sflag:$0x2] =	stream.indirect_vreg.gather [hbm4b:s3+s2], $0x80, v3, vm0, $0xb8;
	[tilespmem:$0x18400] =	vst v63  }
0xc8: {  	s1 =	simm.s32 $0xF000  }
0xc9: {  	[tilespmem:s1], [sflag:$0x2] =	stream.indirect_vreg.gather [hbm4b:s5+s2], $0x80, v3, vm1, $0xb8;
	[tilespmem:$0x18400] =	vst v63  }
0xca: {  	v3 =	vld [tilespmem:s30+$0xFFFFFFE0];
	_ =	sdelay $0x4  }
0xcb: {  	v58 =	vshrl.u32 v3, $0x3  }
0xcc: {  	v4 =	vmul.u32 $0x18, v58  }
0xcd: {  	v3 =	vand.u32 $0x7, v3  }
0xce: {  	v3 =	vor.u32 v3, v4  }
0xcf: {  	v4 =	vperm.xlane v3, v0;
	_ =	sdelay $0x1  }
0xd0: {  	v4 =	vadd.s32 v1, v4;
	_ =	sdelay $0x1  }
0xd1: {  	v3 =	vperm.xlane v3, v2;
	_ =	sdelay $0x1  }
0xd2: {  	s1 =	simm.s32 $0xF400;
	v3 =	vadd.s32 v1, v3  }
0xd3: {  	[tilespmem:s1], [sflag:$0x2] =	stream.indirect_vreg.gather [hbm4b:s3+s2], $0x80, v4, vm0, $0xb8;
	[tilespmem:$0x18400] =	vst v63  }
0xd4: {  	s1 =	simm.s32 $0xFC00  }
0xd5: {  	[tilespmem:s1], [sflag:$0x2] =	stream.indirect_vreg.gather [hbm4b:s5+s2], $0x80, v4, vm1, $0xb8;
	[tilespmem:$0x18400] =	vst v63  }
0xd6: {  	s1 =	simm.s32 $0x10000  }
0xd7: {  	[tilespmem:s1], [sflag:$0x2] =	stream.indirect_vreg.gather [hbm4b:s3+s2], $0x80, v3, vm0, $0xb8;
	[tilespmem:$0x18400] =	vst v63  }
0xd8: {  	s1 =	simm.s32 $0x10800  }
0xd9: {  	[tilespmem:s1], [sflag:$0x2] =	stream.indirect_vreg.gather [hbm4b:s5+s2], $0x80, v3, vm1, $0xb8;
	[tilespmem:$0x18400] =	vst v63  }
0xda: {  	v3 =	vld [tilespmem:s30+$0xFFFFFFF0];
	_ =	sdelay $0x4  }
0xdb: {  	v59 =	vshrl.u32 v3, $0x3  }
0xdc: {  	v4 =	vmul.u32 $0x18, v59  }
0xdd: {  	v3 =	vand.u32 $0x7, v3  }
0xde: {  	v3 =	vor.u32 v3, v4  }
0xdf: {  	v4 =	vperm.xlane v3, v0;
	_ =	sdelay $0x1  }
0xe0: {  	v4 =	vadd.s32 v1, v4;
	_ =	sdelay $0x1  }
0xe1: {  	v3 =	vperm.xlane v3, v2;
	_ =	sdelay $0x1  }
0xe2: {  	s1 =	simm.s32 $0x10C00;
	v3 =	vadd.s32 v1, v3  }
0xe3: {  	[tilespmem:s1], [sflag:$0x2] =	stream.indirect_vreg.gather [hbm4b:s3+s2], $0x80, v4, vm0, $0xb8;
	[tilespmem:$0x18400] =	vst v63  }
0xe4: {  	s1 =	simm.s32 $0x11400  }
0xe5: {  	[tilespmem:s1], [sflag:$0x2] =	stream.indirect_vreg.gather [hbm4b:s5+s2], $0x80, v4, vm1, $0xb8;
	[tilespmem:$0x18400] =	vst v63  }
0xe6: {  	_ = 	snop  }
0xe7: {  	[tilespmem:s19], [sflag:$0x2] =	stream.indirect_vreg.gather [hbm4b:s3+s2], $0x80, v3, vm0, $0xb8;
	[tilespmem:$0x18400] =	vst v63  }
0xe8: {  	_ = 	snop  }
0xe9: {  	[tilespmem:s0], [sflag:$0x2] =	stream.indirect_vreg.gather [hbm4b:s5+s2], $0x80, v3, vm1, $0xb8;
	[tilespmem:$0x18400] =	vst v63  }
0xea: {  	v3 =	vld [tilespmem:s30+$0x0];
	_ =	sdelay $0x4  }
0xeb: {  	v60 =	vshrl.u32 v3, $0x3  }
0xec: {  	v4 =	vmul.u32 $0x18, v60  }
0xed: {  	v3 =	vand.u32 $0x7, v3  }
0xee: {  	v3 =	vor.u32 v3, v4  }
0xef: {  	v4 =	vperm.xlane v3, v0;
	_ =	sdelay $0x1  }
0xf0: {  	v4 =	vadd.s32 v1, v4;
	_ =	sdelay $0x1  }
0xf1: {  	v3 =	vperm.xlane v3, v2;
	_ =	sdelay $0x1  }
0xf2: {  	v3 =	vadd.s32 v1, v3  }
0xf3: {  	[tilespmem:s20], [sflag:$0x2] =	stream.indirect_vreg.gather [hbm4b:s3+s2], $0x80, v4, vm0, $0xb8;
	[tilespmem:$0x18400] =	vst v63  }
0xf4: {  	_ = 	snop  }
0xf5: {  	[tilespmem:s4], [sflag:$0x2] =	stream.indirect_vreg.gather [hbm4b:s5+s2], $0x80, v4, vm1, $0xb8;
	[tilespmem:$0x18400] =	vst v63  }
0xf6: {  	_ = 	snop  }
0xf7: {  	[tilespmem:s21], [sflag:$0x2] =	stream.indirect_vreg.gather [hbm4b:s3+s2], $0x80, v3, vm0, $0xb8;
	[tilespmem:$0x18400] =	vst v63  }
0xf8: {  	_ = 	snop  }
0xf9: {  	[tilespmem:s6], [sflag:$0x2] =	stream.indirect_vreg.gather [hbm4b:s5+s2], $0x80, v3, vm1, $0xb8;
	[tilespmem:$0x18400] =	vst v63  }
0xfa: {  	v3 =	vld [tilespmem:s30+$0x10];
	_ =	sdelay $0x4  }
0xfb: {  	v61 =	vshrl.u32 v3, $0x3  }
0xfc: {  	v4 =	vmul.u32 $0x18, v61  }
0xfd: {  	v3 =	vand.u32 $0x7, v3  }
0xfe: {  	v3 =	vor.u32 v3, v4  }
0xff: {  	v4 =	vperm.xlane v3, v0;
	_ =	sdelay $0x1  }
0x100: {  	v4 =	vadd.s32 v1, v4;
	_ =	sdelay $0x1  }
0x101: {  	v3 =	vperm.xlane v3, v2;
	_ =	sdelay $0x1  }
0x102: {  	v3 =	vadd.s32 v1, v3  }
0x103: {  	[tilespmem:s22], [sflag:$0x2] =	stream.indirect_vreg.gather [hbm4b:s3+s2], $0x80, v4, vm0, $0xb8;
	[tilespmem:$0x18400] =	vst v63  }
0x104: {  	_ = 	snop  }
0x105: {  	[tilespmem:s9], [sflag:$0x2] =	stream.indirect_vreg.gather [hbm4b:s5+s2], $0x80, v4, vm1, $0xb8;
	[tilespmem:$0x18400] =	vst v63  }
0x106: {  	_ = 	snop  }
0x107: {  	[tilespmem:s23], [sflag:$0x2] =	stream.indirect_vreg.gather [hbm4b:s3+s2], $0x80, v3, vm0, $0xb8;
	[tilespmem:$0x18400] =	vst v63  }
0x108: {  	_ = 	snop  }
0x109: {  	[tilespmem:s11], [sflag:$0x2] =	stream.indirect_vreg.gather [hbm4b:s5+s2], $0x80, v3, vm1, $0xb8;
	[tilespmem:$0x18400] =	vst v63  }
0x10a: {  	v3 =	vld [tilespmem:s30+$0x20];
	_ =	sdelay $0x4  }
0x10b: {  	v62 =	vshrl.u32 v3, $0x3  }
0x10c: {  	v4 =	vmul.u32 $0x18, v62  }
0x10d: {  	v3 =	vand.u32 $0x7, v3  }
0x10e: {  	v3 =	vor.u32 v3, v4  }
0x10f: {  	v4 =	vperm.xlane v3, v0;
	_ =	sdelay $0x1  }
0x110: {  	v4 =	vadd.s32 v1, v4;
	_ =	sdelay $0x1  }
0x111: {  	v3 =	vperm.xlane v3, v2;
	_ =	sdelay $0x1  }
0x112: {  	v3 =	vadd.s32 v1, v3  }
0x113: {  	[tilespmem:s24], [sflag:$0x2] =	stream.indirect_vreg.gather [hbm4b:s3+s2], $0x80, v4, vm0, $0xb8;
	[tilespmem:$0x18400] =	vst v63  }
0x114: {  	_ = 	snop  }
0x115: {  	[tilespmem:s12], [sflag:$0x2] =	stream.indirect_vreg.gather [hbm4b:s5+s2], $0x80, v4, vm1, $0xb8;
	[tilespmem:$0x18400] =	vst v63  }
0x116: {  	_ = 	snop  }
0x117: {  	[tilespmem:s25], [sflag:$0x2] =	stream.indirect_vreg.gather [hbm4b:s3+s2], $0x80, v3, vm0, $0xb8;
	[tilespmem:$0x18400] =	vst v63  }
0x118: {  	_ = 	snop  }
0x119: {  	[tilespmem:s13], [sflag:$0x2] =	stream.indirect_vreg.gather [hbm4b:s5+s2], $0x80, v3, vm1, $0xb8;
	[tilespmem:$0x18400] =	vst v63  }
0x11a: {  	v3 =	vld [tilespmem:s30+$0x30];
	_ =	sdelay $0x4  }
0x11b: {  	v63 =	vshrl.u32 v3, $0x3  }
0x11c: {  	v4 =	vmul.u32 $0x18, v63  }
0x11d: {  	v3 =	vand.u32 $0x7, v3  }
0x11e: {  	v3 =	vor.u32 v3, v4  }
0x11f: {  	v4 =	vperm.xlane v3, v0;
	_ =	sdelay $0x1  }
0x120: {  	v4 =	vadd.s32 v1, v4;
	_ =	sdelay $0x1  }
0x121: {  	v3 =	vperm.xlane v3, v2;
	_ =	sdelay $0x1  }
0x122: {  	v3 =	vadd.s32 v1, v3  }
0x123: {  	[tilespmem:s26], [sflag:$0x2] =	stream.indirect_vreg.gather [hbm4b:s3+s2], $0x80, v4, vm0, $0xb8;
	[tilespmem:$0x18400] =	vst v63  }
0x124: {  	_ = 	snop  }
0x125: {  	[tilespmem:s14], [sflag:$0x2] =	stream.indirect_vreg.gather [hbm4b:s5+s2], $0x80, v4, vm1, $0xb8;
	[tilespmem:$0x18400] =	vst v63  }
0x126: {  	_ = 	snop  }
0x127: {  	[tilespmem:s28], [sflag:$0x2] =	stream.indirect_vreg.gather [hbm4b:s3+s2], $0x80, v3, vm0, $0xb8;
	[tilespmem:$0x18400] =	vst v63  }
0x128: {  	_ = 	snop  }
0x129: {  	[tilespmem:s15], [sflag:$0x2] =	stream.indirect_vreg.gather [hbm4b:s5+s2], $0x80, v3, vm1, $0xb8;
	[tilespmem:$0x18400] =	vst v63  }
0x12a: {  	_ =	swait.ge [sflag:s29], $0xC000  }
0x12b: {  	p0 =	seq.s32 s31, $0x9000;
	[sflag:s29] =	ssyncset.done $0x0  }
.Ltmp2:
0x12c: {  	s1 =	sadd.s32 s31, s8;
	[sflag:s29] =	ssyncadd.s32 $0xFFFF4000;
	(pc) =	sbr.rel @p0 .LBB2_4-.Ltmp2, $4  }
0x12d: {  	[hbm4b:s1+s2] =	stream.linear.scatter [tilespmem:s18], [sflag:$0x4], $0xC000, $0x38;
	[tilespmem:$0x18400] =	vst v63  }
0x12e: {  	_ =	swait.ge [sflag:s16], $0xC000  }
0x12f: {  	[sflag:s16] =	ssyncset.done $0x0  }
0x130: {  	[sflag:s16] =	ssyncadd.s32 $0xFFFF4000  }
0x131: {  	v3 =	vld [tilespmem:s30+$0x40];
	_ =	sdelay $0x4  }
0x132: {  	v4 =	vshrl.u32 v3, $0x3  }
0x133: {  	v4 =	vmul.u32 $0x18, v4  }
0x134: {  	v3 =	vand.u32 $0x7, v3  }
0x135: {  	v3 =	vor.u32 v3, v4  }
0x136: {  	v4 =	vperm.xlane v3, v0;
	_ =	sdelay $0x1  }
0x137: {  	v4 =	vadd.s32 v1, v4;
	_ =	sdelay $0x1  }
0x138: {  	v3 =	vperm.xlane v3, v2;
	_ =	sdelay $0x1  }
0x139: {  	v3 =	vadd.s32 v1, v3  }
0x13a: {  	[tilespmem:s10], [sflag:$0x1] =	stream.indirect_vreg.gather [hbm4b:s3+s2], $0x80, v4, vm0, $0xb8;
	[tilespmem:$0x18400] =	vst v63  }
0x13b: {  	s1 =	simm.s32 $0xC00  }
0x13c: {  	[tilespmem:s1], [sflag:$0x1] =	stream.indirect_vreg.gather [hbm4b:s5+s2], $0x80, v4, vm1, $0xb8;
	[tilespmem:$0x18400] =	vst v63  }
0x13d: {  	s1 =	simm.s32 $0x1000  }
0x13e: {  	[tilespmem:s1], [sflag:$0x1] =	stream.indirect_vreg.gather [hbm4b:s3+s2], $0x80, v3, vm0, $0xb8;
	[tilespmem:$0x18400] =	vst v63  }
0x13f: {  	s1 =	simm.s32 $0x1800  }
0x140: {  	[tilespmem:s1], [sflag:$0x1] =	stream.indirect_vreg.gather [hbm4b:s5+s2], $0x80, v3, vm1, $0xb8;
	[tilespmem:$0x18400] =	vst v63  }
0x141: {  	v3 =	vld [tilespmem:s30+$0x50];
	_ =	sdelay $0x4  }
0x142: {  	v57 =	vshrl.u32 v3, $0x3  }
0x143: {  	v4 =	vmul.u32 $0x18, v57  }
0x144: {  	v3 =	vand.u32 $0x7, v3  }
0x145: {  	v3 =	vor.u32 v3, v4  }
0x146: {  	v4 =	vperm.xlane v3, v0;
	_ =	sdelay $0x1  }
0x147: {  	v4 =	vadd.s32 v1, v4;
	_ =	sdelay $0x1  }
0x148: {  	v3 =	vperm.xlane v3, v2;
	_ =	sdelay $0x1  }
0x149: {  	s1 =	simm.s32 $0x1C00;
	v3 =	vadd.s32 v1, v3  }
0x14a: {  	[tilespmem:s1], [sflag:$0x1] =	stream.indirect_vreg.gather [hbm4b:s3+s2], $0x80, v4, vm0, $0xb8;
	[tilespmem:$0x18400] =	vst v63  }
0x14b: {  	s1 =	simm.s32 $0x2400  }
0x14c: {  	[tilespmem:s1], [sflag:$0x1] =	stream.indirect_vreg.gather [hbm4b:s5+s2], $0x80, v4, vm1, $0xb8;
	[tilespmem:$0x18400] =	vst v63  }
0x14d: {  	s1 =	simm.s32 $0x2800  }
0x14e: {  	[tilespmem:s1], [sflag:$0x1] =	stream.indirect_vreg.gather [hbm4b:s3+s2], $0x80, v3, vm0, $0xb8;
	[tilespmem:$0x18400] =	vst v63  }
0x14f: {  	s1 =	simm.s32 $0x3000  }
0x150: {  	[tilespmem:s1], [sflag:$0x1] =	stream.indirect_vreg.gather [hbm4b:s5+s2], $0x80, v3, vm1, $0xb8;
	[tilespmem:$0x18400] =	vst v63  }
0x151: {  	v3 =	vld [tilespmem:s30+$0x60];
	_ =	sdelay $0x4  }
0x152: {  	v58 =	vshrl.u32 v3, $0x3  }
0x153: {  	v4 =	vmul.u32 $0x18, v58  }
0x154: {  	v3 =	vand.u32 $0x7, v3  }
0x155: {  	v3 =	vor.u32 v3, v4  }
0x156: {  	v4 =	vperm.xlane v3, v0;
	_ =	sdelay $0x1  }
0x157: {  	v4 =	vadd.s32 v1, v4;
	_ =	sdelay $0x1  }
0x158: {  	v3 =	vperm.xlane v3, v2;
	_ =	sdelay $0x1  }
0x159: {  	s1 =	simm.s32 $0x3400;
	v3 =	vadd.s32 v1, v3  }
0x15a: {  	[tilespmem:s1], [sflag:$0x1] =	stream.indirect_vreg.gather [hbm4b:s3+s2], $0x80, v4, vm0, $0xb8;
	[tilespmem:$0x18400] =	vst v63  }
0x15b: {  	s1 =	simm.s32 $0x3C00  }
0x15c: {  	[tilespmem:s1], [sflag:$0x1] =	stream.indirect_vreg.gather [hbm4b:s5+s2], $0x80, v4, vm1, $0xb8;
	[tilespmem:$0x18400] =	vst v63  }
0x15d: {  	s1 =	simm.s32 $0x4000  }
0x15e: {  	[tilespmem:s1], [sflag:$0x1] =	stream.indirect_vreg.gather [hbm4b:s3+s2], $0x80, v3, vm0, $0xb8;
	[tilespmem:$0x18400] =	vst v63  }
0x15f: {  	s1 =	simm.s32 $0x4800  }
0x160: {  	[tilespmem:s1], [sflag:$0x1] =	stream.indirect_vreg.gather [hbm4b:s5+s2], $0x80, v3, vm1, $0xb8;
	[tilespmem:$0x18400] =	vst v63  }
0x161: {  	v3 =	vld [tilespmem:s30+$0x70];
	_ =	sdelay $0x4  }
0x162: {  	v59 =	vshrl.u32 v3, $0x3  }
0x163: {  	v4 =	vmul.u32 $0x18, v59  }
0x164: {  	v3 =	vand.u32 $0x7, v3  }
0x165: {  	v3 =	vor.u32 v3, v4  }
0x166: {  	v4 =	vperm.xlane v3, v0;
	_ =	sdelay $0x1  }
0x167: {  	v4 =	vadd.s32 v1, v4;
	_ =	sdelay $0x1  }
0x168: {  	v3 =	vperm.xlane v3, v2;
	_ =	sdelay $0x1  }
0x169: {  	s1 =	simm.s32 $0x4C00;
	v3 =	vadd.s32 v1, v3  }
0x16a: {  	[tilespmem:s1], [sflag:$0x1] =	stream.indirect_vreg.gather [hbm4b:s3+s2], $0x80, v4, vm0, $0xb8;
	[tilespmem:$0x18400] =	vst v63  }
0x16b: {  	s1 =	simm.s32 $0x5400  }
0x16c: {  	[tilespmem:s1], [sflag:$0x1] =	stream.indirect_vreg.gather [hbm4b:s5+s2], $0x80, v4, vm1, $0xb8;
	[tilespmem:$0x18400] =	vst v63  }
0x16d: {  	s1 =	simm.s32 $0x5800  }
0x16e: {  	[tilespmem:s1], [sflag:$0x1] =	stream.indirect_vreg.gather [hbm4b:s3+s2], $0x80, v3, vm0, $0xb8;
	[tilespmem:$0x18400] =	vst v63  }
0x16f: {  	s1 =	simm.s32 $0x6000  }
0x170: {  	[tilespmem:s1], [sflag:$0x1] =	stream.indirect_vreg.gather [hbm4b:s5+s2], $0x80, v3, vm1, $0xb8;
	[tilespmem:$0x18400] =	vst v63  }
0x171: {  	v3 =	vld [tilespmem:s30+$0x80];
	_ =	sdelay $0x4  }
0x172: {  	v60 =	vshrl.u32 v3, $0x3  }
0x173: {  	v4 =	vmul.u32 $0x18, v60  }
0x174: {  	v3 =	vand.u32 $0x7, v3  }
0x175: {  	v3 =	vor.u32 v3, v4  }
0x176: {  	v4 =	vperm.xlane v3, v0;
	_ =	sdelay $0x1  }
0x177: {  	v4 =	vadd.s32 v1, v4;
	_ =	sdelay $0x1  }
0x178: {  	v3 =	vperm.xlane v3, v2;
	_ =	sdelay $0x1  }
0x179: {  	s1 =	simm.s32 $0x6400;
	v3 =	vadd.s32 v1, v3  }
0x17a: {  	[tilespmem:s1], [sflag:$0x1] =	stream.indirect_vreg.gather [hbm4b:s3+s2], $0x80, v4, vm0, $0xb8;
	[tilespmem:$0x18400] =	vst v63  }
0x17b: {  	s1 =	simm.s32 $0x6C00  }
0x17c: {  	[tilespmem:s1], [sflag:$0x1] =	stream.indirect_vreg.gather [hbm4b:s5+s2], $0x80, v4, vm1, $0xb8;
	[tilespmem:$0x18400] =	vst v63  }
0x17d: {  	s1 =	simm.s32 $0x7000  }
0x17e: {  	[tilespmem:s1], [sflag:$0x1] =	stream.indirect_vreg.gather [hbm4b:s3+s2], $0x80, v3, vm0, $0xb8;
	[tilespmem:$0x18400] =	vst v63  }
0x17f: {  	s1 =	simm.s32 $0x7800  }
0x180: {  	[tilespmem:s1], [sflag:$0x1] =	stream.indirect_vreg.gather [hbm4b:s5+s2], $0x80, v3, vm1, $0xb8;
	[tilespmem:$0x18400] =	vst v63  }
0x181: {  	v3 =	vld [tilespmem:s30+$0x90];
	_ =	sdelay $0x4  }
0x182: {  	v61 =	vshrl.u32 v3, $0x3  }
0x183: {  	v4 =	vmul.u32 $0x18, v61  }
0x184: {  	v3 =	vand.u32 $0x7, v3  }
0x185: {  	v3 =	vor.u32 v3, v4  }
0x186: {  	v4 =	vperm.xlane v3, v0;
	_ =	sdelay $0x1  }
0x187: {  	v4 =	vadd.s32 v1, v4;
	_ =	sdelay $0x1  }
0x188: {  	v3 =	vperm.xlane v3, v2;
	_ =	sdelay $0x1  }
0x189: {  	s1 =	simm.s32 $0x7C00;
	v3 =	vadd.s32 v1, v3  }
0x18a: {  	[tilespmem:s1], [sflag:$0x1] =	stream.indirect_vreg.gather [hbm4b:s3+s2], $0x80, v4, vm0, $0xb8;
	[tilespmem:$0x18400] =	vst v63  }
0x18b: {  	s1 =	simm.s32 $0x8400  }
0x18c: {  	[tilespmem:s1], [sflag:$0x1] =	stream.indirect_vreg.gather [hbm4b:s5+s2], $0x80, v4, vm1, $0xb8;
	[tilespmem:$0x18400] =	vst v63  }
0x18d: {  	s1 =	simm.s32 $0x8800  }
0x18e: {  	[tilespmem:s1], [sflag:$0x1] =	stream.indirect_vreg.gather [hbm4b:s3+s2], $0x80, v3, vm0, $0xb8;
	[tilespmem:$0x18400] =	vst v63  }
0x18f: {  	s1 =	simm.s32 $0x9000  }
0x190: {  	[tilespmem:s1], [sflag:$0x1] =	stream.indirect_vreg.gather [hbm4b:s5+s2], $0x80, v3, vm1, $0xb8;
	[tilespmem:$0x18400] =	vst v63  }
0x191: {  	v3 =	vld [tilespmem:s30+$0xA0];
	_ =	sdelay $0x4  }
0x192: {  	v62 =	vshrl.u32 v3, $0x3  }
0x193: {  	v4 =	vmul.u32 $0x18, v62  }
0x194: {  	v3 =	vand.u32 $0x7, v3  }
0x195: {  	v3 =	vor.u32 v3, v4  }
0x196: {  	v4 =	vperm.xlane v3, v0;
	_ =	sdelay $0x1  }
0x197: {  	v4 =	vadd.s32 v1, v4;
	_ =	sdelay $0x1  }
0x198: {  	v3 =	vperm.xlane v3, v2;
	_ =	sdelay $0x1  }
0x199: {  	s1 =	simm.s32 $0x9400;
	v3 =	vadd.s32 v1, v3  }
0x19a: {  	[tilespmem:s1], [sflag:$0x1] =	stream.indirect_vreg.gather [hbm4b:s3+s2], $0x80, v4, vm0, $0xb8;
	[tilespmem:$0x18400] =	vst v63  }
0x19b: {  	s1 =	simm.s32 $0x9C00  }
0x19c: {  	[tilespmem:s1], [sflag:$0x1] =	stream.indirect_vreg.gather [hbm4b:s5+s2], $0x80, v4, vm1, $0xb8;
	[tilespmem:$0x18400] =	vst v63  }
0x19d: {  	s1 =	simm.s32 $0xA000  }
0x19e: {  	[tilespmem:s1], [sflag:$0x1] =	stream.indirect_vreg.gather [hbm4b:s3+s2], $0x80, v3, vm0, $0xb8;
	[tilespmem:$0x18400] =	vst v63  }
0x19f: {  	s1 =	simm.s32 $0xA800  }
0x1a0: {  	[tilespmem:s1], [sflag:$0x1] =	stream.indirect_vreg.gather [hbm4b:s5+s2], $0x80, v3, vm1, $0xb8;
	[tilespmem:$0x18400] =	vst v63  }
0x1a1: {  	v3 =	vld [tilespmem:s30+$0xB0];
	_ =	sdelay $0x4  }
0x1a2: {  	v63 =	vshrl.u32 v3, $0x3  }
0x1a3: {  	v4 =	vmul.u32 $0x18, v63  }
0x1a4: {  	v3 =	vand.u32 $0x7, v3  }
0x1a5: {  	v3 =	vor.u32 v3, v4  }
0x1a6: {  	v4 =	vperm.xlane v3, v0;
	_ =	sdelay $0x1  }
0x1a7: {  	v4 =	vadd.s32 v1, v4;
	_ =	sdelay $0x2  }
0x1a8: {  	v3 =	vperm.xlane v3, v2  }
0x1a9: {  	s31 =	sadd.s32 $0x3000, s31;
	s1 =	simm.s32 $0xAC00  }
0x1aa: {  	v3 =	vadd.s32 v1, v3;
	[tilespmem:s1], [sflag:$0x1] =	stream.indirect_vreg.gather [hbm4b:s3+s2], $0x80, v4, vm0, $0xb8;
	[tilespmem:$0x18400] =	vst v63  }
0x1ab: {  	p0 =	sne.s32 s31, $0xC000;
	s1 =	simm.s32 $0xB400  }
0x1ac: {  	[tilespmem:s1], [sflag:$0x1] =	stream.indirect_vreg.gather [hbm4b:s5+s2], $0x80, v4, vm1, $0xb8;
	[tilespmem:$0x18400] =	vst v63  }
.Ltmp3:
0x1ad: {  	_ = 	snop;
	(pc) =	sbr.rel @p0 .LBB2_2-.Ltmp3, $4  }
.Ltmp4:
0x1ae: {  	s1 =	simm.s32 $0xB800;
	(pc) =	sbr.rel @!p0 .LBB2_4-.Ltmp4, $4  }
0x1af: {  	[tilespmem:s1], [sflag:$0x1] =	stream.indirect_vreg.gather [hbm4b:s3+s2], $0x80, v3, vm0, $0xb8;
	[tilespmem:$0x18400] =	vst v63  }
0x1b0: {  	s30 =	sadd.s32 $0x100, s30;
	s1 =	simm.s32 $0xC000  }
0x1b1: {  	[tilespmem:s1], [sflag:$0x1] =	stream.indirect_vreg.gather [hbm4b:s5+s2], $0x80, v3, vm1, $0xb8;
	[tilespmem:$0x18400] =	vst v63  }
0x1b2: {  	_ = 	snop  }
.LBB2_5:
0x1b3: {  	_ =	sfence.sel $0x180000  }
0x1b4: {  	[bflag:$0x0] =	sbarrier.arrive $0xFFFF  }
0x1b5: {  	_ =	strace $0x9000004D  }
0x1b6: {  	s0 =	stileid.u32;
	[bflag:$0x2] =	sbarrier.arrive $0xFFFF  }
0x1b7: {  	p0 =	sne.s32 s0, $0x0;
	s0 =	rddreg [dreg:$0x1]  }
0x1b8: {  	s0 =	sadd.s32 @!p0 $0x100000, s0  }
0x1b9: {  	[sflag:s0] =	ssyncadd.tile.s32 @!p0 $0x1;
	_ =	shalt  }
.Lfunc_end2:
_tile_overlayer_lowered:
.L_overlay_start_2:
0x1ba: {  	(tag) =	ssettag $0x2  }
0x1bb: {  	s0 =	rddreg [dreg:$0x0];
	s2 =	stileid.u32  }
0x1bc: {  	s1 =	rddreg [dreg:$0x1];
	p0 =	sne.s32 s2, $0x0  }
0x1bd: {  	s3 =	rddreg [dreg:$0x2];
	[bflag:$0x3] =	sbarrier.arrive $0xFFFF;
	s2 =	simm.s32 @!p0 $0x1C05  }
0x1be: {  	[timem:s3], [sflag:s2] =	dma.local @!p0 [hbm:s0], s1  }
0x1bf: {  	s0 =	simm.s32 @!p0 $0x5  }
0x1c0: {  	_ =	swait.ge @!p0 [sflag:s0], s1  }
0x1c1: {  	s1 =	ssub.s32 @!p0 $0x0, s1;
	[sflag:s0] =	ssyncset.done @!p0 $0x0  }
0x1c2: {  	[sflag:s0] =	ssyncadd.s32 @!p0 s1  }
0x1c3: {  	[bflag:$0x3] =	sbarrier.arrive $0xFFFF  }
0x1c4: {  	_ =	shalt  }

// kernel: kernel.19.cloned.1.call-start
scs
__scs_entry_jumppad:
0x0: {  	(pc) =	sbr.rel $0x88, $3  }
0x1: {  	(tag) =	ssettag $0x0;
	lr =	simm.s32 $0x1  }
0x2: {  	[smem:$0x3F9D] =	sst lr;
	_ =	strace $0xD0000000  }
0x3: {  	_ = 	snop  }
0x4: {  	_ = 	snop  }
0x5: {  	_ = 	snop  }
0x6: {  	_ = 	snop  }
0x7: {  	_ = 	snop  }
__scs_overlays_trampoline_lowered:
0x8: {  	[smem:$0x3FAC] =	sst s0  }
0x9: {  	[smem:$0x3FAD] =	sst s1  }
0xa: {  	[smem:$0x3FAE] =	sst s2  }
0xb: {  	[smem:$0x3FAF] =	sst s3  }
0xc: {  	[smem:$0x3FB0] =	sst s4  }
0xd: {  	[smem:$0x3FB1] =	sst s5  }
0xe: {  	[smem:$0x3FB2] =	sst s6  }
0xf: {  	[smem:$0x3FB3] =	sst s7  }
0x10: {  	[smem:$0x3FB4] =	sst s8  }
0x11: {  	[smem:$0x3FB5] =	sst s9;
	s0 =	simm.s32 @!p0 $0x0  }
0x12: {  	s1 =	sld [smem:$0x3F9B];
	s0 =	simm.s32 @p0 $0x1  }
0x13: {  	[smem:$0x3FB6] =	sst s0;
	s0 =	simm.s32 @!p1 $0x0  }
0x14: {  	s2 =	sld [smem:$0x3F9A];
	s0 =	simm.s32 @p1 $0x1  }
0x15: {  	[smem:$0x3FB7] =	sst s0;
	s0 =	simm.s32 @!p2 $0x0  }
0x16: {  	s3 =	sld [smem:$0x3FDB];
	s0 =	simm.s32 @p2 $0x1  }
0x17: {  	s4 =	simm.s32 $0x1BF5;
	[smem:$0x3FB9] =	sst s0  }
0x18: {  	s0 =	sld [smem:$0x3F9C];
	_ =	swait.ge [sflag:s4], $0x0  }
0x19: {  	s7 =	sld [smem:$0x3F9D]  }
0x1a: {  	s8 =	sadd.s32 $0xFFFFE003, lr  }
0x1b: {  	s9 =	sadd.s32 $0xFFFFFEF7, lr;
	s5 =	simm.s32 $0xFFFFFFFF;
	p2 =	slt.u32 s8, $0xFFFFF086  }
0x1c: {  	p1 =	slt.u32 s9, $0xF7A;
	s5 =	simm.s32 @!p2 $0x0  }
0x1d: {  	s5 =	simm.s32 @p1 $0x1;
	p0 =	seq.s32 s7, s2  }
0x1e: {  	s7 =	smul.u32 @!p0 $0xF7A, s2;
	p2 =	seq.s32 @!p0 s5, $0x0  }
0x1f: {  	s9 =	smul.u32 $0xF7A, s1;
	s8 =	simm.s32 @!p0 $0x1BF5;
	p2 =	por !p2, p0  }
0x20: {  	[sflag:s8] =	ssyncset.s32 @!p0 $0xFFFFF086;
	s6 =	sadd.s32 @!p0 s3, s7;
	s7 =	simm.s32 @!p0 $0x108  }
0x21: {  	s3 =	sadd.s32 s3, s9;
	s6 =	sadd.s32 @!p0 $0x88, s6;
	s7 =	simm.s32 @p2 $0x1082  }
0x22: {  	[simem:s7], [sflag:s8] =	dma.local @!p0 [hbm:s6], $0xF7A  }
0x23: {  	s9 =	sor.u32 $0xD0000000, s2;
	s6 =	simm.s32 $0x108;
	_ =	swait.ge @!p0 [sflag:s8], $0x0  }
0x24: {  	s3 =	sadd.s32 $0x88, s3;
	s6 =	simm.s32 @!p1 $0x1082;
	[sflag:s4] =	ssyncset.s32 $0xFFFFF086  }
0x25: {  	[simem:s6], [sflag:s4] =	dma.local [hbm:s3], $0xF7A  }
0x26: {  	[smem:$0x3F9D] =	sst s1;
	(tag) =	ssettag s2;
	_ =	strace s9  }
0x27: {  	s1 =	sld [smem:$0x3FAD]  }
0x28: {  	s2 =	sld [smem:$0x3FAE]  }
0x29: {  	s4 =	sld [smem:$0x3FB0]  }
0x2a: {  	p0 =	seq.s32 s5, $0x0;
	s5 =	sld [smem:$0x3FB1]  }
0x2b: {  	s6 =	sld [smem:$0x3FB2]  }
0x2c: {  	s7 =	sld [smem:$0x3FB3]  }
0x2d: {  	s3 =	simm.s32 $0x108;
	s8 =	sld [smem:$0x3FB4]  }
0x2e: {  	s3 =	simm.s32 @!p0 $0x1082;
	s9 =	sld [smem:$0x3FB5]  }
0x2f: {  	lr =	sadd.s32 s0, s3;
	s0 =	sld [smem:$0x3FAC]  }
0x30: {  	s3 =	sld [smem:$0x3FAF]  }
0x31: {  	[smem:$0x3FB8] =	sst s10  }
0x32: {  	s10 =	sld [smem:$0x3FB6];
	_ =	sdelay $0x3  }
0x33: {  	p0 =	seq.s32 s10, $0x1;
	s10 =	sld [smem:$0x3FB8];
	_ =	sdelay $0x3  }
0x34: {  	[smem:$0x3FB8] =	sst s10  }
0x35: {  	s10 =	sld [smem:$0x3FB7];
	_ =	sdelay $0x3  }
0x36: {  	p1 =	seq.s32 s10, $0x1;
	s10 =	sld [smem:$0x3FB8];
	_ =	sdelay $0x3  }
0x37: {  	[smem:$0x3FB8] =	sst s10  }
0x38: {  	s10 =	sld [smem:$0x3FB9]  }
0x39: {  	_ = 	snop;
	(pc) =	sbr.ind lr, $3  }
0x3a: {  	_ = 	snop  }
0x3b: {  	_ = 	snop  }
0x3c: {  	p2 =	seq.s32 s10, $0x1;
	s10 =	sld [smem:$0x3FB8]  }
0x3d: {  	_ =	shalt  }
0x3e: {  	_ =	shalt  }
0x3f: {  	_ =	shalt  }
0x40: {  	_ =	shalt  }
0x41: {  	_ =	shalt  }
0x42: {  	_ =	shalt  }
0x43: {  	_ =	shalt  }
0x44: {  	_ =	shalt  }
0x45: {  	_ =	shalt  }
0x46: {  	_ =	shalt  }
0x47: {  	_ =	shalt  }
0x48: {  	_ =	shalt  }
0x49: {  	_ =	shalt  }
0x4a: {  	_ =	shalt  }
0x4b: {  	_ =	shalt  }
0x4c: {  	_ =	shalt  }
0x4d: {  	_ =	shalt  }
0x4e: {  	_ =	shalt  }
0x4f: {  	_ =	shalt  }
0x50: {  	_ =	shalt  }
0x51: {  	_ =	shalt  }
0x52: {  	_ =	shalt  }
0x53: {  	_ =	shalt  }
0x54: {  	_ =	shalt  }
0x55: {  	_ =	shalt  }
0x56: {  	_ =	shalt  }
0x57: {  	_ =	shalt  }
0x58: {  	_ =	shalt  }
0x59: {  	_ =	shalt  }
0x5a: {  	_ =	shalt  }
0x5b: {  	_ =	shalt  }
0x5c: {  	_ =	shalt  }
0x5d: {  	_ =	shalt  }
0x5e: {  	_ =	shalt  }
0x5f: {  	_ =	shalt  }
0x60: {  	_ =	shalt  }
0x61: {  	_ =	shalt  }
0x62: {  	_ =	shalt  }
0x63: {  	_ =	shalt  }
0x64: {  	_ =	shalt  }
0x65: {  	_ =	shalt  }
0x66: {  	_ =	shalt  }
0x67: {  	_ =	shalt  }
0x68: {  	_ =	shalt  }
0x69: {  	_ =	shalt  }
0x6a: {  	_ =	shalt  }
0x6b: {  	_ =	shalt  }
0x6c: {  	_ =	shalt  }
0x6d: {  	_ =	shalt  }
0x6e: {  	_ =	shalt  }
0x6f: {  	_ =	shalt  }
0x70: {  	_ =	shalt  }
0x71: {  	_ =	shalt  }
0x72: {  	_ =	shalt  }
0x73: {  	_ =	shalt  }
0x74: {  	_ =	shalt  }
0x75: {  	_ =	shalt  }
0x76: {  	_ =	shalt  }
0x77: {  	_ =	shalt  }
0x78: {  	_ =	shalt  }
0x79: {  	_ =	shalt  }
0x7a: {  	_ =	shalt  }
0x7b: {  	_ =	shalt  }
0x7c: {  	_ =	shalt  }
0x7d: {  	_ =	shalt  }
0x7e: {  	_ =	shalt  }
0x7f: {  	_ =	shalt  }
0x80: {  	_ =	shalt  }
0x81: {  	_ =	shalt  }
0x82: {  	_ =	shalt  }
0x83: {  	_ =	shalt  }
0x84: {  	_ =	shalt  }
0x85: {  	_ =	shalt  }
0x86: {  	_ =	shalt  }
0x87: {  	_ =	shalt  }
.Lfunc_end0:
.L_simem_size_0:
called_computation.3_lowered:
.L_overlay_start_0:
0x88: {  	s2 =	sld [smem:$0x3FD9]  }
0x89: {  	s3 =	sld [smem:$0x3FFE];
	_ =	sdelay $0x1  }
0x8a: {  	s1 =	srdreg.scid  }
0x8b: {  	s0 =	sand.u32 $0x1, s1  }
0x8c: {  	s17 =	sshll.u32 s0, $0xA;
	s2 =	sadd.s32 s3, s2  }
0x8d: {  	s2 =	sadd.s32 s2, s17  }
0x8e: {  	[smem:$0x3FC4] =	sst s2  }
0x8f: {  	_ = 	snop  }
0x90: {  	s18 =	sld [smem:$0x3FD0];
	(tm) =	ssettm $0x1  }
0x91: {  	s19 =	sld [smem:$0x3FFB];
	_ =	sdelay $0x3  }
0x92: {  	_ =	strace s19  }
0x93: {  	s2 =	sld [smem:$0x3FFC];
	_ =	sdelay $0x3  }
0x94: {  	_ =	strace s2  }
0x95: {  	s2 =	sld [smem:$0x3FFD];
	_ =	sdelay $0x3  }
0x96: {  	_ =	strace s2  }
0x97: {  	_ =	strace $0x8FFFFFFF  }
0x98: {  	s20 =	sld [smem:$0x3FDB];
	_ =	sdelay $0x1  }
0x99: {  	s4 =	simm.s32 $_scs_section_size  }
0x9a: {  	s5 =	simm.s32 $_size__tile_overlayer_lowered;
	s6 =	simm.s32 $_tile_overlayer_lowered  }
0x9b: {  	s7 =	simm.s32 $0x1BFF;
	s21 =	sshll.u32 s6, $0x1;
	s4 =	sadd.s32 s4, s20  }
0x9c: {  	s22 =	simm.s32 $0x0;
	s5 =	sshll.u32 s5, $0x1;
	s6 =	sadd.s32 s21, s4  }
0x9d: {  	[timem:s22], [sflag:s7] =	dma.local [hbm:s6], s5  }
0x9e: {  	_ =	swait.ge [sflag:s7], s5  }
0x9f: {  	s5 =	ssub.s32 $0x0, s5;
	[sflag:s7] =	ssyncset.done $0x0  }
0xa0: {  	[sflag:s7] =	ssyncadd.s32 s5;
	_ =	sdelay $0x1  }
0xa1: {  	s23 =	simm.s32 $0x1B8B  }
0xa2: {  	_ =	swait.ge [sflag:s23], $0x1  }
0xa3: {  	[sflag:s23] =	ssyncset.done $0x0  }
0xa4: {  	[sflag:s23] =	ssyncadd.s32 $0xFFFFFFFF  }
0xa5: {  	s5 =	sld [smem:$0x0]  }
0xa6: {  	s6 =	sand.u32 $0xFFFFFFFE, s1  }
0xa7: {  	p0 =	sne.s32 s1, s6  }
0xa8: {  	s6 =	sshll.u32 @p0 s6, $0xE  }
0xa9: {  	s6 =	sadd.s32 @p0 $0x11B8D, s6;
	s7 =	sshll.u32 @p0 s5, $0x11  }
0xaa: {  	s6 =	sor.u32 @p0 s7, s6  }
0xab: {  	[sflag:s6] =	ssyncadd.remote.s32 @p0 $0x1;
	_ =	sdelay $0x1  }
0xac: {  	s6 =	simm.s32 @p0 $0x1B8D  }
0xad: {  	_ =	swait.eq @p0 [sflag:s6], $0x1  }
0xae: {  	[sflag:s6] =	ssyncadd.s32 @p0 $0xFFFFFFFF  }
0xaf: {  	s7 =	sshll.u32 @!p0 s1, $0xE  }
0xb0: {  	s7 =	sor.u32 @!p0 $0x4000, s7;
	s6 =	simm.s32 @!p0 $0x1B8D  }
0xb1: {  	s5 =	sshll.u32 @!p0 s5, $0x11;
	s7 =	sadd.s32 @!p0 $0x11B8D, s7;
	_ =	swait.eq @!p0 [sflag:s6], $0x1  }
0xb2: {  	s5 =	sor.u32 @!p0 s5, s7;
	[sflag:s6] =	ssyncadd.s32 @!p0 $0xFFFFFFFF  }
0xb3: {  	s25 =	simm.s32 $0x1B8E;
	s24 =	sld [smem:$0x3FFE];
	[sflag:s5] =	ssyncadd.remote.s32 @!p0 $0x1  }
0xb4: {  	s26 =	simm.s32 $execute0_lowered;
	[smem:$0x3FD2] =	sst s25  }
0xb5: {  	s6 =	sshll.u32 s26, $0x1;
	_ =	strace $0x8000004F;
	[dreg:$0x1] =	wrdreg $0xFFFFFFFF  }
0xb6: {  	s28 =	simm.s32 $_size_execute0_lowered;
	s4 =	sadd.s32 s4, s6;
	[dreg:$0x0] =	wrdreg $0x0  }
0xb7: {  	s6 =	sshll.u32 s28, $0x1;
	[dreg:$0x2] =	wrdreg s4  }
0xb8: {  	[dreg:$0x3] =	wrdreg s6  }
0xb9: {  	[dreg:$0x4] =	wrdreg $0xC0  }
0xba: {  	_ =	task [dreg:s22], $0x5FFFF  }
0xbb: {  	[dreg:$0x1] =	wrdreg $0xFFFFFFFF  }
0xbc: {  	[dreg:$0x0] =	wrdreg $0x60  }
0xbd: {  	[dreg:$0x2] =	wrdreg s18  }
0xbe: {  	[dreg:$0x3] =	wrdreg s24  }
0xbf: {  	[dreg:$0x4] =	wrdreg $0xC  }
0xc0: {  	_ =	task.clear_ibuf [dreg:s22], $0x5FFFF;
	_ =	strace $0x9000004F  }
0xc1: {  	s29 =	simm.s32 $0xC;
	_ =	strace $0x80000051  }
0xc2: {  	_ =	swait.ge [sflag:s29], $0x1  }
0xc3: {  	[sflag:s29] =	ssyncadd.s32 $0xFFFFFFFF  }
0xc4: {  	_ =	strace $0x90000051  }
0xc5: {  	_ =	sfence  }
0xc6: {  	s30 =	sld [smem:$0x0];
	_ =	sdelay $0x2  }
0xc7: {  	s31 =	sshll.u32 s1, $0xD;
	s1 =	sshrl.u32 s1, $0x2  }
0xc8: {  	s4 =	sand.u32 $0x4000, s31;
	s1 =	sadd.s32 s1, s30  }
0xc9: {  	s0 =	sor.u32 s4, s0;
	s1 =	sshll.u32 s1, $0x11  }
0xca: {  	s0 =	sor.u32 s1, s0  }
0xcb: {  	s0 =	sadd.s32 $0x8F2B, s0  }
0xcc: {  	[sflag:s0] =	ssyncadd.remote.s32 $0x1  }
0xcd: {  	_ =	sfence.sel $0xFFFF  }
0xce: {  	[dreg:$0x0] =	wrdreg $0xFFFFFFFF;
	(pc) =	sbr.abs _section_cstart, $3  }
0xcf: {  	[dreg:$0x1] =	wrdreg $0xFFFFFFFF  }
0xd0: {  	_ =	task.clear_ibuf [dreg:s22], $0x2FFFF;
	_ =	strace $0x9FFFFFFF  }
0xd1: {  	(tm) =	ssettm $0x7FFFFFFF  }
tec
execute0_lowered:
.L_overlay_start_1:
0x0: {  	(tag) =	ssettag $0x1  }
0x1: {  	s0 =	rddreg [dreg:$0x0]  }
0x2: {  	s1 =	rddreg [dreg:$0x1]  }
0x3: {  	s3 =	srdreg.scid;
	s2 =	simm.s32 $0x0;
	s5 =	stileid.u32  }
0x4: {  	s17 =	simm.s32 $0x1;
	s18 =	simm.s32 $0xC400;
	s19 =	simm.s32 $0x11800  }
0x5: {  	s20 =	simm.s32 $0x12400;
	s21 =	simm.s32 $0x13000;
	s22 =	simm.s32 $0x13C00  }
0x6: {  	s23 =	simm.s32 $0x14800;
	s11 =	simm.s32 $0x15000;
	s24 =	simm.s32 $0x15400  }
0x7: {  	s12 =	simm.s32 $0x15C00;
	s25 =	simm.s32 $0x16000;
	s13 =	simm.s32 $0x16800  }
0x8: {  	s26 =	simm.s32 $0x16C00;
	s14 =	simm.s32 $0x17400;
	s28 =	simm.s32 $0x17800  }
0x9: {  	s15 =	simm.s32 $0x18000;
	s29 =	simm.s32 $0x2;
	s16 =	simm.s32 $0x3  }
0xa: {  	s31 =	simm.s32 $0x0;
	s4 =	sand.u32 $0x1, s3;
	[smem:$0x7FF] =	sst s2  }
0xb: {  	s5 =	sshll.u32 s5, $0xB;
	s3 =	sadd.s32 $0x170400, s1;
	s6 =	sshll.u32 s4, $0xA  }
0xc: {  	s9 =	sadd.s32 $0x756000, s1;
	s4 =	ssub.s32 $0x2, s4;
	s5 =	sor.u32 s6, s5  }
0xd: {  	_ =	strace $0x80000050;
	s7 =	sshrl.u32 s4, $0x1;
	s6 =	sshrl.u32 s5, $0x3  }
0xe: {  	s5 =	sor.u32 $0x80, s5;
	s4 =	ssub.s32 s4, s7;
	s8 =	smul.u32 $0x180, s6  }
.Ltmp0:
0xf: {  	s5 =	sshrl.u32 s5, $0x3;
	s0 =	sadd.s32 s0, s6;
	(pc) =	sbr.rel .LBB2_1-.Ltmp0, $4  }
0x10: {  	s30 =	smax.u32 s4, $0x1;
	s4 =	simm.s32 $0x12C00;
	s6 =	simm.s32 $0x13800  }
0x11: {  	v2 =	vlaneseq.u32;
	s10 =	smul.u32 $0x180, s5;
	[dreg:$0x3] =	wrdreg s0;
	s5 =	sadd.s32 $0x170500, s1  }
0x12: {  	vm0 =	vmmov $0xffff;
	vm1 =	vmmov $0xff;
	v1 =	vshrl.u32 v2, $0x3;
	[dreg:$0x4] =	wrdreg s30;
	s1 =	simm.s32 $0x12000;
	s7 =	sadd.s32 s8, s9  }
0x13: {  	v0 =	vand.u32 $0x7, v2;
	v2 =	vor.u32 $0x8, v2;
	v1 =	vmul.u32 $0x8, v1;
	s8 =	sadd.s32 s10, s9;
	s10 =	simm.s32 $0x400;
	s9 =	simm.s32 $0x14400  }
.LBB2_4:
0x14: {  	s30 =	simm.s32 $0x4  }
0x15: {  	_ =	swait.ge [sflag:s30], $0xC000  }
0x16: {  	s31 =	rddreg [dreg:$0x5]  }
0x17: {  	s0 =	rddreg [dreg:$0x4];
	s31 =	sadd.s32 $0x1, s31  }
0x18: {  	p0 =	sne.s32 s31, s0  }
.Ltmp1:
0x19: {  	_ = 	snop;
	(pc) =	sbr.rel @!p0 .LBB2_5-.Ltmp1, $3  }
0x1a: {  	_ =	sdelay $0x1  }
0x1b: {  	[sflag:s30] =	ssyncset.done $0x0  }
0x1c: {  	[sflag:s30] =	ssyncadd.s32 $0xFFFF4000  }
.LBB2_1:
0x1d: {  	s0 =	rddreg [dreg:$0x3]  }
0x1e: {  	[tilespmem:s2], [sflag:$0x5] =	stream.linear.gather [hbm4b:s0+s2], $0x400, $0x38;
	[tilespmem:$0x18400] =	vst v63  }
0x1f: {  	[dreg:$0x5] =	wrdreg s31;
	s0 =	simm.s32 $0x5  }
0x20: {  	_ =	swait.ge [sflag:s0], $0x400  }
0x21: {  	[sflag:s0] =	ssyncset.done $0x0  }
0x22: {  	[sflag:s0] =	ssyncadd.s32 $0xFFFFFC00  }
0x23: {  	v3 =	vld [tilespmem:$0x0];
	_ =	sdelay $0x4  }
0x24: {  	v4 =	vshrl.u32 v3, $0x3  }
0x25: {  	v4 =	vmul.u32 $0x18, v4  }
0x26: {  	v3 =	vand.u32 $0x7, v3  }
0x27: {  	v3 =	vor.u32 v3, v4  }
0x28: {  	v4 =	vperm.xlane v3, v0;
	_ =	sdelay $0x1  }
0x29: {  	v4 =	vadd.s32 v1, v4;
	_ =	sdelay $0x1  }
0x2a: {  	v3 =	vperm.xlane v3, v2;
	_ =	sdelay $0x1  }
0x2b: {  	v3 =	vadd.s32 v1, v3  }
0x2c: {  	[tilespmem:s10], [sflag:$0x1] =	stream.indirect_vreg.gather [hbm4b:s3+s2], $0x80, v4, vm0, $0xb8;
	[tilespmem:$0x18400] =	vst v63  }
0x2d: {  	s0 =	simm.s32 $0xC00  }
0x2e: {  	[tilespmem:s0], [sflag:$0x1] =	stream.indirect_vreg.gather [hbm4b:s5+s2], $0x80, v4, vm1, $0xb8;
	[tilespmem:$0x18400] =	vst v63  }
0x2f: {  	s0 =	simm.s32 $0x1000  }
0x30: {  	[tilespmem:s0], [sflag:$0x1] =	stream.indirect_vreg.gather [hbm4b:s3+s2], $0x80, v3, vm0, $0xb8;
	[tilespmem:$0x18400] =	vst v63  }
0x31: {  	s0 =	simm.s32 $0x1800  }
0x32: {  	[tilespmem:s0], [sflag:$0x1] =	stream.indirect_vreg.gather [hbm4b:s5+s2], $0x80, v3, vm1, $0xb8;
	[tilespmem:$0x18400] =	vst v63  }
0x33: {  	v3 =	vld [tilespmem:$0x10];
	_ =	sdelay $0x4  }
0x34: {  	v57 =	vshrl.u32 v3, $0x3  }
0x35: {  	v4 =	vmul.u32 $0x18, v57  }
0x36: {  	v3 =	vand.u32 $0x7, v3  }
0x37: {  	v3 =	vor.u32 v3, v4  }
0x38: {  	v4 =	vperm.xlane v3, v0;
	_ =	sdelay $0x1  }
0x39: {  	v4 =	vadd.s32 v1, v4;
	_ =	sdelay $0x1  }
0x3a: {  	v3 =	vperm.xlane v3, v2;
	_ =	sdelay $0x1  }
0x3b: {  	s0 =	simm.s32 $0x1C00;
	v3 =	vadd.s32 v1, v3  }
0x3c: {  	[tilespmem:s0], [sflag:$0x1] =	stream.indirect_vreg.gather [hbm4b:s3+s2], $0x80, v4, vm0, $0xb8;
	[tilespmem:$0x18400] =	vst v63  }
0x3d: {  	s0 =	simm.s32 $0x2400  }
0x3e: {  	[tilespmem:s0], [sflag:$0x1] =	stream.indirect_vreg.gather [hbm4b:s5+s2], $0x80, v4, vm1, $0xb8;
	[tilespmem:$0x18400] =	vst v63  }
0x3f: {  	s0 =	simm.s32 $0x2800  }
0x40: {  	[tilespmem:s0], [sflag:$0x1] =	stream.indirect_vreg.gather [hbm4b:s3+s2], $0x80, v3, vm0, $0xb8;
	[tilespmem:$0x18400] =	vst v63  }
0x41: {  	s0 =	simm.s32 $0x3000  }
0x42: {  	[tilespmem:s0], [sflag:$0x1] =	stream.indirect_vreg.gather [hbm4b:s5+s2], $0x80, v3, vm1, $0xb8;
	[tilespmem:$0x18400] =	vst v63  }
0x43: {  	v3 =	vld [tilespmem:$0x20];
	_ =	sdelay $0x4  }
0x44: {  	v58 =	vshrl.u32 v3, $0x3  }
0x45: {  	v4 =	vmul.u32 $0x18, v58  }
0x46: {  	v3 =	vand.u32 $0x7, v3  }
0x47: {  	v3 =	vor.u32 v3, v4  }
0x48: {  	v4 =	vperm.xlane v3, v0;
	_ =	sdelay $0x1  }
0x49: {  	v4 =	vadd.s32 v1, v4;
	_ =	sdelay $0x1  }
0x4a: {  	v3 =	vperm.xlane v3, v2;
	_ =	sdelay $0x1  }
0x4b: {  	s0 =	simm.s32 $0x3400;
	v3 =	vadd.s32 v1, v3  }
0x4c: {  	[tilespmem:s0], [sflag:$0x1] =	stream.indirect_vreg.gather [hbm4b:s3+s2], $0x80, v4, vm0, $0xb8;
	[tilespmem:$0x18400] =	vst v63  }
0x4d: {  	s0 =	simm.s32 $0x3C00  }
0x4e: {  	[tilespmem:s0], [sflag:$0x1] =	stream.indirect_vreg.gather [hbm4b:s5+s2], $0x80, v4, vm1, $0xb8;
	[tilespmem:$0x18400] =	vst v63  }
0x4f: {  	s0 =	simm.s32 $0x4000  }
0x50: {  	[tilespmem:s0], [sflag:$0x1] =	stream.indirect_vreg.gather [hbm4b:s3+s2], $0x80, v3, vm0, $0xb8;
	[tilespmem:$0x18400] =	vst v63  }
0x51: {  	s0 =	simm.s32 $0x4800  }
0x52: {  	[tilespmem:s0], [sflag:$0x1] =	stream.indirect_vreg.gather [hbm4b:s5+s2], $0x80, v3, vm1, $0xb8;
	[tilespmem:$0x18400] =	vst v63  }
0x53: {  	v3 =	vld [tilespmem:$0x30];
	_ =	sdelay $0x4  }
0x54: {  	v59 =	vshrl.u32 v3, $0x3  }
0x55: {  	v4 =	vmul.u32 $0x18, v59  }
0x56: {  	v3 =	vand.u32 $0x7, v3  }
0x57: {  	v3 =	vor.u32 v3, v4  }
0x58: {  	v4 =	vperm.xlane v3, v0;
	_ =	sdelay $0x1  }
0x59: {  	v4 =	vadd.s32 v1, v4;
	_ =	sdelay $0x1  }
0x5a: {  	v3 =	vperm.xlane v3, v2;
	_ =	sdelay $0x1  }
0x5b: {  	s0 =	simm.s32 $0x4C00;
	v3 =	vadd.s32 v1, v3  }
0x5c: {  	[tilespmem:s0], [sflag:$0x1] =	stream.indirect_vreg.gather [hbm4b:s3+s2], $0x80, v4, vm0, $0xb8;
	[tilespmem:$0x18400] =	vst v63  }
0x5d: {  	s0 =	simm.s32 $0x5400  }
0x5e: {  	[tilespmem:s0], [sflag:$0x1] =	stream.indirect_vreg.gather [hbm4b:s5+s2], $0x80, v4, vm1, $0xb8;
	[tilespmem:$0x18400] =	vst v63  }
0x5f: {  	s0 =	simm.s32 $0x5800  }
0x60: {  	[tilespmem:s0], [sflag:$0x1] =	stream.indirect_vreg.gather [hbm4b:s3+s2], $0x80, v3, vm0, $0xb8;
	[tilespmem:$0x18400] =	vst v63  }
0x61: {  	s0 =	simm.s32 $0x6000  }
0x62: {  	[tilespmem:s0], [sflag:$0x1] =	stream.indirect_vreg.gather [hbm4b:s5+s2], $0x80, v3, vm1, $0xb8;
	[tilespmem:$0x18400] =	vst v63  }
0x63: {  	v3 =	vld [tilespmem:$0x40];
	_ =	sdelay $0x4  }
0x64: {  	v60 =	vshrl.u32 v3, $0x3  }
0x65: {  	v4 =	vmul.u32 $0x18, v60  }
0x66: {  	v3 =	vand.u32 $0x7, v3  }
0x67: {  	v3 =	vor.u32 v3, v4  }
0x68: {  	v4 =	vperm.xlane v3, v0;
	_ =	sdelay $0x1  }
0x69: {  	v4 =	vadd.s32 v1, v4;
	_ =	sdelay $0x1  }
0x6a: {  	v3 =	vperm.xlane v3, v2;
	_ =	sdelay $0x1  }
0x6b: {  	s0 =	simm.s32 $0x6400;
	v3 =	vadd.s32 v1, v3  }
0x6c: {  	[tilespmem:s0], [sflag:$0x1] =	stream.indirect_vreg.gather [hbm4b:s3+s2], $0x80, v4, vm0, $0xb8;
	[tilespmem:$0x18400] =	vst v63  }
0x6d: {  	s0 =	simm.s32 $0x6C00  }
0x6e: {  	[tilespmem:s0], [sflag:$0x1] =	stream.indirect_vreg.gather [hbm4b:s5+s2], $0x80, v4, vm1, $0xb8;
	[tilespmem:$0x18400] =	vst v63  }
0x6f: {  	s0 =	simm.s32 $0x7000  }
0x70: {  	[tilespmem:s0], [sflag:$0x1] =	stream.indirect_vreg.gather [hbm4b:s3+s2], $0x80, v3, vm0, $0xb8;
	[tilespmem:$0x18400] =	vst v63  }
0x71: {  	s0 =	simm.s32 $0x7800  }
0x72: {  	[tilespmem:s0], [sflag:$0x1] =	stream.indirect_vreg.gather [hbm4b:s5+s2], $0x80, v3, vm1, $0xb8;
	[tilespmem:$0x18400] =	vst v63  }
0x73: {  	v3 =	vld [tilespmem:$0x50];
	_ =	sdelay $0x4  }
0x74: {  	v61 =	vshrl.u32 v3, $0x3  }
0x75: {  	v4 =	vmul.u32 $0x18, v61  }
0x76: {  	v3 =	vand.u32 $0x7, v3  }
0x77: {  	v3 =	vor.u32 v3, v4  }
0x78: {  	v4 =	vperm.xlane v3, v0;
	_ =	sdelay $0x1  }
0x79: {  	v4 =	vadd.s32 v1, v4;
	_ =	sdelay $0x1  }
0x7a: {  	v3 =	vperm.xlane v3, v2;
	_ =	sdelay $0x1  }
0x7b: {  	s0 =	simm.s32 $0x7C00;
	v3 =	vadd.s32 v1, v3  }
0x7c: {  	[tilespmem:s0], [sflag:$0x1] =	stream.indirect_vreg.gather [hbm4b:s3+s2], $0x80, v4, vm0, $0xb8;
	[tilespmem:$0x18400] =	vst v63  }
0x7d: {  	s0 =	simm.s32 $0x8400  }
0x7e: {  	[tilespmem:s0], [sflag:$0x1] =	stream.indirect_vreg.gather [hbm4b:s5+s2], $0x80, v4, vm1, $0xb8;
	[tilespmem:$0x18400] =	vst v63  }
0x7f: {  	s0 =	simm.s32 $0x8800  }
0x80: {  	[tilespmem:s0], [sflag:$0x1] =	stream.indirect_vreg.gather [hbm4b:s3+s2], $0x80, v3, vm0, $0xb8;
	[tilespmem:$0x18400] =	vst v63  }
0x81: {  	s0 =	simm.s32 $0x9000  }
0x82: {  	[tilespmem:s0], [sflag:$0x1] =	stream.indirect_vreg.gather [hbm4b:s5+s2], $0x80, v3, vm1, $0xb8;
	[tilespmem:$0x18400] =	vst v63  }
0x83: {  	v3 =	vld [tilespmem:$0x60];
	_ =	sdelay $0x4  }
0x84: {  	v62 =	vshrl.u32 v3, $0x3  }
0x85: {  	v4 =	vmul.u32 $0x18, v62  }
0x86: {  	v3 =	vand.u32 $0x7, v3  }
0x87: {  	v3 =	vor.u32 v3, v4  }
0x88: {  	v4 =	vperm.xlane v3, v0;
	_ =	sdelay $0x1  }
0x89: {  	v4 =	vadd.s32 v1, v4;
	_ =	sdelay $0x1  }
0x8a: {  	v3 =	vperm.xlane v3, v2;
	_ =	sdelay $0x1  }
0x8b: {  	s0 =	simm.s32 $0x9400;
	v3 =	vadd.s32 v1, v3  }
0x8c: {  	[tilespmem:s0], [sflag:$0x1] =	stream.indirect_vreg.gather [hbm4b:s3+s2], $0x80, v4, vm0, $0xb8;
	[tilespmem:$0x18400] =	vst v63  }
0x8d: {  	s0 =	simm.s32 $0x9C00  }
0x8e: {  	[tilespmem:s0], [sflag:$0x1] =	stream.indirect_vreg.gather [hbm4b:s5+s2], $0x80, v4, vm1, $0xb8;
	[tilespmem:$0x18400] =	vst v63  }
0x8f: {  	s0 =	simm.s32 $0xA000  }
0x90: {  	[tilespmem:s0], [sflag:$0x1] =	stream.indirect_vreg.gather [hbm4b:s3+s2], $0x80, v3, vm0, $0xb8;
	[tilespmem:$0x18400] =	vst v63  }
0x91: {  	s0 =	simm.s32 $0xA800  }
0x92: {  	[tilespmem:s0], [sflag:$0x1] =	stream.indirect_vreg.gather [hbm4b:s5+s2], $0x80, v3, vm1, $0xb8;
	[tilespmem:$0x18400] =	vst v63  }
0x93: {  	v3 =	vld [tilespmem:$0x70];
	_ =	sdelay $0x4  }
0x94: {  	v63 =	vshrl.u32 v3, $0x3  }
0x95: {  	v4 =	vmul.u32 $0x18, v63  }
0x96: {  	v3 =	vand.u32 $0x7, v3  }
0x97: {  	v3 =	vor.u32 v3, v4  }
0x98: {  	v4 =	vperm.xlane v3, v0;
	_ =	sdelay $0x1  }
0x99: {  	v4 =	vadd.s32 v1, v4;
	_ =	sdelay $0x1  }
0x9a: {  	v3 =	vperm.xlane v3, v2;
	_ =	sdelay $0x1  }
0x9b: {  	s0 =	simm.s32 $0xAC00;
	v3 =	vadd.s32 v1, v3  }
0x9c: {  	[tilespmem:s0], [sflag:$0x1] =	stream.indirect_vreg.gather [hbm4b:s3+s2], $0x80, v4, vm0, $0xb8;
	[tilespmem:$0x18400] =	vst v63  }
0x9d: {  	s0 =	simm.s32 $0xB400  }
0x9e: {  	[tilespmem:s0], [sflag:$0x1] =	stream.indirect_vreg.gather [hbm4b:s5+s2], $0x80, v4, vm1, $0xb8;
	[tilespmem:$0x18400] =	vst v63  }
0x9f: {  	s0 =	simm.s32 $0xB800  }
0xa0: {  	[tilespmem:s0], [sflag:$0x1] =	stream.indirect_vreg.gather [hbm4b:s3+s2], $0x80, v3, vm0, $0xb8;
	[tilespmem:$0x18400] =	vst v63  }
0xa1: {  	s30 =	simm.s32 $0xC0;
	s31 =	simm.s32 $0x0;
	s0 =	simm.s32 $0xC000  }
0xa2: {  	[tilespmem:s0], [sflag:$0x1] =	stream.indirect_vreg.gather [hbm4b:s5+s2], $0x80, v3, vm1, $0xb8;
	[tilespmem:$0x18400] =	vst v63  }
.LBB2_2:
0xa3: {  	_ =	swait.ge [sflag:s17], $0xC000  }
0xa4: {  	[sflag:s17] =	ssyncset.done $0x0  }
0xa5: {  	s0 =	sadd.s32 s31, s7;
	p0 =	seq.s32 s31, $0x0;
	[sflag:s17] =	ssyncadd.s32 $0xFFFF4000  }
0xa6: {  	[hbm4b:s0+s2] =	stream.linear.scatter [tilespmem:s10], [sflag:$0x3], $0xC000, $0x38;
	[tilespmem:$0x18400] =	vst v63  }
0xa7: {  	s0 =	simm.s32 @!p0 $0x4  }
0xa8: {  	_ =	swait.ge @!p0 [sflag:s0], $0xC000  }
0xa9: {  	[sflag:s0] =	ssyncset.done @!p0 $0x0  }
0xaa: {  	[sflag:s0] =	ssyncadd.s32 @!p0 $0xFFFF4000  }
0xab: {  	v3 =	vld [tilespmem:s30+$0xFFFFFFC0];
	_ =	sdelay $0x4  }
0xac: {  	v4 =	vshrl.u32 v3, $0x3  }
0xad: {  	v4 =	vmul.u32 $0x18, v4  }
0xae: {  	v3 =	vand.u32 $0x7, v3  }
0xaf: {  	v3 =	vor.u32 v3, v4  }
0xb0: {  	v4 =	vperm.xlane v3, v0;
	_ =	sdelay $0x1  }
0xb1: {  	v4 =	vadd.s32 v1, v4;
	_ =	sdelay $0x1  }
0xb2: {  	v3 =	vperm.xlane v3, v2;
	_ =	sdelay $0x1  }
0xb3: {  	v3 =	vadd.s32 v1, v3  }
0xb4: {  	[tilespmem:s18], [sflag:$0x2] =	stream.indirect_vreg.gather [hbm4b:s3+s2], $0x80, v4, vm0, $0xb8;
	[tilespmem:$0x18400] =	vst v63  }
0xb5: {  	s0 =	simm.s32 $0xCC00  }
0xb6: {  	[tilespmem:s0], [sflag:$0x2] =	stream.indirect_vreg.gather [hbm4b:s5+s2], $0x80, v4, vm1, $0xb8;
	[tilespmem:$0x18400] =	vst v63  }
0xb7: {  	s0 =	simm.s32 $0xD000  }
0xb8: {  	[tilespmem:s0], [sflag:$0x2] =	stream.indirect_vreg.gather [hbm4b:s3+s2], $0x80, v3, vm0, $0xb8;
	[tilespmem:$0x18400] =	vst v63  }
0xb9: {  	s0 =	simm.s32 $0xD800  }
0xba: {  	[tilespmem:s0], [sflag:$0x2] =	stream.indirect_vreg.gather [hbm4b:s5+s2], $0x80, v3, vm1, $0xb8;
	[tilespmem:$0x18400] =	vst v63  }
0xbb: {  	v3 =	vld [tilespmem:s30+$0xFFFFFFD0];
	_ =	sdelay $0x4  }
0xbc: {  	v57 =	vshrl.u32 v3, $0x3  }
0xbd: {  	v4 =	vmul.u32 $0x18, v57  }
0xbe: {  	v3 =	vand.u32 $0x7, v3  }
0xbf: {  	v3 =	vor.u32 v3, v4  }
0xc0: {  	v4 =	vperm.xlane v3, v0;
	_ =	sdelay $0x1  }
0xc1: {  	v4 =	vadd.s32 v1, v4;
	_ =	sdelay $0x1  }
0xc2: {  	v3 =	vperm.xlane v3, v2;
	_ =	sdelay $0x1  }
0xc3: {  	s0 =	simm.s32 $0xDC00;
	v3 =	vadd.s32 v1, v3  }
0xc4: {  	[tilespmem:s0], [sflag:$0x2] =	stream.indirect_vreg.gather [hbm4b:s3+s2], $0x80, v4, vm0, $0xb8;
	[tilespmem:$0x18400] =	vst v63  }
0xc5: {  	s0 =	simm.s32 $0xE400  }
0xc6: {  	[tilespmem:s0], [sflag:$0x2] =	stream.indirect_vreg.gather [hbm4b:s5+s2], $0x80, v4, vm1, $0xb8;
	[tilespmem:$0x18400] =	vst v63  }
0xc7: {  	s0 =	simm.s32 $0xE800  }
0xc8: {  	[tilespmem:s0], [sflag:$0x2] =	stream.indirect_vreg.gather [hbm4b:s3+s2], $0x80, v3, vm0, $0xb8;
	[tilespmem:$0x18400] =	vst v63  }
0xc9: {  	s0 =	simm.s32 $0xF000  }
0xca: {  	[tilespmem:s0], [sflag:$0x2] =	stream.indirect_vreg.gather [hbm4b:s5+s2], $0x80, v3, vm1, $0xb8;
	[tilespmem:$0x18400] =	vst v63  }
0xcb: {  	v3 =	vld [tilespmem:s30+$0xFFFFFFE0];
	_ =	sdelay $0x4  }
0xcc: {  	v58 =	vshrl.u32 v3, $0x3  }
0xcd: {  	v4 =	vmul.u32 $0x18, v58  }
0xce: {  	v3 =	vand.u32 $0x7, v3  }
0xcf: {  	v3 =	vor.u32 v3, v4  }
0xd0: {  	v4 =	vperm.xlane v3, v0;
	_ =	sdelay $0x1  }
0xd1: {  	v4 =	vadd.s32 v1, v4;
	_ =	sdelay $0x1  }
0xd2: {  	v3 =	vperm.xlane v3, v2;
	_ =	sdelay $0x1  }
0xd3: {  	s0 =	simm.s32 $0xF400;
	v3 =	vadd.s32 v1, v3  }
0xd4: {  	[tilespmem:s0], [sflag:$0x2] =	stream.indirect_vreg.gather [hbm4b:s3+s2], $0x80, v4, vm0, $0xb8;
	[tilespmem:$0x18400] =	vst v63  }
0xd5: {  	s0 =	simm.s32 $0xFC00  }
0xd6: {  	[tilespmem:s0], [sflag:$0x2] =	stream.indirect_vreg.gather [hbm4b:s5+s2], $0x80, v4, vm1, $0xb8;
	[tilespmem:$0x18400] =	vst v63  }
0xd7: {  	s0 =	simm.s32 $0x10000  }
0xd8: {  	[tilespmem:s0], [sflag:$0x2] =	stream.indirect_vreg.gather [hbm4b:s3+s2], $0x80, v3, vm0, $0xb8;
	[tilespmem:$0x18400] =	vst v63  }
0xd9: {  	s0 =	simm.s32 $0x10800  }
0xda: {  	[tilespmem:s0], [sflag:$0x2] =	stream.indirect_vreg.gather [hbm4b:s5+s2], $0x80, v3, vm1, $0xb8;
	[tilespmem:$0x18400] =	vst v63  }
0xdb: {  	v3 =	vld [tilespmem:s30+$0xFFFFFFF0];
	_ =	sdelay $0x4  }
0xdc: {  	v59 =	vshrl.u32 v3, $0x3  }
0xdd: {  	v4 =	vmul.u32 $0x18, v59  }
0xde: {  	v3 =	vand.u32 $0x7, v3  }
0xdf: {  	v3 =	vor.u32 v3, v4  }
0xe0: {  	v4 =	vperm.xlane v3, v0;
	_ =	sdelay $0x1  }
0xe1: {  	v4 =	vadd.s32 v1, v4;
	_ =	sdelay $0x1  }
0xe2: {  	v3 =	vperm.xlane v3, v2;
	_ =	sdelay $0x1  }
0xe3: {  	s0 =	simm.s32 $0x10C00;
	v3 =	vadd.s32 v1, v3  }
0xe4: {  	[tilespmem:s0], [sflag:$0x2] =	stream.indirect_vreg.gather [hbm4b:s3+s2], $0x80, v4, vm0, $0xb8;
	[tilespmem:$0x18400] =	vst v63  }
0xe5: {  	s0 =	simm.s32 $0x11400  }
0xe6: {  	[tilespmem:s0], [sflag:$0x2] =	stream.indirect_vreg.gather [hbm4b:s5+s2], $0x80, v4, vm1, $0xb8;
	[tilespmem:$0x18400] =	vst v63  }
0xe7: {  	_ = 	snop  }
0xe8: {  	[tilespmem:s19], [sflag:$0x2] =	stream.indirect_vreg.gather [hbm4b:s3+s2], $0x80, v3, vm0, $0xb8;
	[tilespmem:$0x18400] =	vst v63  }
0xe9: {  	_ = 	snop  }
0xea: {  	[tilespmem:s1], [sflag:$0x2] =	stream.indirect_vreg.gather [hbm4b:s5+s2], $0x80, v3, vm1, $0xb8;
	[tilespmem:$0x18400] =	vst v63  }
0xeb: {  	v3 =	vld [tilespmem:s30+$0x0];
	_ =	sdelay $0x4  }
0xec: {  	v60 =	vshrl.u32 v3, $0x3  }
0xed: {  	v4 =	vmul.u32 $0x18, v60  }
0xee: {  	v3 =	vand.u32 $0x7, v3  }
0xef: {  	v3 =	vor.u32 v3, v4  }
0xf0: {  	v4 =	vperm.xlane v3, v0;
	_ =	sdelay $0x1  }
0xf1: {  	v4 =	vadd.s32 v1, v4;
	_ =	sdelay $0x1  }
0xf2: {  	v3 =	vperm.xlane v3, v2;
	_ =	sdelay $0x1  }
0xf3: {  	v3 =	vadd.s32 v1, v3  }
0xf4: {  	[tilespmem:s20], [sflag:$0x2] =	stream.indirect_vreg.gather [hbm4b:s3+s2], $0x80, v4, vm0, $0xb8;
	[tilespmem:$0x18400] =	vst v63  }
0xf5: {  	_ = 	snop  }
0xf6: {  	[tilespmem:s4], [sflag:$0x2] =	stream.indirect_vreg.gather [hbm4b:s5+s2], $0x80, v4, vm1, $0xb8;
	[tilespmem:$0x18400] =	vst v63  }
0xf7: {  	_ = 	snop  }
0xf8: {  	[tilespmem:s21], [sflag:$0x2] =	stream.indirect_vreg.gather [hbm4b:s3+s2], $0x80, v3, vm0, $0xb8;
	[tilespmem:$0x18400] =	vst v63  }
0xf9: {  	_ = 	snop  }
0xfa: {  	[tilespmem:s6], [sflag:$0x2] =	stream.indirect_vreg.gather [hbm4b:s5+s2], $0x80, v3, vm1, $0xb8;
	[tilespmem:$0x18400] =	vst v63  }
0xfb: {  	v3 =	vld [tilespmem:s30+$0x10];
	_ =	sdelay $0x4  }
0xfc: {  	v61 =	vshrl.u32 v3, $0x3  }
0xfd: {  	v4 =	vmul.u32 $0x18, v61  }
0xfe: {  	v3 =	vand.u32 $0x7, v3  }
0xff: {  	v3 =	vor.u32 v3, v4  }
0x100: {  	v4 =	vperm.xlane v3, v0;
	_ =	sdelay $0x1  }
0x101: {  	v4 =	vadd.s32 v1, v4;
	_ =	sdelay $0x1  }
0x102: {  	v3 =	vperm.xlane v3, v2;
	_ =	sdelay $0x1  }
0x103: {  	v3 =	vadd.s32 v1, v3  }
0x104: {  	[tilespmem:s22], [sflag:$0x2] =	stream.indirect_vreg.gather [hbm4b:s3+s2], $0x80, v4, vm0, $0xb8;
	[tilespmem:$0x18400] =	vst v63  }
0x105: {  	_ = 	snop  }
0x106: {  	[tilespmem:s9], [sflag:$0x2] =	stream.indirect_vreg.gather [hbm4b:s5+s2], $0x80, v4, vm1, $0xb8;
	[tilespmem:$0x18400] =	vst v63  }
0x107: {  	_ = 	snop  }
0x108: {  	[tilespmem:s23], [sflag:$0x2] =	stream.indirect_vreg.gather [hbm4b:s3+s2], $0x80, v3, vm0, $0xb8;
	[tilespmem:$0x18400] =	vst v63  }
0x109: {  	_ = 	snop  }
0x10a: {  	[tilespmem:s11], [sflag:$0x2] =	stream.indirect_vreg.gather [hbm4b:s5+s2], $0x80, v3, vm1, $0xb8;
	[tilespmem:$0x18400] =	vst v63  }
0x10b: {  	v3 =	vld [tilespmem:s30+$0x20];
	_ =	sdelay $0x4  }
0x10c: {  	v62 =	vshrl.u32 v3, $0x3  }
0x10d: {  	v4 =	vmul.u32 $0x18, v62  }
0x10e: {  	v3 =	vand.u32 $0x7, v3  }
0x10f: {  	v3 =	vor.u32 v3, v4  }
0x110: {  	v4 =	vperm.xlane v3, v0;
	_ =	sdelay $0x1  }
0x111: {  	v4 =	vadd.s32 v1, v4;
	_ =	sdelay $0x1  }
0x112: {  	v3 =	vperm.xlane v3, v2;
	_ =	sdelay $0x1  }
0x113: {  	v3 =	vadd.s32 v1, v3  }
0x114: {  	[tilespmem:s24], [sflag:$0x2] =	stream.indirect_vreg.gather [hbm4b:s3+s2], $0x80, v4, vm0, $0xb8;
	[tilespmem:$0x18400] =	vst v63  }
0x115: {  	_ = 	snop  }
0x116: {  	[tilespmem:s12], [sflag:$0x2] =	stream.indirect_vreg.gather [hbm4b:s5+s2], $0x80, v4, vm1, $0xb8;
	[tilespmem:$0x18400] =	vst v63  }
0x117: {  	_ = 	snop  }
0x118: {  	[tilespmem:s25], [sflag:$0x2] =	stream.indirect_vreg.gather [hbm4b:s3+s2], $0x80, v3, vm0, $0xb8;
	[tilespmem:$0x18400] =	vst v63  }
0x119: {  	_ = 	snop  }
0x11a: {  	[tilespmem:s13], [sflag:$0x2] =	stream.indirect_vreg.gather [hbm4b:s5+s2], $0x80, v3, vm1, $0xb8;
	[tilespmem:$0x18400] =	vst v63  }
0x11b: {  	v3 =	vld [tilespmem:s30+$0x30];
	_ =	sdelay $0x4  }
0x11c: {  	v63 =	vshrl.u32 v3, $0x3  }
0x11d: {  	v4 =	vmul.u32 $0x18, v63  }
0x11e: {  	v3 =	vand.u32 $0x7, v3  }
0x11f: {  	v3 =	vor.u32 v3, v4  }
0x120: {  	v4 =	vperm.xlane v3, v0;
	_ =	sdelay $0x1  }
0x121: {  	v4 =	vadd.s32 v1, v4;
	_ =	sdelay $0x1  }
0x122: {  	v3 =	vperm.xlane v3, v2;
	_ =	sdelay $0x1  }
0x123: {  	v3 =	vadd.s32 v1, v3  }
0x124: {  	[tilespmem:s26], [sflag:$0x2] =	stream.indirect_vreg.gather [hbm4b:s3+s2], $0x80, v4, vm0, $0xb8;
	[tilespmem:$0x18400] =	vst v63  }
0x125: {  	_ = 	snop  }
0x126: {  	[tilespmem:s14], [sflag:$0x2] =	stream.indirect_vreg.gather [hbm4b:s5+s2], $0x80, v4, vm1, $0xb8;
	[tilespmem:$0x18400] =	vst v63  }
0x127: {  	_ = 	snop  }
0x128: {  	[tilespmem:s28], [sflag:$0x2] =	stream.indirect_vreg.gather [hbm4b:s3+s2], $0x80, v3, vm0, $0xb8;
	[tilespmem:$0x18400] =	vst v63  }
0x129: {  	_ = 	snop  }
0x12a: {  	[tilespmem:s15], [sflag:$0x2] =	stream.indirect_vreg.gather [hbm4b:s5+s2], $0x80, v3, vm1, $0xb8;
	[tilespmem:$0x18400] =	vst v63  }
0x12b: {  	_ =	swait.ge [sflag:s29], $0xC000  }
0x12c: {  	p0 =	seq.s32 s31, $0x9000;
	[sflag:s29] =	ssyncset.done $0x0  }
.Ltmp2:
0x12d: {  	s0 =	sadd.s32 s31, s8;
	[sflag:s29] =	ssyncadd.s32 $0xFFFF4000;
	(pc) =	sbr.rel @p0 .LBB2_4-.Ltmp2, $4  }
0x12e: {  	[hbm4b:s0+s2] =	stream.linear.scatter [tilespmem:s18], [sflag:$0x4], $0xC000, $0x38;
	[tilespmem:$0x18400] =	vst v63  }
0x12f: {  	_ =	swait.ge [sflag:s16], $0xC000  }
0x130: {  	[sflag:s16] =	ssyncset.done $0x0  }
0x131: {  	[sflag:s16] =	ssyncadd.s32 $0xFFFF4000  }
0x132: {  	v3 =	vld [tilespmem:s30+$0x40];
	_ =	sdelay $0x4  }
0x133: {  	v4 =	vshrl.u32 v3, $0x3  }
0x134: {  	v4 =	vmul.u32 $0x18, v4  }
0x135: {  	v3 =	vand.u32 $0x7, v3  }
0x136: {  	v3 =	vor.u32 v3, v4  }
0x137: {  	v4 =	vperm.xlane v3, v0;
	_ =	sdelay $0x1  }
0x138: {  	v4 =	vadd.s32 v1, v4;
	_ =	sdelay $0x1  }
0x139: {  	v3 =	vperm.xlane v3, v2;
	_ =	sdelay $0x1  }
0x13a: {  	v3 =	vadd.s32 v1, v3  }
0x13b: {  	[tilespmem:s10], [sflag:$0x1] =	stream.indirect_vreg.gather [hbm4b:s3+s2], $0x80, v4, vm0, $0xb8;
	[tilespmem:$0x18400] =	vst v63  }
0x13c: {  	s0 =	simm.s32 $0xC00  }
0x13d: {  	[tilespmem:s0], [sflag:$0x1] =	stream.indirect_vreg.gather [hbm4b:s5+s2], $0x80, v4, vm1, $0xb8;
	[tilespmem:$0x18400] =	vst v63  }
0x13e: {  	s0 =	simm.s32 $0x1000  }
0x13f: {  	[tilespmem:s0], [sflag:$0x1] =	stream.indirect_vreg.gather [hbm4b:s3+s2], $0x80, v3, vm0, $0xb8;
	[tilespmem:$0x18400] =	vst v63  }
0x140: {  	s0 =	simm.s32 $0x1800  }
0x141: {  	[tilespmem:s0], [sflag:$0x1] =	stream.indirect_vreg.gather [hbm4b:s5+s2], $0x80, v3, vm1, $0xb8;
	[tilespmem:$0x18400] =	vst v63  }
0x142: {  	v3 =	vld [tilespmem:s30+$0x50];
	_ =	sdelay $0x4  }
0x143: {  	v57 =	vshrl.u32 v3, $0x3  }
0x144: {  	v4 =	vmul.u32 $0x18, v57  }
0x145: {  	v3 =	vand.u32 $0x7, v3  }
0x146: {  	v3 =	vor.u32 v3, v4  }
0x147: {  	v4 =	vperm.xlane v3, v0;
	_ =	sdelay $0x1  }
0x148: {  	v4 =	vadd.s32 v1, v4;
	_ =	sdelay $0x1  }
0x149: {  	v3 =	vperm.xlane v3, v2;
	_ =	sdelay $0x1  }
0x14a: {  	s0 =	simm.s32 $0x1C00;
	v3 =	vadd.s32 v1, v3  }
0x14b: {  	[tilespmem:s0], [sflag:$0x1] =	stream.indirect_vreg.gather [hbm4b:s3+s2], $0x80, v4, vm0, $0xb8;
	[tilespmem:$0x18400] =	vst v63  }
0x14c: {  	s0 =	simm.s32 $0x2400  }
0x14d: {  	[tilespmem:s0], [sflag:$0x1] =	stream.indirect_vreg.gather [hbm4b:s5+s2], $0x80, v4, vm1, $0xb8;
	[tilespmem:$0x18400] =	vst v63  }
0x14e: {  	s0 =	simm.s32 $0x2800  }
0x14f: {  	[tilespmem:s0], [sflag:$0x1] =	stream.indirect_vreg.gather [hbm4b:s3+s2], $0x80, v3, vm0, $0xb8;
	[tilespmem:$0x18400] =	vst v63  }
0x150: {  	s0 =	simm.s32 $0x3000  }
0x151: {  	[tilespmem:s0], [sflag:$0x1] =	stream.indirect_vreg.gather [hbm4b:s5+s2], $0x80, v3, vm1, $0xb8;
	[tilespmem:$0x18400] =	vst v63  }
0x152: {  	v3 =	vld [tilespmem:s30+$0x60];
	_ =	sdelay $0x4  }
0x153: {  	v58 =	vshrl.u32 v3, $0x3  }
0x154: {  	v4 =	vmul.u32 $0x18, v58  }
0x155: {  	v3 =	vand.u32 $0x7, v3  }
0x156: {  	v3 =	vor.u32 v3, v4  }
0x157: {  	v4 =	vperm.xlane v3, v0;
	_ =	sdelay $0x1  }
0x158: {  	v4 =	vadd.s32 v1, v4;
	_ =	sdelay $0x1  }
0x159: {  	v3 =	vperm.xlane v3, v2;
	_ =	sdelay $0x1  }
0x15a: {  	s0 =	simm.s32 $0x3400;
	v3 =	vadd.s32 v1, v3  }
0x15b: {  	[tilespmem:s0], [sflag:$0x1] =	stream.indirect_vreg.gather [hbm4b:s3+s2], $0x80, v4, vm0, $0xb8;
	[tilespmem:$0x18400] =	vst v63  }
0x15c: {  	s0 =	simm.s32 $0x3C00  }
0x15d: {  	[tilespmem:s0], [sflag:$0x1] =	stream.indirect_vreg.gather [hbm4b:s5+s2], $0x80, v4, vm1, $0xb8;
	[tilespmem:$0x18400] =	vst v63  }
0x15e: {  	s0 =	simm.s32 $0x4000  }
0x15f: {  	[tilespmem:s0], [sflag:$0x1] =	stream.indirect_vreg.gather [hbm4b:s3+s2], $0x80, v3, vm0, $0xb8;
	[tilespmem:$0x18400] =	vst v63  }
0x160: {  	s0 =	simm.s32 $0x4800  }
0x161: {  	[tilespmem:s0], [sflag:$0x1] =	stream.indirect_vreg.gather [hbm4b:s5+s2], $0x80, v3, vm1, $0xb8;
	[tilespmem:$0x18400] =	vst v63  }
0x162: {  	v3 =	vld [tilespmem:s30+$0x70];
	_ =	sdelay $0x4  }
0x163: {  	v59 =	vshrl.u32 v3, $0x3  }
0x164: {  	v4 =	vmul.u32 $0x18, v59  }
0x165: {  	v3 =	vand.u32 $0x7, v3  }
0x166: {  	v3 =	vor.u32 v3, v4  }
0x167: {  	v4 =	vperm.xlane v3, v0;
	_ =	sdelay $0x1  }
0x168: {  	v4 =	vadd.s32 v1, v4;
	_ =	sdelay $0x1  }
0x169: {  	v3 =	vperm.xlane v3, v2;
	_ =	sdelay $0x1  }
0x16a: {  	s0 =	simm.s32 $0x4C00;
	v3 =	vadd.s32 v1, v3  }
0x16b: {  	[tilespmem:s0], [sflag:$0x1] =	stream.indirect_vreg.gather [hbm4b:s3+s2], $0x80, v4, vm0, $0xb8;
	[tilespmem:$0x18400] =	vst v63  }
0x16c: {  	s0 =	simm.s32 $0x5400  }
0x16d: {  	[tilespmem:s0], [sflag:$0x1] =	stream.indirect_vreg.gather [hbm4b:s5+s2], $0x80, v4, vm1, $0xb8;
	[tilespmem:$0x18400] =	vst v63  }
0x16e: {  	s0 =	simm.s32 $0x5800  }
0x16f: {  	[tilespmem:s0], [sflag:$0x1] =	stream.indirect_vreg.gather [hbm4b:s3+s2], $0x80, v3, vm0, $0xb8;
	[tilespmem:$0x18400] =	vst v63  }
0x170: {  	s0 =	simm.s32 $0x6000  }
0x171: {  	[tilespmem:s0], [sflag:$0x1] =	stream.indirect_vreg.gather [hbm4b:s5+s2], $0x80, v3, vm1, $0xb8;
	[tilespmem:$0x18400] =	vst v63  }
0x172: {  	v3 =	vld [tilespmem:s30+$0x80];
	_ =	sdelay $0x4  }
0x173: {  	v60 =	vshrl.u32 v3, $0x3  }
0x174: {  	v4 =	vmul.u32 $0x18, v60  }
0x175: {  	v3 =	vand.u32 $0x7, v3  }
0x176: {  	v3 =	vor.u32 v3, v4  }
0x177: {  	v4 =	vperm.xlane v3, v0;
	_ =	sdelay $0x1  }
0x178: {  	v4 =	vadd.s32 v1, v4;
	_ =	sdelay $0x1  }
0x179: {  	v3 =	vperm.xlane v3, v2;
	_ =	sdelay $0x1  }
0x17a: {  	s0 =	simm.s32 $0x6400;
	v3 =	vadd.s32 v1, v3  }
0x17b: {  	[tilespmem:s0], [sflag:$0x1] =	stream.indirect_vreg.gather [hbm4b:s3+s2], $0x80, v4, vm0, $0xb8;
	[tilespmem:$0x18400] =	vst v63  }
0x17c: {  	s0 =	simm.s32 $0x6C00  }
0x17d: {  	[tilespmem:s0], [sflag:$0x1] =	stream.indirect_vreg.gather [hbm4b:s5+s2], $0x80, v4, vm1, $0xb8;
	[tilespmem:$0x18400] =	vst v63  }
0x17e: {  	s0 =	simm.s32 $0x7000  }
0x17f: {  	[tilespmem:s0], [sflag:$0x1] =	stream.indirect_vreg.gather [hbm4b:s3+s2], $0x80, v3, vm0, $0xb8;
	[tilespmem:$0x18400] =	vst v63  }
0x180: {  	s0 =	simm.s32 $0x7800  }
0x181: {  	[tilespmem:s0], [sflag:$0x1] =	stream.indirect_vreg.gather [hbm4b:s5+s2], $0x80, v3, vm1, $0xb8;
	[tilespmem:$0x18400] =	vst v63  }
0x182: {  	v3 =	vld [tilespmem:s30+$0x90];
	_ =	sdelay $0x4  }
0x183: {  	v61 =	vshrl.u32 v3, $0x3  }
0x184: {  	v4 =	vmul.u32 $0x18, v61  }
0x185: {  	v3 =	vand.u32 $0x7, v3  }
0x186: {  	v3 =	vor.u32 v3, v4  }
0x187: {  	v4 =	vperm.xlane v3, v0;
	_ =	sdelay $0x1  }
0x188: {  	v4 =	vadd.s32 v1, v4;
	_ =	sdelay $0x1  }
0x189: {  	v3 =	vperm.xlane v3, v2;
	_ =	sdelay $0x1  }
0x18a: {  	s0 =	simm.s32 $0x7C00;
	v3 =	vadd.s32 v1, v3  }
0x18b: {  	[tilespmem:s0], [sflag:$0x1] =	stream.indirect_vreg.gather [hbm4b:s3+s2], $0x80, v4, vm0, $0xb8;
	[tilespmem:$0x18400] =	vst v63  }
0x18c: {  	s0 =	simm.s32 $0x8400  }
0x18d: {  	[tilespmem:s0], [sflag:$0x1] =	stream.indirect_vreg.gather [hbm4b:s5+s2], $0x80, v4, vm1, $0xb8;
	[tilespmem:$0x18400] =	vst v63  }
0x18e: {  	s0 =	simm.s32 $0x8800  }
0x18f: {  	[tilespmem:s0], [sflag:$0x1] =	stream.indirect_vreg.gather [hbm4b:s3+s2], $0x80, v3, vm0, $0xb8;
	[tilespmem:$0x18400] =	vst v63  }
0x190: {  	s0 =	simm.s32 $0x9000  }
0x191: {  	[tilespmem:s0], [sflag:$0x1] =	stream.indirect_vreg.gather [hbm4b:s5+s2], $0x80, v3, vm1, $0xb8;
	[tilespmem:$0x18400] =	vst v63  }
0x192: {  	v3 =	vld [tilespmem:s30+$0xA0];
	_ =	sdelay $0x4  }
0x193: {  	v62 =	vshrl.u32 v3, $0x3  }
0x194: {  	v4 =	vmul.u32 $0x18, v62  }
0x195: {  	v3 =	vand.u32 $0x7, v3  }
0x196: {  	v3 =	vor.u32 v3, v4  }
0x197: {  	v4 =	vperm.xlane v3, v0;
	_ =	sdelay $0x1  }
0x198: {  	v4 =	vadd.s32 v1, v4;
	_ =	sdelay $0x1  }
0x199: {  	v3 =	vperm.xlane v3, v2;
	_ =	sdelay $0x1  }
0x19a: {  	s0 =	simm.s32 $0x9400;
	v3 =	vadd.s32 v1, v3  }
0x19b: {  	[tilespmem:s0], [sflag:$0x1] =	stream.indirect_vreg.gather [hbm4b:s3+s2], $0x80, v4, vm0, $0xb8;
	[tilespmem:$0x18400] =	vst v63  }
0x19c: {  	s0 =	simm.s32 $0x9C00  }
0x19d: {  	[tilespmem:s0], [sflag:$0x1] =	stream.indirect_vreg.gather [hbm4b:s5+s2], $0x80, v4, vm1, $0xb8;
	[tilespmem:$0x18400] =	vst v63  }
0x19e: {  	s0 =	simm.s32 $0xA000  }
0x19f: {  	[tilespmem:s0], [sflag:$0x1] =	stream.indirect_vreg.gather [hbm4b:s3+s2], $0x80, v3, vm0, $0xb8;
	[tilespmem:$0x18400] =	vst v63  }
0x1a0: {  	s0 =	simm.s32 $0xA800  }
0x1a1: {  	[tilespmem:s0], [sflag:$0x1] =	stream.indirect_vreg.gather [hbm4b:s5+s2], $0x80, v3, vm1, $0xb8;
	[tilespmem:$0x18400] =	vst v63  }
0x1a2: {  	v3 =	vld [tilespmem:s30+$0xB0];
	_ =	sdelay $0x4  }
0x1a3: {  	v63 =	vshrl.u32 v3, $0x3  }
0x1a4: {  	v4 =	vmul.u32 $0x18, v63  }
0x1a5: {  	v3 =	vand.u32 $0x7, v3  }
0x1a6: {  	v3 =	vor.u32 v3, v4  }
0x1a7: {  	v4 =	vperm.xlane v3, v0;
	_ =	sdelay $0x1  }
0x1a8: {  	v4 =	vadd.s32 v1, v4;
	_ =	sdelay $0x2  }
0x1a9: {  	v3 =	vperm.xlane v3, v2  }
0x1aa: {  	s31 =	sadd.s32 $0x3000, s31;
	s0 =	simm.s32 $0xAC00  }
0x1ab: {  	v3 =	vadd.s32 v1, v3;
	[tilespmem:s0], [sflag:$0x1] =	stream.indirect_vreg.gather [hbm4b:s3+s2], $0x80, v4, vm0, $0xb8;
	[tilespmem:$0x18400] =	vst v63  }
0x1ac: {  	p0 =	sne.s32 s31, $0xC000;
	s0 =	simm.s32 $0xB400  }
0x1ad: {  	[tilespmem:s0], [sflag:$0x1] =	stream.indirect_vreg.gather [hbm4b:s5+s2], $0x80, v4, vm1, $0xb8;
	[tilespmem:$0x18400] =	vst v63  }
.Ltmp3:
0x1ae: {  	_ = 	snop;
	(pc) =	sbr.rel @p0 .LBB2_2-.Ltmp3, $4  }
.Ltmp4:
0x1af: {  	s0 =	simm.s32 $0xB800;
	(pc) =	sbr.rel @!p0 .LBB2_4-.Ltmp4, $4  }
0x1b0: {  	[tilespmem:s0], [sflag:$0x1] =	stream.indirect_vreg.gather [hbm4b:s3+s2], $0x80, v3, vm0, $0xb8;
	[tilespmem:$0x18400] =	vst v63  }
0x1b1: {  	s30 =	sadd.s32 $0x100, s30;
	s0 =	simm.s32 $0xC000  }
0x1b2: {  	[tilespmem:s0], [sflag:$0x1] =	stream.indirect_vreg.gather [hbm4b:s5+s2], $0x80, v3, vm1, $0xb8;
	[tilespmem:$0x18400] =	vst v63  }
0x1b3: {  	_ = 	snop  }
.LBB2_5:
0x1b4: {  	_ =	sfence.sel $0x180000  }
0x1b5: {  	[bflag:$0x0] =	sbarrier.arrive $0xFFFF  }
0x1b6: {  	_ =	strace $0x90000050  }
0x1b7: {  	s0 =	stileid.u32;
	[bflag:$0x2] =	sbarrier.arrive $0xFFFF  }
0x1b8: {  	p0 =	sne.s32 s0, $0x0;
	s0 =	rddreg [dreg:$0x2]  }
0x1b9: {  	s0 =	sadd.s32 @!p0 $0x100000, s0  }
0x1ba: {  	[sflag:s0] =	ssyncadd.tile.s32 @!p0 $0x1;
	_ =	shalt  }
.Lfunc_end2:
_tile_overlayer_lowered:
.L_overlay_start_2:
0x1bb: {  	(tag) =	ssettag $0x2  }
0x1bc: {  	s0 =	rddreg [dreg:$0x0];
	s2 =	stileid.u32  }
0x1bd: {  	s1 =	rddreg [dreg:$0x1];
	p0 =	sne.s32 s2, $0x0  }
0x1be: {  	s3 =	rddreg [dreg:$0x2];
	[bflag:$0x3] =	sbarrier.arrive $0xFFFF;
	s2 =	simm.s32 @!p0 $0x1C05  }
0x1bf: {  	[timem:s3], [sflag:s2] =	dma.local @!p0 [hbm:s0], s1  }
0x1c0: {  	s0 =	simm.s32 @!p0 $0x5  }
0x1c1: {  	_ =	swait.ge @!p0 [sflag:s0], s1  }
0x1c2: {  	s1 =	ssub.s32 @!p0 $0x0, s1;
	[sflag:s0] =	ssyncset.done @!p0 $0x0  }
0x1c3: {  	[sflag:s0] =	ssyncadd.s32 @!p0 s1  }
0x1c4: {  	[bflag:$0x3] =	sbarrier.arrive $0xFFFF  }
0x1c5: {  	_ =	shalt  }

</sc_bundles>
